<compile_context>
chip_gen: v7x
topology: tpu7x:2x2x1
jax: 0.10.2.dev20260603
libtpu: 0.0.44.dev20260713+nightly
codegen_flags: <defaults>
</compile_context>

<pallas_src>
import dataclasses
import functools

import jax
import jax.numpy as jnp
from jax import lax
from jax.experimental import pallas as pl
from jax.experimental.pallas import tpu as pltpu
from jax.experimental.pallas import tpu_sc as plsc

NC = 2
NS = 16
NW = NC * NS
CHUNK = 128


def _sc_compiler_params():
  cp = pltpu.CompilerParams()
  fields = pltpu.CompilerParams.__dataclass_fields__
  if "needs_layout_passes" in fields:
    cp = dataclasses.replace(cp, needs_layout_passes=False)
  if "use_tc_tiling_on_sc" in fields:
    cp = dataclasses.replace(cp, use_tc_tiling_on_sc=False)
  return cp


def _sc_deg(RP, NP):
  rows_per_tile = RP // NW
  nz = NP // NS
  mesh = plsc.VectorSubcoreMesh(core_axis_name="c", subcore_axis_name="s")

  @functools.partial(
      pl.kernel,
      out_type=jax.ShapeDtypeStruct((NC, NP), jnp.float32),
      mesh=mesh,
      scratch_types=[
          pltpu.VMEM((CHUNK,), jnp.int32),
          pltpu.VMEM((CHUNK,), jnp.float32),
          pltpu.VMEM((nz,), jnp.float32),
          pltpu.VMEM_SHARED((NP,), jnp.float32),
      ],
  )
  def k(dst_hbm, ew_hbm, out_hbm, dst_v, ew_v, zb_v, acc_sh):
    c = lax.axis_index("c")
    s = lax.axis_index("s")
    wid = c * NS + s
    row0 = wid * rows_per_tile

    @pl.loop(0, nz // 16)
    def _(i):
      zb_v[pl.ds(i * 16, 16)] = jnp.zeros((16,), jnp.float32)

    pltpu.sync_copy(zb_v, acc_sh.at[pl.ds(s * nz, nz)])
    plsc.subcore_barrier()

    @pl.loop(0, rows_per_tile)
    def _(t):
      r = row0 + t
      pltpu.sync_copy(dst_hbm.at[r], dst_v)
      pltpu.sync_copy(ew_hbm.at[r], ew_v)
      pltpu.sync_copy(ew_v, acc_sh.at[dst_v], add=True)

    plsc.subcore_barrier()
    pltpu.sync_copy(acc_sh.at[pl.ds(s * nz, nz)],
                    out_hbm.at[c, pl.ds(s * nz, nz)])

  return k


def _sc_msg_cols(RP, NP, HALF):
  rows_per_tile = RP // NS
  nz = NP // NS
  zr = 128
  mesh = plsc.VectorSubcoreMesh(core_axis_name="c", subcore_axis_name="s")

  @functools.partial(
      pl.kernel,
      out_type=jax.ShapeDtypeStruct((NC, NP, HALF), jnp.float32),
      mesh=mesh,
      scratch_types=[
          pltpu.VMEM((CHUNK,), jnp.int32),
          pltpu.VMEM((CHUNK,), jnp.int32),
          pltpu.VMEM((CHUNK,), jnp.float32),
          pltpu.VMEM((CHUNK, HALF), jnp.float32),
          pltpu.VMEM((CHUNK, HALF), jnp.float32),
          pltpu.VMEM((zr, HALF), jnp.float32),
          pltpu.VMEM_SHARED((NP, HALF), jnp.float32),
          pltpu.SemaphoreType.DMA,
      ],
      compiler_params=_sc_compiler_params(),
  )
  def k(g_hbm, src_hbm, dst_hbm, ew_hbm, out_hbm,
        src_v, dst_v, ew_v, rows_v, msg_v, zb_v, acc_sh, sem):
    c = lax.axis_index("c")
    s = lax.axis_index("s")
    row0 = s * rows_per_tile
    base = c * NP

    @pl.loop(0, zr)
    def _(i):
      for j in range(HALF // 16):
        zb_v[i, pl.ds(j * 16, 16)] = jnp.zeros((16,), jnp.float32)

    @pl.loop(0, nz // zr)
    def _(t):
      pltpu.sync_copy(zb_v, acc_sh.at[pl.ds(s * nz + t * zr, zr)])
    plsc.subcore_barrier()

    @pl.loop(0, rows_per_tile)
    def _(t):
      r = row0 + t
      pltpu.sync_copy(src_hbm.at[r], src_v)
      pltpu.sync_copy(dst_hbm.at[r], dst_v)
      pltpu.sync_copy(ew_hbm.at[r], ew_v)

      @pl.loop(0, CHUNK // 16)
      def _(g):
        sl = pl.ds(g * 16, 16)
        src_v[sl] = src_v[sl] + base

      pltpu.async_copy(g_hbm.at[src_v], rows_v, sem).wait()

      @pl.loop(0, CHUNK // 16)
      def _(g):
        e0 = g * 16
        for e in range(16):
          scale = plsc.load_gather(ew_v, [jnp.full((16,), e0 + e, jnp.int32)])
          for j in range(HALF // 16):
            sl = pl.ds(j * 16, 16)
            msg_v[e0 + e, sl] = rows_v[e0 + e, sl] * scale

      pltpu.sync_copy(msg_v, acc_sh.at[dst_v], add=True)

    plsc.subcore_barrier()
    pltpu.sync_copy(acc_sh.at[pl.ds(s * nz, nz)],
                    out_hbm.at[c, pl.ds(s * nz, nz)])

  return k


def _sc_msg(RP, NP, W):
  rows_per_tile = RP // NW
  nz = NP // NS
  zr = min(nz, 2048 * 16 // W)
  mesh = plsc.VectorSubcoreMesh(core_axis_name="c", subcore_axis_name="s")

  @functools.partial(
      pl.kernel,
      out_type=jax.ShapeDtypeStruct((NC, NP, W), jnp.float32),
      mesh=mesh,
      scratch_types=[
          pltpu.VMEM((CHUNK,), jnp.int32),
          pltpu.VMEM((CHUNK,), jnp.int32),
          pltpu.VMEM((CHUNK,), jnp.float32),
          pltpu.VMEM((CHUNK, W), jnp.float32),
          pltpu.VMEM((CHUNK, W), jnp.float32),
          pltpu.VMEM((zr, W), jnp.float32),
          pltpu.VMEM_SHARED((NP, W), jnp.float32),
          pltpu.SemaphoreType.DMA,
      ],
      compiler_params=_sc_compiler_params(),
  )
  def k(g_hbm, src_hbm, dst_hbm, ew_hbm, out_hbm,
        src_v, dst_v, ew_v, rows_v, msg_v, zb_v, acc_sh, sem):
    c = lax.axis_index("c")
    s = lax.axis_index("s")
    wid = c * NS + s
    row0 = wid * rows_per_tile

    @pl.loop(0, zr)
    def _(i):
      for j in range(W // 16):
        zb_v[i, pl.ds(j * 16, 16)] = jnp.zeros((16,), jnp.float32)

    @pl.loop(0, nz // zr)
    def _(t):
      pltpu.sync_copy(zb_v, acc_sh.at[pl.ds(s * nz + t * zr, zr)])
    plsc.subcore_barrier()

    @pl.loop(0, rows_per_tile)
    def _(t):
      r = row0 + t
      pltpu.sync_copy(src_hbm.at[r], src_v)
      pltpu.sync_copy(dst_hbm.at[r], dst_v)
      pltpu.sync_copy(ew_hbm.at[r], ew_v)
      pltpu.async_copy(g_hbm.at[src_v], rows_v, sem).wait()

      @pl.loop(0, CHUNK // 16)
      def _(g):
        e0 = g * 16
        for e in range(16):
          scale = plsc.load_gather(ew_v, [jnp.full((16,), e0 + e, jnp.int32)])
          for j in range(W // 16):
            sl = pl.ds(j * 16, 16)
            msg_v[e0 + e, sl] = rows_v[e0 + e, sl] * scale

      pltpu.sync_copy(msg_v, acc_sh.at[dst_v], add=True)

    plsc.subcore_barrier()
    pltpu.sync_copy(acc_sh.at[pl.ds(s * nz, nz)],
                    out_hbm.at[c, pl.ds(s * nz, nz)])

  return k


def _tc1(NP, D, H, RB=1024):
  HALF = H // NC

  def body(feat_ref, w_ref, degp_ref, g1h_ref, dinv_ref):
    deg = degp_ref[0] + degp_ref[1] + 1.0
    dv = lax.rsqrt(deg)
    h = jnp.dot(feat_ref[...], w_ref[...], preferred_element_type=jnp.float32)
    g = h * dv
    for c in range(NC):
      g1h_ref[c] = g[:, c * HALF:(c + 1) * HALF]
    dinv_ref[...] = dv

  return pl.pallas_call(
      body,
      grid=(NP // RB,),
      in_specs=[
          pl.BlockSpec((RB, D), lambda i: (i, 0)),
          pl.BlockSpec((D, H), lambda i: (0, 0)),
          pl.BlockSpec((NC, RB, 1), lambda i: (0, i, 0)),
      ],
      out_specs=[
          pl.BlockSpec((NC, RB, HALF), lambda i: (0, i, 0)),
          pl.BlockSpec((RB, 1), lambda i: (i, 0)),
      ],
      out_shape=[
          jax.ShapeDtypeStruct((NC, NP, HALF), jnp.float32),
          jax.ShapeDtypeStruct((NP, 1), jnp.float32),
      ],
  )


def _tc2(NP, H, C, RB=1024):
  HALF = H // NC

  def body(scat_ref, g1h_ref, dinv_ref, b1_ref, w2_ref, x1_ref, g2_ref):
    dv = dinv_ref[...]
    pre = []
    for c in range(NC):
      b1c = b1_ref[...][:, c * HALF:(c + 1) * HALF]
      pre.append((scat_ref[c] + g1h_ref[c]) * dv + b1c)
    x1 = jnp.maximum(jnp.concatenate(pre, axis=1), 0.0)
    x1_ref[...] = x1
    h2 = jnp.dot(x1, w2_ref[...], preferred_element_type=jnp.float32)
    g2_ref[...] = h2 * dv

  return pl.pallas_call(
      body,
      grid=(NP // RB,),
      in_specs=[
          pl.BlockSpec((NC, RB, HALF), lambda i: (0, i, 0)),
          pl.BlockSpec((NC, RB, HALF), lambda i: (0, i, 0)),
          pl.BlockSpec((RB, 1), lambda i: (i, 0)),
          pl.BlockSpec((1, H), lambda i: (0, 0)),
          pl.BlockSpec((H, C), lambda i: (0, 0)),
      ],
      out_specs=[
          pl.BlockSpec((RB, H), lambda i: (i, 0)),
          pl.BlockSpec((RB, C), lambda i: (i, 0)),
      ],
      out_shape=[
          jax.ShapeDtypeStruct((NP, H), jnp.float32),
          jax.ShapeDtypeStruct((NP, C), jnp.float32),
      ],
  )


def _tc3(NP, C, RB=1024):
  def body(scat_ref, g2_ref, dinv_ref, b2_ref, x2_ref):
    dv = dinv_ref[...]
    x2_ref[...] = (scat_ref[0] + scat_ref[1] + g2_ref[...]) * dv + b2_ref[...]

  return pl.pallas_call(
      body,
      grid=(NP // RB,),
      in_specs=[
          pl.BlockSpec((NC, RB, C), lambda i: (0, i, 0)),
          pl.BlockSpec((RB, C), lambda i: (i, 0)),
          pl.BlockSpec((RB, 1), lambda i: (i, 0)),
          pl.BlockSpec((1, C), lambda i: (0, 0)),
      ],
      out_specs=pl.BlockSpec((RB, C), lambda i: (i, 0)),
      out_shape=jax.ShapeDtypeStruct((NP, C), jnp.float32),
  )


def kernel(feature, adj, edge_weight, W1, b1, W2, b2):
  N, D = feature.shape
  H = W1.shape[1]
  C = W2.shape[1]
  E = edge_weight.shape[0]

  NP = ((N + 2047) // 2048) * 2048
  R = -(-E // CHUNK)
  RP = ((R + NW - 1) // NW) * NW
  EP = RP * CHUNK
  pad_e = EP - E

  src = adj[0].astype(jnp.int32)
  dst = adj[1].astype(jnp.int32)
  pad_dst = N + (jnp.arange(pad_e, dtype=jnp.int32) % (NP - N))
  src_p = jnp.concatenate([src, jnp.zeros((pad_e,), jnp.int32)]).reshape(RP, CHUNK)
  dst_p = jnp.concatenate([dst, pad_dst]).reshape(RP, CHUNK)
  ew_p = jnp.concatenate([edge_weight, jnp.zeros((pad_e,), jnp.float32)]
                         ).reshape(RP, CHUNK)
  feat_p = jnp.pad(feature, ((0, NP - N), (0, 0)))

  HALF = H // NC
  degp = _sc_deg(RP, NP)(dst_p, ew_p)
  g1h, dinv = _tc1(NP, D, H)(feat_p, W1, degp.reshape(NC, NP, 1))
  scat1 = _sc_msg_cols(RP, NP, HALF)(
      g1h.reshape(NC * NP, HALF), src_p, dst_p, ew_p)
  x1_p, g2 = _tc2(NP, H, C)(scat1, g1h, dinv, b1.reshape(1, H), W2)
  scat2 = _sc_msg(RP, NP, C)(g2, src_p, dst_p, ew_p)
  x2_p = _tc3(NP, C)(scat2, g2, dinv, b2.reshape(1, C))

  return (x1_p[:N], x2_p[:N])

# --- scband reference (transcript-rebuilt; emitter-appended) ---
"""Pipeline reference for scband-gcn-67542655697006 (READ-ONLY COPY).

The authoritative reference and input builder live on the scoring server;
editing this copy changes nothing except your own understanding.
"""

import jax, jax.numpy as jnp
import numpy as np

N = 10000
E = 320000
D = 128
H = 128
C = 16


def setup_inputs(seed: int = 0) -> dict:
    key = jax.random.key(seed)
    ks = jax.random.split(key, 8)
    feature = jax.random.normal(ks[0], (N, D), dtype=jnp.float32)
    adj = jax.random.randint(ks[1], (2, E), 0, N)
    edge_weight = jax.random.uniform(ks[2], (E,), dtype=jnp.float32)
    W1 = jax.random.normal(ks[3], (D, H), dtype=jnp.float32) * (1.0 / np.sqrt(D))
    b1 = jnp.zeros((H,), dtype=jnp.float32)
    W2 = jax.random.normal(ks[4], (H, C), dtype=jnp.float32) * (1.0 / np.sqrt(H))
    b2 = jnp.zeros((C,), dtype=jnp.float32)
    return {"feature": feature, "adj": adj, "edge_weight": edge_weight,
            "W1": W1, "b1": b1, "W2": W2, "b2": b2}


def _gcn_conv(x, src, dst, ew, W, b, n):
    # add self loops (PyG GCNConv default add_self_loops=True)
    loop = jnp.arange(n, dtype=src.dtype)
    src2 = jnp.concatenate([src, loop])
    dst2 = jnp.concatenate([dst, loop])
    ew2 = jnp.concatenate([ew, jnp.ones((n,), dtype=x.dtype)])
    # symmetric normalization: D^-1/2 A D^-1/2
    deg = jnp.zeros((n,), dtype=x.dtype).at[dst2].add(ew2)
    deg_safe = jnp.where(deg > 0, deg, 1.0)
    dinv = jnp.where(deg > 0, 1.0 / jnp.sqrt(deg_safe), 0.0)
    norm = dinv[src2] * ew2 * dinv[dst2]
    h = x @ W
    msg = h[src2] * norm[:, None]
    out = jnp.zeros((n, W.shape[1]), dtype=x.dtype).at[dst2].add(msg)
    return out + b


def reference(feature, adj, edge_weight, W1, b1, W2, b2):
    n = feature.shape[0]
    src, dst = adj[0], adj[1]
    x1 = jax.nn.relu(_gcn_conv(feature, src, dst, edge_weight, W1, b1, n))
    # dropout is identity in eval mode (training=False)
    x2 = _gcn_conv(x1, src, dst, edge_weight, W2, b2, n)
    return (x1, x2)

if __name__ == "__main__":
    import jax
    _d = setup_inputs()
    print(jax.jit(kernel)(*tuple(_d.values())))

</pallas_src>

<mosaic_0001>
#map = affine_map<(d0, d1) -> (0, 0)>
module attributes {stable_mosaic.version = 14 : i64} {
  func.func @k(%arg0: i32, %arg1: i32, %arg2: memref<2528x128xi32, #tpu.memory_space<hbm>>, %arg3: memref<2528x128xf32, #tpu.memory_space<hbm>>, %arg4: memref<2x10240xf32, #tpu.memory_space<hbm>>, %arg5: memref<128xi32, #tpu.memory_space<vmem>>, %arg6: memref<128xf32, #tpu.memory_space<vmem>>, %arg7: memref<640xf32, #tpu.memory_space<vmem>>, %arg8: memref<10240xf32, #tpu.memory_space<vmem_shared>>) attributes {dimension_semantics = [#tpu.dimension_semantics<core_parallel>, #tpu.dimension_semantics<subcore_parallel>], iteration_bounds = array<i64: 2, 16>, scalar_prefetch = 0 : i64, scratch_operands = 4 : i64, tpu.core_type = #tpu.core_type<sc_vector_subcore>, window_params = [{transform_indices = #map}, {transform_indices = #map}, {transform_indices = #map}]} {
    %mul3A = arith.constant 16 : i32
    %mul3A_0 = arith.muli %arg0, %mul3A : i32
    %add3A = arith.addi %mul3A_0, %arg1 : i32
    %mul3A_1 = arith.constant 79 : i32
    %mul3A_2 = arith.muli %add3A, %mul3A_1 : i32
    %scan3A = arith.constant 0 : i32
    %scan3A_3 = arith.constant 40 : i32
    %scan3A_4 = arith.addi %scan3A, %scan3A_3 : i32
    %scan3A_5 = arith.constant 1 : i32
    scf.for %scan3A_19 = %scan3A to %scan3A_4 step %scan3A_5  : i32 {
      %mul3A_20 = arith.constant 1 : i32
      %mul3A_21 = arith.muli %scan3A_19, %mul3A_20 : i32
      %add3A_22 = arith.constant 0 : i32
      %add3A_23 = arith.addi %add3A_22, %mul3A_21 : i32
      %broadcast_in_dim3A = arith.constant 0.000000e+00 : f32
      %broadcast_in_dim3A_24 = vector.broadcast %broadcast_in_dim3A : f32 to vector<16xf32>
      %mul3A_25 = arith.constant 16 : i32
      %mul3A_26 = arith.muli %add3A_23, %mul3A_25 : i32
      %swap3A = arith.index_cast %mul3A_26 : i32 to index
      %swap3A_27 = tpu.vector_load %arg7[%swap3A] {strides = array<i32>} : memref<640xf32, #tpu.memory_space<vmem>>, vector<16xf32>,
      %swap3A_28 = vector.shape_cast %swap3A_27 : vector<16xf32> to vector<16xf32>
      %swap3A_29 = vector.shape_cast %broadcast_in_dim3A_24 : vector<16xf32> to vector<16xf32>
      tpu.vector_store %arg7[%swap3A], %swap3A_29 {strides = array<i32>} : memref<640xf32, #tpu.memory_space<vmem>>, vector<16xf32>,
    }
    %scan3A_6 = arith.constant 40 : i32
    %mul3A_7 = arith.constant 640 : i32
    %mul3A_8 = arith.muli %arg1, %mul3A_7 : i32
    "tpu.region"() ({
      %run_scoped3A = tpu.sem_alloc : memref<!tpu.dma_semaphore, #tpu.memory_space<semaphore_mem>>
      %dma_start3A = tpu.memref_slice %arg8[%mul3A_8] : memref<10240xf32, #tpu.memory_space<vmem_shared>> -> memref<640xf32, #tpu.memory_space<vmem_shared>>
      %dma_start3A_19 = tpu.memref_slice %arg8[%mul3A_8] : memref<10240xf32, #tpu.memory_space<vmem_shared>> -> memref<640xf32, #tpu.memory_space<vmem_shared>>
      tpu.enqueue_dma source(%arg7 : memref<640xf32, #tpu.memory_space<vmem>>) target(%dma_start3A_19 : memref<640xf32, #tpu.memory_space<vmem_shared>>) target_semaphore(%run_scoped3A : memref<!tpu.dma_semaphore, #tpu.memory_space<semaphore_mem>>)
      %dma_wait3A = tpu.memref_slice %arg8[%mul3A_8] : memref<10240xf32, #tpu.memory_space<vmem_shared>> -> memref<640xf32, #tpu.memory_space<vmem_shared>>
      %dma_wait3A_20 = tpu.memref_slice %arg8[%mul3A_8] : memref<10240xf32, #tpu.memory_space<vmem_shared>> -> memref<640xf32, #tpu.memory_space<vmem_shared>>
      tpu.wait_dma2 semaphore(%run_scoped3A : memref<!tpu.dma_semaphore, #tpu.memory_space<semaphore_mem>>) src(%arg7 : memref<640xf32, #tpu.memory_space<vmem>>) dst(%dma_wait3A_20 : memref<640xf32, #tpu.memory_space<vmem_shared>>)
      tpu.yield
    }) : () -> ()
    %barrier3A = arith.constant 0 : index
    tpu.barrier barrier_id(%barrier3A)
    %scan3A_9 = arith.constant 0 : i32
    %scan3A_10 = arith.constant 79 : i32
    %scan3A_11 = arith.addi %scan3A_9, %scan3A_10 : i32
    %scan3A_12 = arith.constant 1 : i32
    scf.for %scan3A_19 = %scan3A_9 to %scan3A_11 step %scan3A_12  : i32 {
      %mul3A_20 = arith.constant 1 : i32
      %mul3A_21 = arith.muli %scan3A_19, %mul3A_20 : i32
      %add3A_22 = arith.constant 0 : i32
      %add3A_23 = arith.addi %add3A_22, %mul3A_21 : i32
      %add3A_24 = arith.addi %mul3A_2, %add3A_23 : i32
      "tpu.region"() ({
        %run_scoped3A = tpu.sem_alloc : memref<!tpu.dma_semaphore, #tpu.memory_space<semaphore_mem>>
        %dma_start3A = arith.constant 0 : i32
        %dma_start3A_25 = tpu.memref_slice %arg2[%add3A_24, %dma_start3A] : memref<2528x128xi32, #tpu.memory_space<hbm>> -> memref<1x128xi32, #tpu.memory_space<hbm>>
        %dma_start3A_26 = tpu.memref_squeeze %dma_start3A_25 : memref<1x128xi32, #tpu.memory_space<hbm>> -> memref<128xi32, #tpu.memory_space<hbm>>
        %dma_start3A_27 = arith.constant 0 : i32
        %dma_start3A_28 = tpu.memref_slice %arg2[%add3A_24, %dma_start3A_27] : memref<2528x128xi32, #tpu.memory_space<hbm>> -> memref<1x128xi32, #tpu.memory_space<hbm>>
        %dma_start3A_29 = tpu.memref_squeeze %dma_start3A_28 : memref<1x128xi32, #tpu.memory_space<hbm>> -> memref<128xi32, #tpu.memory_space<hbm>>
        tpu.enqueue_dma source(%dma_start3A_29 : memref<128xi32, #tpu.memory_space<hbm>>) target(%arg5 : memref<128xi32, #tpu.memory_space<vmem>>) target_semaphore(%run_scoped3A : memref<!tpu.dma_semaphore, #tpu.memory_space<semaphore_mem>>)
        %dma_wait3A = arith.constant 0 : i32
        %dma_wait3A_30 = tpu.memref_slice %arg2[%add3A_24, %dma_wait3A] : memref<2528x128xi32, #tpu.memory_space<hbm>> -> memref<1x128xi32, #tpu.memory_space<hbm>>
        %dma_wait3A_31 = tpu.memref_squeeze %dma_wait3A_30 : memref<1x128xi32, #tpu.memory_space<hbm>> -> memref<128xi32, #tpu.memory_space<hbm>>
        %dma_wait3A_32 = arith.constant 0 : i32
        %dma_wait3A_33 = tpu.memref_slice %arg2[%add3A_24, %dma_wait3A_32] : memref<2528x128xi32, #tpu.memory_space<hbm>> -> memref<1x128xi32, #tpu.memory_space<hbm>>
        %dma_wait3A_34 = tpu.memref_squeeze %dma_wait3A_33 : memref<1x128xi32, #tpu.memory_space<hbm>> -> memref<128xi32, #tpu.memory_space<hbm>>
        tpu.wait_dma2 semaphore(%run_scoped3A : memref<!tpu.dma_semaphore, #tpu.memory_space<semaphore_mem>>) src(%dma_wait3A_34 : memref<128xi32, #tpu.memory_space<hbm>>) dst(%arg5 : memref<128xi32, #tpu.memory_space<vmem>>)
        tpu.yield
      }) : () -> ()
      "tpu.region"() ({
        %run_scoped3A = tpu.sem_alloc : memref<!tpu.dma_semaphore, #tpu.memory_space<semaphore_mem>>
        %dma_start3A = arith.constant 0 : i32
        %dma_start3A_25 = tpu.memref_slice %arg3[%add3A_24, %dma_start3A] : memref<2528x128xf32, #tpu.memory_space<hbm>> -> memref<1x128xf32, #tpu.memory_space<hbm>>
        %dma_start3A_26 = tpu.memref_squeeze %dma_start3A_25 : memref<1x128xf32, #tpu.memory_space<hbm>> -> memref<128xf32, #tpu.memory_space<hbm>>
        %dma_start3A_27 = arith.constant 0 : i32
        %dma_start3A_28 = tpu.memref_slice %arg3[%add3A_24, %dma_start3A_27] : memref<2528x128xf32, #tpu.memory_space<hbm>> -> memref<1x128xf32, #tpu.memory_space<hbm>>
        %dma_start3A_29 = tpu.memref_squeeze %dma_start3A_28 : memref<1x128xf32, #tpu.memory_space<hbm>> -> memref<128xf32, #tpu.memory_space<hbm>>
        tpu.enqueue_dma source(%dma_start3A_29 : memref<128xf32, #tpu.memory_space<hbm>>) target(%arg6 : memref<128xf32, #tpu.memory_space<vmem>>) target_semaphore(%run_scoped3A : memref<!tpu.dma_semaphore, #tpu.memory_space<semaphore_mem>>)
        %dma_wait3A = arith.constant 0 : i32
        %dma_wait3A_30 = tpu.memref_slice %arg3[%add3A_24, %dma_wait3A] : memref<2528x128xf32, #tpu.memory_space<hbm>> -> memref<1x128xf32, #tpu.memory_space<hbm>>
        %dma_wait3A_31 = tpu.memref_squeeze %dma_wait3A_30 : memref<1x128xf32, #tpu.memory_space<hbm>> -> memref<128xf32, #tpu.memory_space<hbm>>
        %dma_wait3A_32 = arith.constant 0 : i32
        %dma_wait3A_33 = tpu.memref_slice %arg3[%add3A_24, %dma_wait3A_32] : memref<2528x128xf32, #tpu.memory_space<hbm>> -> memref<1x128xf32, #tpu.memory_space<hbm>>
        %dma_wait3A_34 = tpu.memref_squeeze %dma_wait3A_33 : memref<1x128xf32, #tpu.memory_space<hbm>> -> memref<128xf32, #tpu.memory_space<hbm>>
        tpu.wait_dma2 semaphore(%run_scoped3A : memref<!tpu.dma_semaphore, #tpu.memory_space<semaphore_mem>>) src(%dma_wait3A_34 : memref<128xf32, #tpu.memory_space<hbm>>) dst(%arg6 : memref<128xf32, #tpu.memory_space<vmem>>)
        tpu.yield
      }) : () -> ()
      "tpu.region"() ({
        %run_scoped3A = tpu.sem_alloc : memref<!tpu.dma_semaphore, #tpu.memory_space<semaphore_mem>>
        %dma_start3A = arith.constant 0 : i32
        %dma_start3A_25 = tpu.memref_slice %arg8[%dma_start3A] : memref<10240xf32, #tpu.memory_space<vmem_shared>> -> memref<10240xf32, #tpu.memory_space<vmem_shared>>
        tpu.enqueue_indirect_dma source(%arg6 : memref<128xf32, #tpu.memory_space<vmem>>) target(%dma_start3A_25 : memref<10240xf32, #tpu.memory_space<vmem_shared>>) offsets(%arg5 : memref<128xi32, #tpu.memory_space<vmem>>) semaphore(%run_scoped3A : memref<!tpu.dma_semaphore, #tpu.memory_space<semaphore_mem>>) {add = true}
        %dma_wait3A = arith.constant 0 : i32
        %dma_wait3A_26 = tpu.memref_slice %arg8[%dma_wait3A] : memref<10240xf32, #tpu.memory_space<vmem_shared>> -> memref<10240xf32, #tpu.memory_space<vmem_shared>>
        tpu.wait_indirect_dma semaphore(%run_scoped3A : memref<!tpu.dma_semaphore, #tpu.memory_space<semaphore_mem>>) src(%arg6 : memref<128xf32, #tpu.memory_space<vmem>>) dst(%dma_wait3A_26 : memref<10240xf32, #tpu.memory_space<vmem_shared>>)
        tpu.yield
      }) : () -> ()
    }
    %scan3A_13 = arith.constant 79 : i32
    %barrier3A_14 = arith.constant 0 : index
    tpu.barrier barrier_id(%barrier3A_14)
    %mul3A_15 = arith.constant 640 : i32
    %mul3A_16 = arith.muli %arg1, %mul3A_15 : i32
    %mul3A_17 = arith.constant 640 : i32
    %mul3A_18 = arith.muli %arg1, %mul3A_17 : i32
    "tpu.region"() ({
      %run_scoped3A = tpu.sem_alloc : memref<!tpu.dma_semaphore, #tpu.memory_space<semaphore_mem>>
      %dma_start3A = tpu.memref_slice %arg4[%arg0, %mul3A_18] : memref<2x10240xf32, #tpu.memory_space<hbm>> -> memref<1x640xf32, #tpu.memory_space<hbm>>
      %dma_start3A_19 = tpu.memref_squeeze %dma_start3A : memref<1x640xf32, #tpu.memory_space<hbm>> -> memref<640xf32, #tpu.memory_space<hbm>>
      %dma_start3A_20 = tpu.memref_slice %arg8[%mul3A_16] : memref<10240xf32, #tpu.memory_space<vmem_shared>> -> memref<640xf32, #tpu.memory_space<vmem_shared>>
      tpu.enqueue_dma source(%dma_start3A_20 : memref<640xf32, #tpu.memory_space<vmem_shared>>) target(%dma_start3A_19 : memref<640xf32, #tpu.memory_space<hbm>>) target_semaphore(%run_scoped3A : memref<!tpu.dma_semaphore, #tpu.memory_space<semaphore_mem>>)
      %dma_wait3A = tpu.memref_slice %arg4[%arg0, %mul3A_18] : memref<2x10240xf32, #tpu.memory_space<hbm>> -> memref<1x640xf32, #tpu.memory_space<hbm>>
      %dma_wait3A_21 = tpu.memref_squeeze %dma_wait3A : memref<1x640xf32, #tpu.memory_space<hbm>> -> memref<640xf32, #tpu.memory_space<hbm>>
      %dma_wait3A_22 = tpu.memref_slice %arg8[%mul3A_16] : memref<10240xf32, #tpu.memory_space<vmem_shared>> -> memref<640xf32, #tpu.memory_space<vmem_shared>>
      tpu.wait_dma2 semaphore(%run_scoped3A : memref<!tpu.dma_semaphore, #tpu.memory_space<semaphore_mem>>) src(%dma_wait3A_22 : memref<640xf32, #tpu.memory_space<vmem_shared>>) dst(%dma_wait3A_21 : memref<640xf32, #tpu.memory_space<hbm>>)
      tpu.yield
    }) : () -> ()
    return
  }
}

#map = affine_map<(d0, d1) -> (0, 0)>
#map1 = affine_map<(d0, d1) -> (0, 0, 0)>
module attributes {stable_mosaic.version = 14 : i64} {
  func.func @k(%arg0: i32, %arg1: i32, %arg2: memref<10240x16xf32, #tpu.memory_space<hbm>>, %arg3: memref<2528x128xi32, #tpu.memory_space<hbm>>, %arg4: memref<2528x128xi32, #tpu.memory_space<hbm>>, %arg5: memref<2528x128xf32, #tpu.memory_space<hbm>>, %arg6: memref<2x10240x16xf32, #tpu.memory_space<hbm>>, %arg7: memref<128xi32, #tpu.memory_space<vmem>>, %arg8: memref<128xi32, #tpu.memory_space<vmem>>, %arg9: memref<128xf32, #tpu.memory_space<vmem>>, %arg10: memref<128x16xf32, #tpu.memory_space<vmem>>, %arg11: memref<128x16xf32, #tpu.memory_space<vmem>>, %arg12: memref<640x16xf32, #tpu.memory_space<vmem>>, %arg13: memref<10240x16xf32, #tpu.memory_space<vmem_shared>>, %arg14: memref<!tpu.dma_semaphore, #tpu.memory_space<semaphore_mem>>) attributes {dimension_semantics = [#tpu.dimension_semantics<core_parallel>, #tpu.dimension_semantics<subcore_parallel>], iteration_bounds = array<i64: 2, 16>, scalar_prefetch = 0 : i64, scratch_operands = 8 : i64, tpu.core_type = #tpu.core_type<sc_vector_subcore>, window_params = [{transform_indices = #map}, {transform_indices = #map}, {transform_indices = #map}, {transform_indices = #map}, {transform_indices = #map1}]} {
    %mul3A = arith.constant 16 : i32
    %mul3A_0 = arith.muli %arg0, %mul3A : i32
    %add3A = arith.addi %mul3A_0, %arg1 : i32
    %mul3A_1 = arith.constant 79 : i32
    %mul3A_2 = arith.muli %add3A, %mul3A_1 : i32
    %scan3A = arith.constant 0 : i32
    %scan3A_3 = arith.constant 640 : i32
    %scan3A_4 = arith.addi %scan3A, %scan3A_3 : i32
    %scan3A_5 = arith.constant 1 : i32
    scf.for %scan3A_28 = %scan3A to %scan3A_4 step %scan3A_5  : i32 {
      %mul3A_29 = arith.constant 1 : i32
      %mul3A_30 = arith.muli %scan3A_28, %mul3A_29 : i32
      %add3A_31 = arith.constant 0 : i32
      %add3A_32 = arith.addi %add3A_31, %mul3A_30 : i32
      %broadcast_in_dim3A = arith.constant 0.000000e+00 : f32
      %broadcast_in_dim3A_33 = vector.broadcast %broadcast_in_dim3A : f32 to vector<16xf32>
      %swap3A = arith.index_cast %add3A_32 : i32 to index
      %swap3A_34 = arith.constant 0 : index
      %swap3A_35 = tpu.vector_load %arg12[%swap3A, %swap3A_34] {strides = array<i32>} : memref<640x16xf32, #tpu.memory_space<vmem>>, vector<16xf32>,
      tpu.vector_store %arg12[%swap3A, %swap3A_34], %broadcast_in_dim3A_33 {strides = array<i32>} : memref<640x16xf32, #tpu.memory_space<vmem>>, vector<16xf32>,
    }
    %scan3A_6 = arith.constant 640 : i32
    %scan3A_7 = arith.constant 0 : i32
    %mul3A_8 = arith.constant 1 : i32
    %mul3A_9 = arith.muli %scan3A_7, %mul3A_8 : i32
    %add3A_10 = arith.constant 0 : i32
    %add3A_11 = arith.addi %add3A_10, %mul3A_9 : i32
    %mul3A_12 = arith.constant 640 : i32
    %mul3A_13 = arith.muli %arg1, %mul3A_12 : i32
    %mul3A_14 = arith.constant 640 : i32
    %mul3A_15 = arith.muli %add3A_11, %mul3A_14 : i32
    %add3A_16 = arith.addi %mul3A_13, %mul3A_15 : i32
    "tpu.region"() ({
      %run_scoped3A = tpu.sem_alloc : memref<!tpu.dma_semaphore, #tpu.memory_space<semaphore_mem>>
      %dma_start3A = arith.constant 0 : i32
      %dma_start3A_28 = tpu.memref_slice %arg13[%add3A_16, %dma_start3A] : memref<10240x16xf32, #tpu.memory_space<vmem_shared>> -> memref<640x16xf32, #tpu.memory_space<vmem_shared>>
      %dma_start3A_29 = arith.constant 0 : i32
      %dma_start3A_30 = tpu.memref_slice %arg13[%add3A_16, %dma_start3A_29] : memref<10240x16xf32, #tpu.memory_space<vmem_shared>> -> memref<640x16xf32, #tpu.memory_space<vmem_shared>>
      tpu.enqueue_dma source(%arg12 : memref<640x16xf32, #tpu.memory_space<vmem>>) target(%dma_start3A_30 : memref<640x16xf32, #tpu.memory_space<vmem_shared>>) target_semaphore(%run_scoped3A : memref<!tpu.dma_semaphore, #tpu.memory_space<semaphore_mem>>)
      %dma_wait3A = arith.constant 0 : i32
      %dma_wait3A_31 = tpu.memref_slice %arg13[%add3A_16, %dma_wait3A] : memref<10240x16xf32, #tpu.memory_space<vmem_shared>> -> memref<640x16xf32, #tpu.memory_space<vmem_shared>>
      %dma_wait3A_32 = arith.constant 0 : i32
      %dma_wait3A_33 = tpu.memref_slice %arg13[%add3A_16, %dma_wait3A_32] : memref<10240x16xf32, #tpu.memory_space<vmem_shared>> -> memref<640x16xf32, #tpu.memory_space<vmem_shared>>
      tpu.wait_dma2 semaphore(%run_scoped3A : memref<!tpu.dma_semaphore, #tpu.memory_space<semaphore_mem>>) src(%arg12 : memref<640x16xf32, #tpu.memory_space<vmem>>) dst(%dma_wait3A_33 : memref<640x16xf32, #tpu.memory_space<vmem_shared>>)
      tpu.yield
    }) : () -> ()
    %scan3A_17 = arith.constant 1 : i32
    %barrier3A = arith.constant 0 : index
    tpu.barrier barrier_id(%barrier3A)
    %scan3A_18 = arith.constant 0 : i32
    %scan3A_19 = arith.constant 79 : i32
    %scan3A_20 = arith.addi %scan3A_18, %scan3A_19 : i32
    %scan3A_21 = arith.constant 1 : i32
    scf.for %scan3A_28 = %scan3A_18 to %scan3A_20 step %scan3A_21  : i32 {
      %mul3A_29 = arith.constant 1 : i32
      %mul3A_30 = arith.muli %scan3A_28, %mul3A_29 : i32
      %add3A_31 = arith.constant 0 : i32
      %add3A_32 = arith.addi %add3A_31, %mul3A_30 : i32
      %add3A_33 = arith.addi %mul3A_2, %add3A_32 : i32
      "tpu.region"() ({
        %run_scoped3A = tpu.sem_alloc : memref<!tpu.dma_semaphore, #tpu.memory_space<semaphore_mem>>
        %dma_start3A_43 = arith.constant 0 : i32
        %dma_start3A_44 = tpu.memref_slice %arg3[%add3A_33, %dma_start3A_43] : memref<2528x128xi32, #tpu.memory_space<hbm>> -> memref<1x128xi32, #tpu.memory_space<hbm>>
        %dma_start3A_45 = tpu.memref_squeeze %dma_start3A_44 : memref<1x128xi32, #tpu.memory_space<hbm>> -> memref<128xi32, #tpu.memory_space<hbm>>
        %dma_start3A_46 = arith.constant 0 : i32
        %dma_start3A_47 = tpu.memref_slice %arg3[%add3A_33, %dma_start3A_46] : memref<2528x128xi32, #tpu.memory_space<hbm>> -> memref<1x128xi32, #tpu.memory_space<hbm>>
        %dma_start3A_48 = tpu.memref_squeeze %dma_start3A_47 : memref<1x128xi32, #tpu.memory_space<hbm>> -> memref<128xi32, #tpu.memory_space<hbm>>
        tpu.enqueue_dma source(%dma_start3A_48 : memref<128xi32, #tpu.memory_space<hbm>>) target(%arg7 : memref<128xi32, #tpu.memory_space<vmem>>) target_semaphore(%run_scoped3A : memref<!tpu.dma_semaphore, #tpu.memory_space<semaphore_mem>>)
        %dma_wait3A_49 = arith.constant 0 : i32
        %dma_wait3A_50 = tpu.memref_slice %arg3[%add3A_33, %dma_wait3A_49] : memref<2528x128xi32, #tpu.memory_space<hbm>> -> memref<1x128xi32, #tpu.memory_space<hbm>>
        %dma_wait3A_51 = tpu.memref_squeeze %dma_wait3A_50 : memref<1x128xi32, #tpu.memory_space<hbm>> -> memref<128xi32, #tpu.memory_space<hbm>>
        %dma_wait3A_52 = arith.constant 0 : i32
        %dma_wait3A_53 = tpu.memref_slice %arg3[%add3A_33, %dma_wait3A_52] : memref<2528x128xi32, #tpu.memory_space<hbm>> -> memref<1x128xi32, #tpu.memory_space<hbm>>
        %dma_wait3A_54 = tpu.memref_squeeze %dma_wait3A_53 : memref<1x128xi32, #tpu.memory_space<hbm>> -> memref<128xi32, #tpu.memory_space<hbm>>
        tpu.wait_dma2 semaphore(%run_scoped3A : memref<!tpu.dma_semaphore, #tpu.memory_space<semaphore_mem>>) src(%dma_wait3A_54 : memref<128xi32, #tpu.memory_space<hbm>>) dst(%arg7 : memref<128xi32, #tpu.memory_space<vmem>>)
        tpu.yield
      }) : () -> ()
      "tpu.region"() ({
        %run_scoped3A = tpu.sem_alloc : memref<!tpu.dma_semaphore, #tpu.memory_space<semaphore_mem>>
        %dma_start3A_43 = arith.constant 0 : i32
        %dma_start3A_44 = tpu.memref_slice %arg4[%add3A_33, %dma_start3A_43] : memref<2528x128xi32, #tpu.memory_space<hbm>> -> memref<1x128xi32, #tpu.memory_space<hbm>>
        %dma_start3A_45 = tpu.memref_squeeze %dma_start3A_44 : memref<1x128xi32, #tpu.memory_space<hbm>> -> memref<128xi32, #tpu.memory_space<hbm>>
        %dma_start3A_46 = arith.constant 0 : i32
        %dma_start3A_47 = tpu.memref_slice %arg4[%add3A_33, %dma_start3A_46] : memref<2528x128xi32, #tpu.memory_space<hbm>> -> memref<1x128xi32, #tpu.memory_space<hbm>>
        %dma_start3A_48 = tpu.memref_squeeze %dma_start3A_47 : memref<1x128xi32, #tpu.memory_space<hbm>> -> memref<128xi32, #tpu.memory_space<hbm>>
        tpu.enqueue_dma source(%dma_start3A_48 : memref<128xi32, #tpu.memory_space<hbm>>) target(%arg8 : memref<128xi32, #tpu.memory_space<vmem>>) target_semaphore(%run_scoped3A : memref<!tpu.dma_semaphore, #tpu.memory_space<semaphore_mem>>)
        %dma_wait3A_49 = arith.constant 0 : i32
        %dma_wait3A_50 = tpu.memref_slice %arg4[%add3A_33, %dma_wait3A_49] : memref<2528x128xi32, #tpu.memory_space<hbm>> -> memref<1x128xi32, #tpu.memory_space<hbm>>
        %dma_wait3A_51 = tpu.memref_squeeze %dma_wait3A_50 : memref<1x128xi32, #tpu.memory_space<hbm>> -> memref<128xi32, #tpu.memory_space<hbm>>
        %dma_wait3A_52 = arith.constant 0 : i32
        %dma_wait3A_53 = tpu.memref_slice %arg4[%add3A_33, %dma_wait3A_52] : memref<2528x128xi32, #tpu.memory_space<hbm>> -> memref<1x128xi32, #tpu.memory_space<hbm>>
        %dma_wait3A_54 = tpu.memref_squeeze %dma_wait3A_53 : memref<1x128xi32, #tpu.memory_space<hbm>> -> memref<128xi32, #tpu.memory_space<hbm>>
        tpu.wait_dma2 semaphore(%run_scoped3A : memref<!tpu.dma_semaphore, #tpu.memory_space<semaphore_mem>>) src(%dma_wait3A_54 : memref<128xi32, #tpu.memory_space<hbm>>) dst(%arg8 : memref<128xi32, #tpu.memory_space<vmem>>)
        tpu.yield
      }) : () -> ()
      "tpu.region"() ({
        %run_scoped3A = tpu.sem_alloc : memref<!tpu.dma_semaphore, #tpu.memory_space<semaphore_mem>>
        %dma_start3A_43 = arith.constant 0 : i32
        %dma_start3A_44 = tpu.memref_slice %arg5[%add3A_33, %dma_start3A_43] : memref<2528x128xf32, #tpu.memory_space<hbm>> -> memref<1x128xf32, #tpu.memory_space<hbm>>
        %dma_start3A_45 = tpu.memref_squeeze %dma_start3A_44 : memref<1x128xf32, #tpu.memory_space<hbm>> -> memref<128xf32, #tpu.memory_space<hbm>>
        %dma_start3A_46 = arith.constant 0 : i32
        %dma_start3A_47 = tpu.memref_slice %arg5[%add3A_33, %dma_start3A_46] : memref<2528x128xf32, #tpu.memory_space<hbm>> -> memref<1x128xf32, #tpu.memory_space<hbm>>
        %dma_start3A_48 = tpu.memref_squeeze %dma_start3A_47 : memref<1x128xf32, #tpu.memory_space<hbm>> -> memref<128xf32, #tpu.memory_space<hbm>>
        tpu.enqueue_dma source(%dma_start3A_48 : memref<128xf32, #tpu.memory_space<hbm>>) target(%arg9 : memref<128xf32, #tpu.memory_space<vmem>>) target_semaphore(%run_scoped3A : memref<!tpu.dma_semaphore, #tpu.memory_space<semaphore_mem>>)
        %dma_wait3A_49 = arith.constant 0 : i32
        %dma_wait3A_50 = tpu.memref_slice %arg5[%add3A_33, %dma_wait3A_49] : memref<2528x128xf32, #tpu.memory_space<hbm>> -> memref<1x128xf32, #tpu.memory_space<hbm>>
        %dma_wait3A_51 = tpu.memref_squeeze %dma_wait3A_50 : memref<1x128xf32, #tpu.memory_space<hbm>> -> memref<128xf32, #tpu.memory_space<hbm>>
        %dma_wait3A_52 = arith.constant 0 : i32
        %dma_wait3A_53 = tpu.memref_slice %arg5[%add3A_33, %dma_wait3A_52] : memref<2528x128xf32, #tpu.memory_space<hbm>> -> memref<1x128xf32, #tpu.memory_space<hbm>>
        %dma_wait3A_54 = tpu.memref_squeeze %dma_wait3A_53 : memref<1x128xf32, #tpu.memory_space<hbm>> -> memref<128xf32, #tpu.memory_space<hbm>>
        tpu.wait_dma2 semaphore(%run_scoped3A : memref<!tpu.dma_semaphore, #tpu.memory_space<semaphore_mem>>) src(%dma_wait3A_54 : memref<128xf32, #tpu.memory_space<hbm>>) dst(%arg9 : memref<128xf32, #tpu.memory_space<vmem>>)
        tpu.yield
      }) : () -> ()
      %dma_start3A = arith.constant 0 : i32
      %dma_start3A_34 = arith.constant 0 : i32
      %dma_start3A_35 = tpu.memref_slice %arg2[%dma_start3A, %dma_start3A_34] : memref<10240x16xf32, #tpu.memory_space<hbm>> -> memref<10240x16xf32, #tpu.memory_space<hbm>>
      tpu.enqueue_indirect_dma source(%dma_start3A_35 : memref<10240x16xf32, #tpu.memory_space<hbm>>) target(%arg10 : memref<128x16xf32, #tpu.memory_space<vmem>>) offsets(%arg7 : memref<128xi32, #tpu.memory_space<vmem>>) semaphore(%arg14 : memref<!tpu.dma_semaphore, #tpu.memory_space<semaphore_mem>>)
      %dma_wait3A = arith.constant 0 : i32
      %dma_wait3A_36 = arith.constant 0 : i32
      %dma_wait3A_37 = tpu.memref_slice %arg2[%dma_wait3A, %dma_wait3A_36] : memref<10240x16xf32, #tpu.memory_space<hbm>> -> memref<10240x16xf32, #tpu.memory_space<hbm>>
      tpu.wait_indirect_dma semaphore(%arg14 : memref<!tpu.dma_semaphore, #tpu.memory_space<semaphore_mem>>) src(%dma_wait3A_37 : memref<10240x16xf32, #tpu.memory_space<hbm>>) dst(%arg10 : memref<128x16xf32, #tpu.memory_space<vmem>>)
      %scan3A_38 = arith.constant 0 : i32
      %scan3A_39 = arith.constant 8 : i32
      %scan3A_40 = arith.addi %scan3A_38, %scan3A_39 : i32
      %scan3A_41 = arith.constant 1 : i32
      scf.for %scan3A_43 = %scan3A_38 to %scan3A_40 step %scan3A_41  : i32 {
        %mul3A_44 = arith.constant 1 : i32
        %mul3A_45 = arith.muli %scan3A_43, %mul3A_44 : i32
        %add3A_46 = arith.constant 0 : i32
        %add3A_47 = arith.addi %add3A_46, %mul3A_45 : i32
        %mul3A_48 = arith.constant 16 : i32
        %mul3A_49 = arith.muli %add3A_47, %mul3A_48 : i32
        %add3A_50 = arith.constant 0 : i32
        %add3A_51 = arith.addi %mul3A_49, %add3A_50 : i32
        %broadcast_in_dim3A = vector.broadcast %add3A_51 : i32 to vector<16xi32>
        %gather3A = tpu.vector_load_idx %arg9[%broadcast_in_dim3A] : memref<128xf32, #tpu.memory_space<vmem>>[vector<16xi32>], vector<16xf32>,
        %add3A_52 = arith.constant 0 : i32
        %add3A_53 = arith.addi %mul3A_49, %add3A_52 : i32
        %get3A = arith.index_cast %add3A_53 : i32 to index
        %get3A_54 = arith.constant 0 : index
        %get3A_55 = tpu.vector_load %arg10[%get3A, %get3A_54] {strides = array<i32>} : memref<128x16xf32, #tpu.memory_space<vmem>>, vector<16xf32>,
        %mul3A_56 = arith.mulf %get3A_55, %gather3A : vector<16xf32>
        %add3A_57 = arith.constant 0 : i32
        %add3A_58 = arith.addi %mul3A_49, %add3A_57 : i32
        %swap3A = arith.index_cast %add3A_58 : i32 to index
        %swap3A_59 = arith.constant 0 : index
        %swap3A_60 = tpu.vector_load %arg11[%swap3A, %swap3A_59] {strides = array<i32>} : memref<128x16xf32, #tpu.memory_space<vmem>>, vector<16xf32>,
        tpu.vector_store %arg11[%swap3A, %swap3A_59], %mul3A_56 {strides = array<i32>} : memref<128x16xf32, #tpu.memory_space<vmem>>, vector<16xf32>,
        %add3A_61 = arith.constant 1 : i32
        %add3A_62 = arith.addi %mul3A_49, %add3A_61 : i32
        %broadcast_in_dim3A_63 = vector.broadcast %add3A_62 : i32 to vector<16xi32>
        %gather3A_64 = tpu.vector_load_idx %arg9[%broadcast_in_dim3A_63] : memref<128xf32, #tpu.memory_space<vmem>>[vector<16xi32>], vector<16xf32>,
        %add3A_65 = arith.constant 1 : i32
        %add3A_66 = arith.addi %mul3A_49, %add3A_65 : i32
        %get3A_67 = arith.index_cast %add3A_66 : i32 to index
        %get3A_68 = arith.constant 0 : index
        %get3A_69 = tpu.vector_load %arg10[%get3A_67, %get3A_68] {strides = array<i32>} : memref<128x16xf32, #tpu.memory_space<vmem>>, vector<16xf32>,
        %mul3A_70 = arith.mulf %get3A_69, %gather3A_64 : vector<16xf32>
        %add3A_71 = arith.constant 1 : i32
        %add3A_72 = arith.addi %mul3A_49, %add3A_71 : i32
        %swap3A_73 = arith.index_cast %add3A_72 : i32 to index
        %swap3A_74 = arith.constant 0 : index
        %swap3A_75 = tpu.vector_load %arg11[%swap3A_73, %swap3A_74] {strides = array<i32>} : memref<128x16xf32, #tpu.memory_space<vmem>>, vector<16xf32>,
        tpu.vector_store %arg11[%swap3A_73, %swap3A_74], %mul3A_70 {strides = array<i32>} : memref<128x16xf32, #tpu.memory_space<vmem>>, vector<16xf32>,
        %add3A_76 = arith.constant 2 : i32
        %add3A_77 = arith.addi %mul3A_49, %add3A_76 : i32
        %broadcast_in_dim3A_78 = vector.broadcast %add3A_77 : i32 to vector<16xi32>
        %gather3A_79 = tpu.vector_load_idx %arg9[%broadcast_in_dim3A_78] : memref<128xf32, #tpu.memory_space<vmem>>[vector<16xi32>], vector<16xf32>,
        %add3A_80 = arith.constant 2 : i32
        %add3A_81 = arith.addi %mul3A_49, %add3A_80 : i32
        %get3A_82 = arith.index_cast %add3A_81 : i32 to index
        %get3A_83 = arith.constant 0 : index
        %get3A_84 = tpu.vector_load %arg10[%get3A_82, %get3A_83] {strides = array<i32>} : memref<128x16xf32, #tpu.memory_space<vmem>>, vector<16xf32>,
        %mul3A_85 = arith.mulf %get3A_84, %gather3A_79 : vector<16xf32>
        %add3A_86 = arith.constant 2 : i32
        %add3A_87 = arith.addi %mul3A_49, %add3A_86 : i32
        %swap3A_88 = arith.index_cast %add3A_87 : i32 to index
        %swap3A_89 = arith.constant 0 : index
        %swap3A_90 = tpu.vector_load %arg11[%swap3A_88, %swap3A_89] {strides = array<i32>} : memref<128x16xf32, #tpu.memory_space<vmem>>, vector<16xf32>,
        tpu.vector_store %arg11[%swap3A_88, %swap3A_89], %mul3A_85 {strides = array<i32>} : memref<128x16xf32, #tpu.memory_space<vmem>>, vector<16xf32>,
        %add3A_91 = arith.constant 3 : i32
        %add3A_92 = arith.addi %mul3A_49, %add3A_91 : i32
        %broadcast_in_dim3A_93 = vector.broadcast %add3A_92 : i32 to vector<16xi32>
        %gather3A_94 = tpu.vector_load_idx %arg9[%broadcast_in_dim3A_93] : memref<128xf32, #tpu.memory_space<vmem>>[vector<16xi32>], vector<16xf32>,
        %add3A_95 = arith.constant 3 : i32
        %add3A_96 = arith.addi %mul3A_49, %add3A_95 : i32
        %get3A_97 = arith.index_cast %add3A_96 : i32 to index
        %get3A_98 = arith.constant 0 : index
        %get3A_99 = tpu.vector_load %arg10[%get3A_97, %get3A_98] {strides = array<i32>} : memref<128x16xf32, #tpu.memory_space<vmem>>, vector<16xf32>,
        %mul3A_100 = arith.mulf %get3A_99, %gather3A_94 : vector<16xf32>
        %add3A_101 = arith.constant 3 : i32
        %add3A_102 = arith.addi %mul3A_49, %add3A_101 : i32
        %swap3A_103 = arith.index_cast %add3A_102 : i32 to index
        %swap3A_104 = arith.constant 0 : index
        %swap3A_105 = tpu.vector_load %arg11[%swap3A_103, %swap3A_104] {strides = array<i32>} : memref<128x16xf32, #tpu.memory_space<vmem>>, vector<16xf32>,
        tpu.vector_store %arg11[%swap3A_103, %swap3A_104], %mul3A_100 {strides = array<i32>} : memref<128x16xf32, #tpu.memory_space<vmem>>, vector<16xf32>,
        %add3A_106 = arith.constant 4 : i32
        %add3A_107 = arith.addi %mul3A_49, %add3A_106 : i32
        %broadcast_in_dim3A_108 = vector.broadcast %add3A_107 : i32 to vector<16xi32>
        %gather3A_109 = tpu.vector_load_idx %arg9[%broadcast_in_dim3A_108] : memref<128xf32, #tpu.memory_space<vmem>>[vector<16xi32>], vector<16xf32>,
        %add3A_110 = arith.constant 4 : i32
        %add3A_111 = arith.addi %mul3A_49, %add3A_110 : i32
        %get3A_112 = arith.index_cast %add3A_111 : i32 to index
        %get3A_113 = arith.constant 0 : index
        %get3A_114 = tpu.vector_load %arg10[%get3A_112, %get3A_113] {strides = array<i32>} : memref<128x16xf32, #tpu.memory_space<vmem>>, vector<16xf32>,
        %mul3A_115 = arith.mulf %get3A_114, %gather3A_109 : vector<16xf32>
        %add3A_116 = arith.constant 4 : i32
        %add3A_117 = arith.addi %mul3A_49, %add3A_116 : i32
        %swap3A_118 = arith.index_cast %add3A_117 : i32 to index
        %swap3A_119 = arith.constant 0 : index
        %swap3A_120 = tpu.vector_load %arg11[%swap3A_118, %swap3A_119] {strides = array<i32>} : memref<128x16xf32, #tpu.memory_space<vmem>>, vector<16xf32>,
        tpu.vector_store %arg11[%swap3A_118, %swap3A_119], %mul3A_115 {strides = array<i32>} : memref<128x16xf32, #tpu.memory_space<vmem>>, vector<16xf32>,
        %add3A_121 = arith.constant 5 : i32
        %add3A_122 = arith.addi %mul3A_49, %add3A_121 : i32
        %broadcast_in_dim3A_123 = vector.broadcast %add3A_122 : i32 to vector<16xi32>
        %gather3A_124 = tpu.vector_load_idx %arg9[%broadcast_in_dim3A_123] : memref<128xf32, #tpu.memory_space<vmem>>[vector<16xi32>], vector<16xf32>,
        %add3A_125 = arith.constant 5 : i32
        %add3A_126 = arith.addi %mul3A_49, %add3A_125 : i32
        %get3A_127 = arith.index_cast %add3A_126 : i32 to index
        %get3A_128 = arith.constant 0 : index
        %get3A_129 = tpu.vector_load %arg10[%get3A_127, %get3A_128] {strides = array<i32>} : memref<128x16xf32, #tpu.memory_space<vmem>>, vector<16xf32>,
        %mul3A_130 = arith.mulf %get3A_129, %gather3A_124 : vector<16xf32>
        %add3A_131 = arith.constant 5 : i32
        %add3A_132 = arith.addi %mul3A_49, %add3A_131 : i32
        %swap3A_133 = arith.index_cast %add3A_132 : i32 to index
        %swap3A_134 = arith.constant 0 : index
        %swap3A_135 = tpu.vector_load %arg11[%swap3A_133, %swap3A_134] {strides = array<i32>} : memref<128x16xf32, #tpu.memory_space<vmem>>, vector<16xf32>,
        tpu.vector_store %arg11[%swap3A_133, %swap3A_134], %mul3A_130 {strides = array<i32>} : memref<128x16xf32, #tpu.memory_space<vmem>>, vector<16xf32>,
        %add3A_136 = arith.constant 6 : i32
        %add3A_137 = arith.addi %mul3A_49, %add3A_136 : i32
        %broadcast_in_dim3A_138 = vector.broadcast %add3A_137 : i32 to vector<16xi32>
        %gather3A_139 = tpu.vector_load_idx %arg9[%broadcast_in_dim3A_138] : memref<128xf32, #tpu.memory_space<vmem>>[vector<16xi32>], vector<16xf32>,
        %add3A_140 = arith.constant 6 : i32
        %add3A_141 = arith.addi %mul3A_49, %add3A_140 : i32
        %get3A_142 = arith.index_cast %add3A_141 : i32 to index
        %get3A_143 = arith.constant 0 : index
        %get3A_144 = tpu.vector_load %arg10[%get3A_142, %get3A_143] {strides = array<i32>} : memref<128x16xf32, #tpu.memory_space<vmem>>, vector<16xf32>,
        %mul3A_145 = arith.mulf %get3A_144, %gather3A_139 : vector<16xf32>
        %add3A_146 = arith.constant 6 : i32
        %add3A_147 = arith.addi %mul3A_49, %add3A_146 : i32
        %swap3A_148 = arith.index_cast %add3A_147 : i32 to index
        %swap3A_149 = arith.constant 0 : index
        %swap3A_150 = tpu.vector_load %arg11[%swap3A_148, %swap3A_149] {strides = array<i32>} : memref<128x16xf32, #tpu.memory_space<vmem>>, vector<16xf32>,
        tpu.vector_store %arg11[%swap3A_148, %swap3A_149], %mul3A_145 {strides = array<i32>} : memref<128x16xf32, #tpu.memory_space<vmem>>, vector<16xf32>,
        %add3A_151 = arith.constant 7 : i32
        %add3A_152 = arith.addi %mul3A_49, %add3A_151 : i32
        %broadcast_in_dim3A_153 = vector.broadcast %add3A_152 : i32 to vector<16xi32>
        %gather3A_154 = tpu.vector_load_idx %arg9[%broadcast_in_dim3A_153] : memref<128xf32, #tpu.memory_space<vmem>>[vector<16xi32>], vector<16xf32>,
        %add3A_155 = arith.constant 7 : i32
        %add3A_156 = arith.addi %mul3A_49, %add3A_155 : i32
        %get3A_157 = arith.index_cast %add3A_156 : i32 to index
        %get3A_158 = arith.constant 0 : index
        %get3A_159 = tpu.vector_load %arg10[%get3A_157, %get3A_158] {strides = array<i32>} : memref<128x16xf32, #tpu.memory_space<vmem>>, vector<16xf32>,
        %mul3A_160 = arith.mulf %get3A_159, %gather3A_154 : vector<16xf32>
        %add3A_161 = arith.constant 7 : i32
        %add3A_162 = arith.addi %mul3A_49, %add3A_161 : i32
        %swap3A_163 = arith.index_cast %add3A_162 : i32 to index
        %swap3A_164 = arith.constant 0 : index
        %swap3A_165 = tpu.vector_load %arg11[%swap3A_163, %swap3A_164] {strides = array<i32>} : memref<128x16xf32, #tpu.memory_space<vmem>>, vector<16xf32>,
        tpu.vector_store %arg11[%swap3A_163, %swap3A_164], %mul3A_160 {strides = array<i32>} : memref<128x16xf32, #tpu.memory_space<vmem>>, vector<16xf32>,
        %add3A_166 = arith.constant 8 : i32
        %add3A_167 = arith.addi %mul3A_49, %add3A_166 : i32
        %broadcast_in_dim3A_168 = vector.broadcast %add3A_167 : i32 to vector<16xi32>
        %gather3A_169 = tpu.vector_load_idx %arg9[%broadcast_in_dim3A_168] : memref<128xf32, #tpu.memory_space<vmem>>[vector<16xi32>], vector<16xf32>,
        %add3A_170 = arith.constant 8 : i32
        %add3A_171 = arith.addi %mul3A_49, %add3A_170 : i32
        %get3A_172 = arith.index_cast %add3A_171 : i32 to index
        %get3A_173 = arith.constant 0 : index
        %get3A_174 = tpu.vector_load %arg10[%get3A_172, %get3A_173] {strides = array<i32>} : memref<128x16xf32, #tpu.memory_space<vmem>>, vector<16xf32>,
        %mul3A_175 = arith.mulf %get3A_174, %gather3A_169 : vector<16xf32>
        %add3A_176 = arith.constant 8 : i32
        %add3A_177 = arith.addi %mul3A_49, %add3A_176 : i32
        %swap3A_178 = arith.index_cast %add3A_177 : i32 to index
        %swap3A_179 = arith.constant 0 : index
        %swap3A_180 = tpu.vector_load %arg11[%swap3A_178, %swap3A_179] {strides = array<i32>} : memref<128x16xf32, #tpu.memory_space<vmem>>, vector<16xf32>,
        tpu.vector_store %arg11[%swap3A_178, %swap3A_179], %mul3A_175 {strides = array<i32>} : memref<128x16xf32, #tpu.memory_space<vmem>>, vector<16xf32>,
        %add3A_181 = arith.constant 9 : i32
        %add3A_182 = arith.addi %mul3A_49, %add3A_181 : i32
        %broadcast_in_dim3A_183 = vector.broadcast %add3A_182 : i32 to vector<16xi32>
        %gather3A_184 = tpu.vector_load_idx %arg9[%broadcast_in_dim3A_183] : memref<128xf32, #tpu.memory_space<vmem>>[vector<16xi32>], vector<16xf32>,
        %add3A_185 = arith.constant 9 : i32
        %add3A_186 = arith.addi %mul3A_49, %add3A_185 : i32
        %get3A_187 = arith.index_cast %add3A_186 : i32 to index
        %get3A_188 = arith.constant 0 : index
        %get3A_189 = tpu.vector_load %arg10[%get3A_187, %get3A_188] {strides = array<i32>} : memref<128x16xf32, #tpu.memory_space<vmem>>, vector<16xf32>,
        %mul3A_190 = arith.mulf %get3A_189, %gather3A_184 : vector<16xf32>
        %add3A_191 = arith.constant 9 : i32
        %add3A_192 = arith.addi %mul3A_49, %add3A_191 : i32
        %swap3A_193 = arith.index_cast %add3A_192 : i32 to index
        %swap3A_194 = arith.constant 0 : index
        %swap3A_195 = tpu.vector_load %arg11[%swap3A_193, %swap3A_194] {strides = array<i32>} : memref<128x16xf32, #tpu.memory_space<vmem>>, vector<16xf32>,
        tpu.vector_store %arg11[%swap3A_193, %swap3A_194], %mul3A_190 {strides = array<i32>} : memref<128x16xf32, #tpu.memory_space<vmem>>, vector<16xf32>,
        %add3A_196 = arith.constant 10 : i32
        %add3A_197 = arith.addi %mul3A_49, %add3A_196 : i32
        %broadcast_in_dim3A_198 = vector.broadcast %add3A_197 : i32 to vector<16xi32>
        %gather3A_199 = tpu.vector_load_idx %arg9[%broadcast_in_dim3A_198] : memref<128xf32, #tpu.memory_space<vmem>>[vector<16xi32>], vector<16xf32>,
        %add3A_200 = arith.constant 10 : i32
        %add3A_201 = arith.addi %mul3A_49, %add3A_200 : i32
        %get3A_202 = arith.index_cast %add3A_201 : i32 to index
        %get3A_203 = arith.constant 0 : index
        %get3A_204 = tpu.vector_load %arg10[%get3A_202, %get3A_203] {strides = array<i32>} : memref<128x16xf32, #tpu.memory_space<vmem>>, vector<16xf32>,
        %mul3A_205 = arith.mulf %get3A_204, %gather3A_199 : vector<16xf32>
        %add3A_206 = arith.constant 10 : i32
        %add3A_207 = arith.addi %mul3A_49, %add3A_206 : i32
        %swap3A_208 = arith.index_cast %add3A_207 : i32 to index
        %swap3A_209 = arith.constant 0 : index
        %swap3A_210 = tpu.vector_load %arg11[%swap3A_208, %swap3A_209] {strides = array<i32>} : memref<128x16xf32, #tpu.memory_space<vmem>>, vector<16xf32>,
        tpu.vector_store %arg11[%swap3A_208, %swap3A_209], %mul3A_205 {strides = array<i32>} : memref<128x16xf32, #tpu.memory_space<vmem>>, vector<16xf32>,
        %add3A_211 = arith.constant 11 : i32
        %add3A_212 = arith.addi %mul3A_49, %add3A_211 : i32
        %broadcast_in_dim3A_213 = vector.broadcast %add3A_212 : i32 to vector<16xi32>
        %gather3A_214 = tpu.vector_load_idx %arg9[%broadcast_in_dim3A_213] : memref<128xf32, #tpu.memory_space<vmem>>[vector<16xi32>], vector<16xf32>,
        %add3A_215 = arith.constant 11 : i32
        %add3A_216 = arith.addi %mul3A_49, %add3A_215 : i32
        %get3A_217 = arith.index_cast %add3A_216 : i32 to index
        %get3A_218 = arith.constant 0 : index
        %get3A_219 = tpu.vector_load %arg10[%get3A_217, %get3A_218] {strides = array<i32>} : memref<128x16xf32, #tpu.memory_space<vmem>>, vector<16xf32>,
        %mul3A_220 = arith.mulf %get3A_219, %gather3A_214 : vector<16xf32>
        %add3A_221 = arith.constant 11 : i32
        %add3A_222 = arith.addi %mul3A_49, %add3A_221 : i32
        %swap3A_223 = arith.index_cast %add3A_222 : i32 to index
        %swap3A_224 = arith.constant 0 : index
        %swap3A_225 = tpu.vector_load %arg11[%swap3A_223, %swap3A_224] {strides = array<i32>} : memref<128x16xf32, #tpu.memory_space<vmem>>, vector<16xf32>,
        tpu.vector_store %arg11[%swap3A_223, %swap3A_224], %mul3A_220 {strides = array<i32>} : memref<128x16xf32, #tpu.memory_space<vmem>>, vector<16xf32>,
        %add3A_226 = arith.constant 12 : i32
        %add3A_227 = arith.addi %mul3A_49, %add3A_226 : i32
        %broadcast_in_dim3A_228 = vector.broadcast %add3A_227 : i32 to vector<16xi32>
        %gather3A_229 = tpu.vector_load_idx %arg9[%broadcast_in_dim3A_228] : memref<128xf32, #tpu.memory_space<vmem>>[vector<16xi32>], vector<16xf32>,
        %add3A_230 = arith.constant 12 : i32
        %add3A_231 = arith.addi %mul3A_49, %add3A_230 : i32
        %get3A_232 = arith.index_cast %add3A_231 : i32 to index
        %get3A_233 = arith.constant 0 : index
        %get3A_234 = tpu.vector_load %arg10[%get3A_232, %get3A_233] {strides = array<i32>} : memref<128x16xf32, #tpu.memory_space<vmem>>, vector<16xf32>,
        %mul3A_235 = arith.mulf %get3A_234, %gather3A_229 : vector<16xf32>
        %add3A_236 = arith.constant 12 : i32
        %add3A_237 = arith.addi %mul3A_49, %add3A_236 : i32
        %swap3A_238 = arith.index_cast %add3A_237 : i32 to index
        %swap3A_239 = arith.constant 0 : index
        %swap3A_240 = tpu.vector_load %arg11[%swap3A_238, %swap3A_239] {strides = array<i32>} : memref<128x16xf32, #tpu.memory_space<vmem>>, vector<16xf32>,
        tpu.vector_store %arg11[%swap3A_238, %swap3A_239], %mul3A_235 {strides = array<i32>} : memref<128x16xf32, #tpu.memory_space<vmem>>, vector<16xf32>,
        %add3A_241 = arith.constant 13 : i32
        %add3A_242 = arith.addi %mul3A_49, %add3A_241 : i32
        %broadcast_in_dim3A_243 = vector.broadcast %add3A_242 : i32 to vector<16xi32>
        %gather3A_244 = tpu.vector_load_idx %arg9[%broadcast_in_dim3A_243] : memref<128xf32, #tpu.memory_space<vmem>>[vector<16xi32>], vector<16xf32>,
        %add3A_245 = arith.constant 13 : i32
        %add3A_246 = arith.addi %mul3A_49, %add3A_245 : i32
        %get3A_247 = arith.index_cast %add3A_246 : i32 to index
        %get3A_248 = arith.constant 0 : index
        %get3A_249 = tpu.vector_load %arg10[%get3A_247, %get3A_248] {strides = array<i32>} : memref<128x16xf32, #tpu.memory_space<vmem>>, vector<16xf32>,
        %mul3A_250 = arith.mulf %get3A_249, %gather3A_244 : vector<16xf32>
        %add3A_251 = arith.constant 13 : i32
        %add3A_252 = arith.addi %mul3A_49, %add3A_251 : i32
        %swap3A_253 = arith.index_cast %add3A_252 : i32 to index
        %swap3A_254 = arith.constant 0 : index
        %swap3A_255 = tpu.vector_load %arg11[%swap3A_253, %swap3A_254] {strides = array<i32>} : memref<128x16xf32, #tpu.memory_space<vmem>>, vector<16xf32>,
        tpu.vector_store %arg11[%swap3A_253, %swap3A_254], %mul3A_250 {strides = array<i32>} : memref<128x16xf32, #tpu.memory_space<vmem>>, vector<16xf32>,
        %add3A_256 = arith.constant 14 : i32
        %add3A_257 = arith.addi %mul3A_49, %add3A_256 : i32
        %broadcast_in_dim3A_258 = vector.broadcast %add3A_257 : i32 to vector<16xi32>
        %gather3A_259 = tpu.vector_load_idx %arg9[%broadcast_in_dim3A_258] : memref<128xf32, #tpu.memory_space<vmem>>[vector<16xi32>], vector<16xf32>,
        %add3A_260 = arith.constant 14 : i32
        %add3A_261 = arith.addi %mul3A_49, %add3A_260 : i32
        %get3A_262 = arith.index_cast %add3A_261 : i32 to index
        %get3A_263 = arith.constant 0 : index
        %get3A_264 = tpu.vector_load %arg10[%get3A_262, %get3A_263] {strides = array<i32>} : memref<128x16xf32, #tpu.memory_space<vmem>>, vector<16xf32>,
        %mul3A_265 = arith.mulf %get3A_264, %gather3A_259 : vector<16xf32>
        %add3A_266 = arith.constant 14 : i32
        %add3A_267 = arith.addi %mul3A_49, %add3A_266 : i32
        %swap3A_268 = arith.index_cast %add3A_267 : i32 to index
        %swap3A_269 = arith.constant 0 : index
        %swap3A_270 = tpu.vector_load %arg11[%swap3A_268, %swap3A_269] {strides = array<i32>} : memref<128x16xf32, #tpu.memory_space<vmem>>, vector<16xf32>,
        tpu.vector_store %arg11[%swap3A_268, %swap3A_269], %mul3A_265 {strides = array<i32>} : memref<128x16xf32, #tpu.memory_space<vmem>>, vector<16xf32>,
        %add3A_271 = arith.constant 15 : i32
        %add3A_272 = arith.addi %mul3A_49, %add3A_271 : i32
        %broadcast_in_dim3A_273 = vector.broadcast %add3A_272 : i32 to vector<16xi32>
        %gather3A_274 = tpu.vector_load_idx %arg9[%broadcast_in_dim3A_273] : memref<128xf32, #tpu.memory_space<vmem>>[vector<16xi32>], vector<16xf32>,
        %add3A_275 = arith.constant 15 : i32
        %add3A_276 = arith.addi %mul3A_49, %add3A_275 : i32
        %get3A_277 = arith.index_cast %add3A_276 : i32 to index
        %get3A_278 = arith.constant 0 : index
        %get3A_279 = tpu.vector_load %arg10[%get3A_277, %get3A_278] {strides = array<i32>} : memref<128x16xf32, #tpu.memory_space<vmem>>, vector<16xf32>,
        %mul3A_280 = arith.mulf %get3A_279, %gather3A_274 : vector<16xf32>
        %add3A_281 = arith.constant 15 : i32
        %add3A_282 = arith.addi %mul3A_49, %add3A_281 : i32
        %swap3A_283 = arith.index_cast %add3A_282 : i32 to index
        %swap3A_284 = arith.constant 0 : index
        %swap3A_285 = tpu.vector_load %arg11[%swap3A_283, %swap3A_284] {strides = array<i32>} : memref<128x16xf32, #tpu.memory_space<vmem>>, vector<16xf32>,
        tpu.vector_store %arg11[%swap3A_283, %swap3A_284], %mul3A_280 {strides = array<i32>} : memref<128x16xf32, #tpu.memory_space<vmem>>, vector<16xf32>,
      }
      %scan3A_42 = arith.constant 8 : i32
      "tpu.region"() ({
        %run_scoped3A = tpu.sem_alloc : memref<!tpu.dma_semaphore, #tpu.memory_space<semaphore_mem>>
        %dma_start3A_43 = arith.constant 0 : i32
        %dma_start3A_44 = arith.constant 0 : i32
        %dma_start3A_45 = tpu.memref_slice %arg13[%dma_start3A_43, %dma_start3A_44] : memref<10240x16xf32, #tpu.memory_space<vmem_shared>> -> memref<10240x16xf32, #tpu.memory_space<vmem_shared>>
        tpu.enqueue_indirect_dma source(%arg11 : memref<128x16xf32, #tpu.memory_space<vmem>>) target(%dma_start3A_45 : memref<10240x16xf32, #tpu.memory_space<vmem_shared>>) offsets(%arg8 : memref<128xi32, #tpu.memory_space<vmem>>) semaphore(%run_scoped3A : memref<!tpu.dma_semaphore, #tpu.memory_space<semaphore_mem>>) {add = true}
        %dma_wait3A_46 = arith.constant 0 : i32
        %dma_wait3A_47 = arith.constant 0 : i32
        %dma_wait3A_48 = tpu.memref_slice %arg13[%dma_wait3A_46, %dma_wait3A_47] : memref<10240x16xf32, #tpu.memory_space<vmem_shared>> -> memref<10240x16xf32, #tpu.memory_space<vmem_shared>>
        tpu.wait_indirect_dma semaphore(%run_scoped3A : memref<!tpu.dma_semaphore, #tpu.memory_space<semaphore_mem>>) src(%arg11 : memref<128x16xf32, #tpu.memory_space<vmem>>) dst(%dma_wait3A_48 : memref<10240x16xf32, #tpu.memory_space<vmem_shared>>)
        tpu.yield
      }) : () -> ()
    }
    %scan3A_22 = arith.constant 79 : i32
    %barrier3A_23 = arith.constant 0 : index
    tpu.barrier barrier_id(%barrier3A_23)
    %mul3A_24 = arith.constant 640 : i32
    %mul3A_25 = arith.muli %arg1, %mul3A_24 : i32
    %mul3A_26 = arith.constant 640 : i32
    %mul3A_27 = arith.muli %arg1, %mul3A_26 : i32
    "tpu.region"() ({
      %run_scoped3A = tpu.sem_alloc : memref<!tpu.dma_semaphore, #tpu.memory_space<semaphore_mem>>
      %dma_start3A = arith.constant 0 : i32
      %dma_start3A_28 = tpu.memref_slice %arg6[%arg0, %mul3A_27, %dma_start3A] : memref<2x10240x16xf32, #tpu.memory_space<hbm>> -> memref<1x640x16xf32, #tpu.memory_space<hbm>>
      %dma_start3A_29 = tpu.memref_squeeze %dma_start3A_28 : memref<1x640x16xf32, #tpu.memory_space<hbm>> -> memref<640x16xf32, #tpu.memory_space<hbm>>
      %dma_start3A_30 = arith.constant 0 : i32
      %dma_start3A_31 = tpu.memref_slice %arg13[%mul3A_25, %dma_start3A_30] : memref<10240x16xf32, #tpu.memory_space<vmem_shared>> -> memref<640x16xf32, #tpu.memory_space<vmem_shared>>
      tpu.enqueue_dma source(%dma_start3A_31 : memref<640x16xf32, #tpu.memory_space<vmem_shared>>) target(%dma_start3A_29 : memref<640x16xf32, #tpu.memory_space<hbm>>) target_semaphore(%run_scoped3A : memref<!tpu.dma_semaphore, #tpu.memory_space<semaphore_mem>>)
      %dma_wait3A = arith.constant 0 : i32
      %dma_wait3A_32 = tpu.memref_slice %arg6[%arg0, %mul3A_27, %dma_wait3A] : memref<2x10240x16xf32, #tpu.memory_space<hbm>> -> memref<1x640x16xf32, #tpu.memory_space<hbm>>
      %dma_wait3A_33 = tpu.memref_squeeze %dma_wait3A_32 : memref<1x640x16xf32, #tpu.memory_space<hbm>> -> memref<640x16xf32, #tpu.memory_space<hbm>>
      %dma_wait3A_34 = arith.constant 0 : i32
      %dma_wait3A_35 = tpu.memref_slice %arg13[%mul3A_25, %dma_wait3A_34] : memref<10240x16xf32, #tpu.memory_space<vmem_shared>> -> memref<640x16xf32, #tpu.memory_space<vmem_shared>>
      tpu.wait_dma2 semaphore(%run_scoped3A : memref<!tpu.dma_semaphore, #tpu.memory_space<semaphore_mem>>) src(%dma_wait3A_35 : memref<640x16xf32, #tpu.memory_space<vmem_shared>>) dst(%dma_wait3A_33 : memref<640x16xf32, #tpu.memory_space<hbm>>)
      tpu.yield
    }) : () -> ()
    return
  }
}

#map = affine_map<(d0, d1) -> (0, 0)>
#map1 = affine_map<(d0, d1) -> (0, 0, 0)>
module attributes {stable_mosaic.version = 14 : i64} {
  func.func @k(%arg0: i32, %arg1: i32, %arg2: memref<20480x64xf32, #tpu.memory_space<hbm>>, %arg3: memref<2528x128xi32, #tpu.memory_space<hbm>>, %arg4: memref<2528x128xi32, #tpu.memory_space<hbm>>, %arg5: memref<2528x128xf32, #tpu.memory_space<hbm>>, %arg6: memref<2x10240x64xf32, #tpu.memory_space<hbm>>, %arg7: memref<128xi32, #tpu.memory_space<vmem>>, %arg8: memref<128xi32, #tpu.memory_space<vmem>>, %arg9: memref<128xf32, #tpu.memory_space<vmem>>, %arg10: memref<128x64xf32, #tpu.memory_space<vmem>>, %arg11: memref<128x64xf32, #tpu.memory_space<vmem>>, %arg12: memref<128x64xf32, #tpu.memory_space<vmem>>, %arg13: memref<10240x64xf32, #tpu.memory_space<vmem_shared>>, %arg14: memref<!tpu.dma_semaphore, #tpu.memory_space<semaphore_mem>>) attributes {dimension_semantics = [#tpu.dimension_semantics<core_parallel>, #tpu.dimension_semantics<subcore_parallel>], iteration_bounds = array<i64: 2, 16>, scalar_prefetch = 0 : i64, scratch_operands = 8 : i64, tpu.core_type = #tpu.core_type<sc_vector_subcore>, window_params = [{transform_indices = #map}, {transform_indices = #map}, {transform_indices = #map}, {transform_indices = #map}, {transform_indices = #map1}]} {
    %mul3A = arith.constant 158 : i32
    %mul3A_0 = arith.muli %arg1, %mul3A : i32
    %mul3A_1 = arith.constant 10240 : i32
    %mul3A_2 = arith.muli %arg0, %mul3A_1 : i32
    %scan3A = arith.constant 0 : i32
    %scan3A_3 = arith.constant 128 : i32
    %scan3A_4 = arith.addi %scan3A, %scan3A_3 : i32
    %scan3A_5 = arith.constant 1 : i32
    scf.for %scan3A_22 = %scan3A to %scan3A_4 step %scan3A_5  : i32 {
      %mul3A_23 = arith.constant 1 : i32
      %mul3A_24 = arith.muli %scan3A_22, %mul3A_23 : i32
      %add3A = arith.constant 0 : i32
      %add3A_25 = arith.addi %add3A, %mul3A_24 : i32
      %broadcast_in_dim3A = arith.constant 0.000000e+00 : f32
      %broadcast_in_dim3A_26 = vector.broadcast %broadcast_in_dim3A : f32 to vector<16xf32>
      %swap3A = arith.index_cast %add3A_25 : i32 to index
      %swap3A_27 = arith.constant 0 : index
      %swap3A_28 = tpu.vector_load %arg12[%swap3A, %swap3A_27] {strides = array<i32>} : memref<128x64xf32, #tpu.memory_space<vmem>>, vector<16xf32>,
      tpu.vector_store %arg12[%swap3A, %swap3A_27], %broadcast_in_dim3A_26 {strides = array<i32>} : memref<128x64xf32, #tpu.memory_space<vmem>>, vector<16xf32>,
      %broadcast_in_dim3A_29 = arith.constant 0.000000e+00 : f32
      %broadcast_in_dim3A_30 = vector.broadcast %broadcast_in_dim3A_29 : f32 to vector<16xf32>
      %swap3A_31 = arith.index_cast %add3A_25 : i32 to index
      %swap3A_32 = arith.constant 16 : index
      %swap3A_33 = tpu.vector_load %arg12[%swap3A_31, %swap3A_32] {strides = array<i32>} : memref<128x64xf32, #tpu.memory_space<vmem>>, vector<16xf32>,
      tpu.vector_store %arg12[%swap3A_31, %swap3A_32], %broadcast_in_dim3A_30 {strides = array<i32>} : memref<128x64xf32, #tpu.memory_space<vmem>>, vector<16xf32>,
      %broadcast_in_dim3A_34 = arith.constant 0.000000e+00 : f32
      %broadcast_in_dim3A_35 = vector.broadcast %broadcast_in_dim3A_34 : f32 to vector<16xf32>
      %swap3A_36 = arith.index_cast %add3A_25 : i32 to index
      %swap3A_37 = arith.constant 32 : index
      %swap3A_38 = tpu.vector_load %arg12[%swap3A_36, %swap3A_37] {strides = array<i32>} : memref<128x64xf32, #tpu.memory_space<vmem>>, vector<16xf32>,
      tpu.vector_store %arg12[%swap3A_36, %swap3A_37], %broadcast_in_dim3A_35 {strides = array<i32>} : memref<128x64xf32, #tpu.memory_space<vmem>>, vector<16xf32>,
      %broadcast_in_dim3A_39 = arith.constant 0.000000e+00 : f32
      %broadcast_in_dim3A_40 = vector.broadcast %broadcast_in_dim3A_39 : f32 to vector<16xf32>
      %swap3A_41 = arith.index_cast %add3A_25 : i32 to index
      %swap3A_42 = arith.constant 48 : index
      %swap3A_43 = tpu.vector_load %arg12[%swap3A_41, %swap3A_42] {strides = array<i32>} : memref<128x64xf32, #tpu.memory_space<vmem>>, vector<16xf32>,
      tpu.vector_store %arg12[%swap3A_41, %swap3A_42], %broadcast_in_dim3A_40 {strides = array<i32>} : memref<128x64xf32, #tpu.memory_space<vmem>>, vector<16xf32>,
    }
    %scan3A_6 = arith.constant 128 : i32
    %scan3A_7 = arith.constant 0 : i32
    %scan3A_8 = arith.constant 5 : i32
    %scan3A_9 = arith.addi %scan3A_7, %scan3A_8 : i32
    %scan3A_10 = arith.constant 1 : i32
    scf.for %scan3A_22 = %scan3A_7 to %scan3A_9 step %scan3A_10  : i32 {
      %mul3A_23 = arith.constant 1 : i32
      %mul3A_24 = arith.muli %scan3A_22, %mul3A_23 : i32
      %add3A = arith.constant 0 : i32
      %add3A_25 = arith.addi %add3A, %mul3A_24 : i32
      %mul3A_26 = arith.constant 640 : i32
      %mul3A_27 = arith.muli %arg1, %mul3A_26 : i32
      %mul3A_28 = arith.constant 128 : i32
      %mul3A_29 = arith.muli %add3A_25, %mul3A_28 : i32
      %add3A_30 = arith.addi %mul3A_27, %mul3A_29 : i32
      "tpu.region"() ({
        %run_scoped3A = tpu.sem_alloc : memref<!tpu.dma_semaphore, #tpu.memory_space<semaphore_mem>>
        %dma_start3A = arith.constant 0 : i32
        %dma_start3A_31 = tpu.memref_slice %arg13[%add3A_30, %dma_start3A] : memref<10240x64xf32, #tpu.memory_space<vmem_shared>> -> memref<128x64xf32, #tpu.memory_space<vmem_shared>>
        %dma_start3A_32 = arith.constant 0 : i32
        %dma_start3A_33 = tpu.memref_slice %arg13[%add3A_30, %dma_start3A_32] : memref<10240x64xf32, #tpu.memory_space<vmem_shared>> -> memref<128x64xf32, #tpu.memory_space<vmem_shared>>
        tpu.enqueue_dma source(%arg12 : memref<128x64xf32, #tpu.memory_space<vmem>>) target(%dma_start3A_33 : memref<128x64xf32, #tpu.memory_space<vmem_shared>>) target_semaphore(%run_scoped3A : memref<!tpu.dma_semaphore, #tpu.memory_space<semaphore_mem>>)
        %dma_wait3A = arith.constant 0 : i32
        %dma_wait3A_34 = tpu.memref_slice %arg13[%add3A_30, %dma_wait3A] : memref<10240x64xf32, #tpu.memory_space<vmem_shared>> -> memref<128x64xf32, #tpu.memory_space<vmem_shared>>
        %dma_wait3A_35 = arith.constant 0 : i32
        %dma_wait3A_36 = tpu.memref_slice %arg13[%add3A_30, %dma_wait3A_35] : memref<10240x64xf32, #tpu.memory_space<vmem_shared>> -> memref<128x64xf32, #tpu.memory_space<vmem_shared>>
        tpu.wait_dma2 semaphore(%run_scoped3A : memref<!tpu.dma_semaphore, #tpu.memory_space<semaphore_mem>>) src(%arg12 : memref<128x64xf32, #tpu.memory_space<vmem>>) dst(%dma_wait3A_36 : memref<128x64xf32, #tpu.memory_space<vmem_shared>>)
        tpu.yield
      }) : () -> ()
    }
    %scan3A_11 = arith.constant 5 : i32
    %barrier3A = arith.constant 0 : index
    tpu.barrier barrier_id(%barrier3A)
    %scan3A_12 = arith.constant 0 : i32
    %scan3A_13 = arith.constant 158 : i32
    %scan3A_14 = arith.addi %scan3A_12, %scan3A_13 : i32
    %scan3A_15 = arith.constant 1 : i32
    scf.for %scan3A_22 = %scan3A_12 to %scan3A_14 step %scan3A_15  : i32 {
      %mul3A_23 = arith.constant 1 : i32
      %mul3A_24 = arith.muli %scan3A_22, %mul3A_23 : i32
      %add3A = arith.constant 0 : i32
      %add3A_25 = arith.addi %add3A, %mul3A_24 : i32
      %add3A_26 = arith.addi %mul3A_0, %add3A_25 : i32
      "tpu.region"() ({
        %run_scoped3A = tpu.sem_alloc : memref<!tpu.dma_semaphore, #tpu.memory_space<semaphore_mem>>
        %dma_start3A_41 = arith.constant 0 : i32
        %dma_start3A_42 = tpu.memref_slice %arg3[%add3A_26, %dma_start3A_41] : memref<2528x128xi32, #tpu.memory_space<hbm>> -> memref<1x128xi32, #tpu.memory_space<hbm>>
        %dma_start3A_43 = tpu.memref_squeeze %dma_start3A_42 : memref<1x128xi32, #tpu.memory_space<hbm>> -> memref<128xi32, #tpu.memory_space<hbm>>
        %dma_start3A_44 = arith.constant 0 : i32
        %dma_start3A_45 = tpu.memref_slice %arg3[%add3A_26, %dma_start3A_44] : memref<2528x128xi32, #tpu.memory_space<hbm>> -> memref<1x128xi32, #tpu.memory_space<hbm>>
        %dma_start3A_46 = tpu.memref_squeeze %dma_start3A_45 : memref<1x128xi32, #tpu.memory_space<hbm>> -> memref<128xi32, #tpu.memory_space<hbm>>
        tpu.enqueue_dma source(%dma_start3A_46 : memref<128xi32, #tpu.memory_space<hbm>>) target(%arg7 : memref<128xi32, #tpu.memory_space<vmem>>) target_semaphore(%run_scoped3A : memref<!tpu.dma_semaphore, #tpu.memory_space<semaphore_mem>>)
        %dma_wait3A_47 = arith.constant 0 : i32
        %dma_wait3A_48 = tpu.memref_slice %arg3[%add3A_26, %dma_wait3A_47] : memref<2528x128xi32, #tpu.memory_space<hbm>> -> memref<1x128xi32, #tpu.memory_space<hbm>>
        %dma_wait3A_49 = tpu.memref_squeeze %dma_wait3A_48 : memref<1x128xi32, #tpu.memory_space<hbm>> -> memref<128xi32, #tpu.memory_space<hbm>>
        %dma_wait3A_50 = arith.constant 0 : i32
        %dma_wait3A_51 = tpu.memref_slice %arg3[%add3A_26, %dma_wait3A_50] : memref<2528x128xi32, #tpu.memory_space<hbm>> -> memref<1x128xi32, #tpu.memory_space<hbm>>
        %dma_wait3A_52 = tpu.memref_squeeze %dma_wait3A_51 : memref<1x128xi32, #tpu.memory_space<hbm>> -> memref<128xi32, #tpu.memory_space<hbm>>
        tpu.wait_dma2 semaphore(%run_scoped3A : memref<!tpu.dma_semaphore, #tpu.memory_space<semaphore_mem>>) src(%dma_wait3A_52 : memref<128xi32, #tpu.memory_space<hbm>>) dst(%arg7 : memref<128xi32, #tpu.memory_space<vmem>>)
        tpu.yield
      }) : () -> ()
      "tpu.region"() ({
        %run_scoped3A = tpu.sem_alloc : memref<!tpu.dma_semaphore, #tpu.memory_space<semaphore_mem>>
        %dma_start3A_41 = arith.constant 0 : i32
        %dma_start3A_42 = tpu.memref_slice %arg4[%add3A_26, %dma_start3A_41] : memref<2528x128xi32, #tpu.memory_space<hbm>> -> memref<1x128xi32, #tpu.memory_space<hbm>>
        %dma_start3A_43 = tpu.memref_squeeze %dma_start3A_42 : memref<1x128xi32, #tpu.memory_space<hbm>> -> memref<128xi32, #tpu.memory_space<hbm>>
        %dma_start3A_44 = arith.constant 0 : i32
        %dma_start3A_45 = tpu.memref_slice %arg4[%add3A_26, %dma_start3A_44] : memref<2528x128xi32, #tpu.memory_space<hbm>> -> memref<1x128xi32, #tpu.memory_space<hbm>>
        %dma_start3A_46 = tpu.memref_squeeze %dma_start3A_45 : memref<1x128xi32, #tpu.memory_space<hbm>> -> memref<128xi32, #tpu.memory_space<hbm>>
        tpu.enqueue_dma source(%dma_start3A_46 : memref<128xi32, #tpu.memory_space<hbm>>) target(%arg8 : memref<128xi32, #tpu.memory_space<vmem>>) target_semaphore(%run_scoped3A : memref<!tpu.dma_semaphore, #tpu.memory_space<semaphore_mem>>)
        %dma_wait3A_47 = arith.constant 0 : i32
        %dma_wait3A_48 = tpu.memref_slice %arg4[%add3A_26, %dma_wait3A_47] : memref<2528x128xi32, #tpu.memory_space<hbm>> -> memref<1x128xi32, #tpu.memory_space<hbm>>
        %dma_wait3A_49 = tpu.memref_squeeze %dma_wait3A_48 : memref<1x128xi32, #tpu.memory_space<hbm>> -> memref<128xi32, #tpu.memory_space<hbm>>
        %dma_wait3A_50 = arith.constant 0 : i32
        %dma_wait3A_51 = tpu.memref_slice %arg4[%add3A_26, %dma_wait3A_50] : memref<2528x128xi32, #tpu.memory_space<hbm>> -> memref<1x128xi32, #tpu.memory_space<hbm>>
        %dma_wait3A_52 = tpu.memref_squeeze %dma_wait3A_51 : memref<1x128xi32, #tpu.memory_space<hbm>> -> memref<128xi32, #tpu.memory_space<hbm>>
        tpu.wait_dma2 semaphore(%run_scoped3A : memref<!tpu.dma_semaphore, #tpu.memory_space<semaphore_mem>>) src(%dma_wait3A_52 : memref<128xi32, #tpu.memory_space<hbm>>) dst(%arg8 : memref<128xi32, #tpu.memory_space<vmem>>)
        tpu.yield
      }) : () -> ()
      "tpu.region"() ({
        %run_scoped3A = tpu.sem_alloc : memref<!tpu.dma_semaphore, #tpu.memory_space<semaphore_mem>>
        %dma_start3A_41 = arith.constant 0 : i32
        %dma_start3A_42 = tpu.memref_slice %arg5[%add3A_26, %dma_start3A_41] : memref<2528x128xf32, #tpu.memory_space<hbm>> -> memref<1x128xf32, #tpu.memory_space<hbm>>
        %dma_start3A_43 = tpu.memref_squeeze %dma_start3A_42 : memref<1x128xf32, #tpu.memory_space<hbm>> -> memref<128xf32, #tpu.memory_space<hbm>>
        %dma_start3A_44 = arith.constant 0 : i32
        %dma_start3A_45 = tpu.memref_slice %arg5[%add3A_26, %dma_start3A_44] : memref<2528x128xf32, #tpu.memory_space<hbm>> -> memref<1x128xf32, #tpu.memory_space<hbm>>
        %dma_start3A_46 = tpu.memref_squeeze %dma_start3A_45 : memref<1x128xf32, #tpu.memory_space<hbm>> -> memref<128xf32, #tpu.memory_space<hbm>>
        tpu.enqueue_dma source(%dma_start3A_46 : memref<128xf32, #tpu.memory_space<hbm>>) target(%arg9 : memref<128xf32, #tpu.memory_space<vmem>>) target_semaphore(%run_scoped3A : memref<!tpu.dma_semaphore, #tpu.memory_space<semaphore_mem>>)
        %dma_wait3A_47 = arith.constant 0 : i32
        %dma_wait3A_48 = tpu.memref_slice %arg5[%add3A_26, %dma_wait3A_47] : memref<2528x128xf32, #tpu.memory_space<hbm>> -> memref<1x128xf32, #tpu.memory_space<hbm>>
        %dma_wait3A_49 = tpu.memref_squeeze %dma_wait3A_48 : memref<1x128xf32, #tpu.memory_space<hbm>> -> memref<128xf32, #tpu.memory_space<hbm>>
        %dma_wait3A_50 = arith.constant 0 : i32
        %dma_wait3A_51 = tpu.memref_slice %arg5[%add3A_26, %dma_wait3A_50] : memref<2528x128xf32, #tpu.memory_space<hbm>> -> memref<1x128xf32, #tpu.memory_space<hbm>>
        %dma_wait3A_52 = tpu.memref_squeeze %dma_wait3A_51 : memref<1x128xf32, #tpu.memory_space<hbm>> -> memref<128xf32, #tpu.memory_space<hbm>>
        tpu.wait_dma2 semaphore(%run_scoped3A : memref<!tpu.dma_semaphore, #tpu.memory_space<semaphore_mem>>) src(%dma_wait3A_52 : memref<128xf32, #tpu.memory_space<hbm>>) dst(%arg9 : memref<128xf32, #tpu.memory_space<vmem>>)
        tpu.yield
      }) : () -> ()
      %scan3A_27 = arith.constant 0 : i32
      %scan3A_28 = arith.constant 8 : i32
      %scan3A_29 = arith.addi %scan3A_27, %scan3A_28 : i32
      %scan3A_30 = arith.constant 1 : i32
      scf.for %scan3A_41 = %scan3A_27 to %scan3A_29 step %scan3A_30  : i32 {
        %mul3A_42 = arith.constant 1 : i32
        %mul3A_43 = arith.muli %scan3A_41, %mul3A_42 : i32
        %add3A_44 = arith.constant 0 : i32
        %add3A_45 = arith.addi %add3A_44, %mul3A_43 : i32
        %mul3A_46 = arith.constant 16 : i32
        %mul3A_47 = arith.muli %add3A_45, %mul3A_46 : i32
        %get3A = arith.index_cast %mul3A_47 : i32 to index
        %get3A_48 = tpu.vector_load %arg7[%get3A] {strides = array<i32>} : memref<128xi32, #tpu.memory_space<vmem>>, vector<16xi32>,
        %add3A_49 = vector.broadcast %mul3A_2 : i32 to vector<16xi32>
        %add3A_50 = arith.addi %get3A_48, %add3A_49 : vector<16xi32>
        %swap3A = arith.index_cast %mul3A_47 : i32 to index
        %swap3A_51 = tpu.vector_load %arg7[%swap3A] {strides = array<i32>} : memref<128xi32, #tpu.memory_space<vmem>>, vector<16xi32>,
        tpu.vector_store %arg7[%swap3A], %add3A_50 {strides = array<i32>} : memref<128xi32, #tpu.memory_space<vmem>>, vector<16xi32>,
      }
      %scan3A_31 = arith.constant 8 : i32
      %dma_start3A = arith.constant 0 : i32
      %dma_start3A_32 = arith.constant 0 : i32
      %dma_start3A_33 = tpu.memref_slice %arg2[%dma_start3A, %dma_start3A_32] : memref<20480x64xf32, #tpu.memory_space<hbm>> -> memref<20480x64xf32, #tpu.memory_space<hbm>>
      tpu.enqueue_indirect_dma source(%dma_start3A_33 : memref<20480x64xf32, #tpu.memory_space<hbm>>) target(%arg10 : memref<128x64xf32, #tpu.memory_space<vmem>>) offsets(%arg7 : memref<128xi32, #tpu.memory_space<vmem>>) semaphore(%arg14 : memref<!tpu.dma_semaphore, #tpu.memory_space<semaphore_mem>>)
      %dma_wait3A = arith.constant 0 : i32
      %dma_wait3A_34 = arith.constant 0 : i32
      %dma_wait3A_35 = tpu.memref_slice %arg2[%dma_wait3A, %dma_wait3A_34] : memref<20480x64xf32, #tpu.memory_space<hbm>> -> memref<20480x64xf32, #tpu.memory_space<hbm>>
      tpu.wait_indirect_dma semaphore(%arg14 : memref<!tpu.dma_semaphore, #tpu.memory_space<semaphore_mem>>) src(%dma_wait3A_35 : memref<20480x64xf32, #tpu.memory_space<hbm>>) dst(%arg10 : memref<128x64xf32, #tpu.memory_space<vmem>>)
      %scan3A_36 = arith.constant 0 : i32
      %scan3A_37 = arith.constant 8 : i32
      %scan3A_38 = arith.addi %scan3A_36, %scan3A_37 : i32
      %scan3A_39 = arith.constant 1 : i32
      scf.for %scan3A_41 = %scan3A_36 to %scan3A_38 step %scan3A_39  : i32 {
        %mul3A_42 = arith.constant 1 : i32
        %mul3A_43 = arith.muli %scan3A_41, %mul3A_42 : i32
        %add3A_44 = arith.constant 0 : i32
        %add3A_45 = arith.addi %add3A_44, %mul3A_43 : i32
        %mul3A_46 = arith.constant 16 : i32
        %mul3A_47 = arith.muli %add3A_45, %mul3A_46 : i32
        %add3A_48 = arith.constant 0 : i32
        %add3A_49 = arith.addi %mul3A_47, %add3A_48 : i32
        %broadcast_in_dim3A = vector.broadcast %add3A_49 : i32 to vector<16xi32>
        %gather3A = tpu.vector_load_idx %arg9[%broadcast_in_dim3A] : memref<128xf32, #tpu.memory_space<vmem>>[vector<16xi32>], vector<16xf32>,
        %add3A_50 = arith.constant 0 : i32
        %add3A_51 = arith.addi %mul3A_47, %add3A_50 : i32
        %get3A = arith.index_cast %add3A_51 : i32 to index
        %get3A_52 = arith.constant 0 : index
        %get3A_53 = tpu.vector_load %arg10[%get3A, %get3A_52] {strides = array<i32>} : memref<128x64xf32, #tpu.memory_space<vmem>>, vector<16xf32>,
        %mul3A_54 = arith.mulf %get3A_53, %gather3A : vector<16xf32>
        %add3A_55 = arith.constant 0 : i32
        %add3A_56 = arith.addi %mul3A_47, %add3A_55 : i32
        %swap3A = arith.index_cast %add3A_56 : i32 to index
        %swap3A_57 = arith.constant 0 : index
        %swap3A_58 = tpu.vector_load %arg11[%swap3A, %swap3A_57] {strides = array<i32>} : memref<128x64xf32, #tpu.memory_space<vmem>>, vector<16xf32>,
        tpu.vector_store %arg11[%swap3A, %swap3A_57], %mul3A_54 {strides = array<i32>} : memref<128x64xf32, #tpu.memory_space<vmem>>, vector<16xf32>,
        %add3A_59 = arith.constant 0 : i32
        %add3A_60 = arith.addi %mul3A_47, %add3A_59 : i32
        %get3A_61 = arith.index_cast %add3A_60 : i32 to index
        %get3A_62 = arith.constant 16 : index
        %get3A_63 = tpu.vector_load %arg10[%get3A_61, %get3A_62] {strides = array<i32>} : memref<128x64xf32, #tpu.memory_space<vmem>>, vector<16xf32>,
        %mul3A_64 = arith.mulf %get3A_63, %gather3A : vector<16xf32>
        %add3A_65 = arith.constant 0 : i32
        %add3A_66 = arith.addi %mul3A_47, %add3A_65 : i32
        %swap3A_67 = arith.index_cast %add3A_66 : i32 to index
        %swap3A_68 = arith.constant 16 : index
        %swap3A_69 = tpu.vector_load %arg11[%swap3A_67, %swap3A_68] {strides = array<i32>} : memref<128x64xf32, #tpu.memory_space<vmem>>, vector<16xf32>,
        tpu.vector_store %arg11[%swap3A_67, %swap3A_68], %mul3A_64 {strides = array<i32>} : memref<128x64xf32, #tpu.memory_space<vmem>>, vector<16xf32>,
        %add3A_70 = arith.constant 0 : i32
        %add3A_71 = arith.addi %mul3A_47, %add3A_70 : i32
        %get3A_72 = arith.index_cast %add3A_71 : i32 to index
        %get3A_73 = arith.constant 32 : index
        %get3A_74 = tpu.vector_load %arg10[%get3A_72, %get3A_73] {strides = array<i32>} : memref<128x64xf32, #tpu.memory_space<vmem>>, vector<16xf32>,
        %mul3A_75 = arith.mulf %get3A_74, %gather3A : vector<16xf32>
        %add3A_76 = arith.constant 0 : i32
        %add3A_77 = arith.addi %mul3A_47, %add3A_76 : i32
        %swap3A_78 = arith.index_cast %add3A_77 : i32 to index
        %swap3A_79 = arith.constant 32 : index
        %swap3A_80 = tpu.vector_load %arg11[%swap3A_78, %swap3A_79] {strides = array<i32>} : memref<128x64xf32, #tpu.memory_space<vmem>>, vector<16xf32>,
        tpu.vector_store %arg11[%swap3A_78, %swap3A_79], %mul3A_75 {strides = array<i32>} : memref<128x64xf32, #tpu.memory_space<vmem>>, vector<16xf32>,
        %add3A_81 = arith.constant 0 : i32
        %add3A_82 = arith.addi %mul3A_47, %add3A_81 : i32
        %get3A_83 = arith.index_cast %add3A_82 : i32 to index
        %get3A_84 = arith.constant 48 : index
        %get3A_85 = tpu.vector_load %arg10[%get3A_83, %get3A_84] {strides = array<i32>} : memref<128x64xf32, #tpu.memory_space<vmem>>, vector<16xf32>,
        %mul3A_86 = arith.mulf %get3A_85, %gather3A : vector<16xf32>
        %add3A_87 = arith.constant 0 : i32
        %add3A_88 = arith.addi %mul3A_47, %add3A_87 : i32
        %swap3A_89 = arith.index_cast %add3A_88 : i32 to index
        %swap3A_90 = arith.constant 48 : index
        %swap3A_91 = tpu.vector_load %arg11[%swap3A_89, %swap3A_90] {strides = array<i32>} : memref<128x64xf32, #tpu.memory_space<vmem>>, vector<16xf32>,
        tpu.vector_store %arg11[%swap3A_89, %swap3A_90], %mul3A_86 {strides = array<i32>} : memref<128x64xf32, #tpu.memory_space<vmem>>, vector<16xf32>,
        %add3A_92 = arith.constant 1 : i32
        %add3A_93 = arith.addi %mul3A_47, %add3A_92 : i32
        %broadcast_in_dim3A_94 = vector.broadcast %add3A_93 : i32 to vector<16xi32>
        %gather3A_95 = tpu.vector_load_idx %arg9[%broadcast_in_dim3A_94] : memref<128xf32, #tpu.memory_space<vmem>>[vector<16xi32>], vector<16xf32>,
        %add3A_96 = arith.constant 1 : i32
        %add3A_97 = arith.addi %mul3A_47, %add3A_96 : i32
        %get3A_98 = arith.index_cast %add3A_97 : i32 to index
        %get3A_99 = arith.constant 0 : index
        %get3A_100 = tpu.vector_load %arg10[%get3A_98, %get3A_99] {strides = array<i32>} : memref<128x64xf32, #tpu.memory_space<vmem>>, vector<16xf32>,
        %mul3A_101 = arith.mulf %get3A_100, %gather3A_95 : vector<16xf32>
        %add3A_102 = arith.constant 1 : i32
        %add3A_103 = arith.addi %mul3A_47, %add3A_102 : i32
        %swap3A_104 = arith.index_cast %add3A_103 : i32 to index
        %swap3A_105 = arith.constant 0 : index
        %swap3A_106 = tpu.vector_load %arg11[%swap3A_104, %swap3A_105] {strides = array<i32>} : memref<128x64xf32, #tpu.memory_space<vmem>>, vector<16xf32>,
        tpu.vector_store %arg11[%swap3A_104, %swap3A_105], %mul3A_101 {strides = array<i32>} : memref<128x64xf32, #tpu.memory_space<vmem>>, vector<16xf32>,
        %add3A_107 = arith.constant 1 : i32
        %add3A_108 = arith.addi %mul3A_47, %add3A_107 : i32
        %get3A_109 = arith.index_cast %add3A_108 : i32 to index
        %get3A_110 = arith.constant 16 : index
        %get3A_111 = tpu.vector_load %arg10[%get3A_109, %get3A_110] {strides = array<i32>} : memref<128x64xf32, #tpu.memory_space<vmem>>, vector<16xf32>,
        %mul3A_112 = arith.mulf %get3A_111, %gather3A_95 : vector<16xf32>
        %add3A_113 = arith.constant 1 : i32
        %add3A_114 = arith.addi %mul3A_47, %add3A_113 : i32
        %swap3A_115 = arith.index_cast %add3A_114 : i32 to index
        %swap3A_116 = arith.constant 16 : index
        %swap3A_117 = tpu.vector_load %arg11[%swap3A_115, %swap3A_116] {strides = array<i32>} : memref<128x64xf32, #tpu.memory_space<vmem>>, vector<16xf32>,
        tpu.vector_store %arg11[%swap3A_115, %swap3A_116], %mul3A_112 {strides = array<i32>} : memref<128x64xf32, #tpu.memory_space<vmem>>, vector<16xf32>,
        %add3A_118 = arith.constant 1 : i32
        %add3A_119 = arith.addi %mul3A_47, %add3A_118 : i32
        %get3A_120 = arith.index_cast %add3A_119 : i32 to index
        %get3A_121 = arith.constant 32 : index
        %get3A_122 = tpu.vector_load %arg10[%get3A_120, %get3A_121] {strides = array<i32>} : memref<128x64xf32, #tpu.memory_space<vmem>>, vector<16xf32>,
        %mul3A_123 = arith.mulf %get3A_122, %gather3A_95 : vector<16xf32>
        %add3A_124 = arith.constant 1 : i32
        %add3A_125 = arith.addi %mul3A_47, %add3A_124 : i32
        %swap3A_126 = arith.index_cast %add3A_125 : i32 to index
        %swap3A_127 = arith.constant 32 : index
        %swap3A_128 = tpu.vector_load %arg11[%swap3A_126, %swap3A_127] {strides = array<i32>} : memref<128x64xf32, #tpu.memory_space<vmem>>, vector<16xf32>,
        tpu.vector_store %arg11[%swap3A_126, %swap3A_127], %mul3A_123 {strides = array<i32>} : memref<128x64xf32, #tpu.memory_space<vmem>>, vector<16xf32>,
        %add3A_129 = arith.constant 1 : i32
        %add3A_130 = arith.addi %mul3A_47, %add3A_129 : i32
        %get3A_131 = arith.index_cast %add3A_130 : i32 to index
        %get3A_132 = arith.constant 48 : index
        %get3A_133 = tpu.vector_load %arg10[%get3A_131, %get3A_132] {strides = array<i32>} : memref<128x64xf32, #tpu.memory_space<vmem>>, vector<16xf32>,
        %mul3A_134 = arith.mulf %get3A_133, %gather3A_95 : vector<16xf32>
        %add3A_135 = arith.constant 1 : i32
        %add3A_136 = arith.addi %mul3A_47, %add3A_135 : i32
        %swap3A_137 = arith.index_cast %add3A_136 : i32 to index
        %swap3A_138 = arith.constant 48 : index
        %swap3A_139 = tpu.vector_load %arg11[%swap3A_137, %swap3A_138] {strides = array<i32>} : memref<128x64xf32, #tpu.memory_space<vmem>>, vector<16xf32>,
        tpu.vector_store %arg11[%swap3A_137, %swap3A_138], %mul3A_134 {strides = array<i32>} : memref<128x64xf32, #tpu.memory_space<vmem>>, vector<16xf32>,
        %add3A_140 = arith.constant 2 : i32
        %add3A_141 = arith.addi %mul3A_47, %add3A_140 : i32
        %broadcast_in_dim3A_142 = vector.broadcast %add3A_141 : i32 to vector<16xi32>
        %gather3A_143 = tpu.vector_load_idx %arg9[%broadcast_in_dim3A_142] : memref<128xf32, #tpu.memory_space<vmem>>[vector<16xi32>], vector<16xf32>,
        %add3A_144 = arith.constant 2 : i32
        %add3A_145 = arith.addi %mul3A_47, %add3A_144 : i32
        %get3A_146 = arith.index_cast %add3A_145 : i32 to index
        %get3A_147 = arith.constant 0 : index
        %get3A_148 = tpu.vector_load %arg10[%get3A_146, %get3A_147] {strides = array<i32>} : memref<128x64xf32, #tpu.memory_space<vmem>>, vector<16xf32>,
        %mul3A_149 = arith.mulf %get3A_148, %gather3A_143 : vector<16xf32>
        %add3A_150 = arith.constant 2 : i32
        %add3A_151 = arith.addi %mul3A_47, %add3A_150 : i32
        %swap3A_152 = arith.index_cast %add3A_151 : i32 to index
        %swap3A_153 = arith.constant 0 : index
        %swap3A_154 = tpu.vector_load %arg11[%swap3A_152, %swap3A_153] {strides = array<i32>} : memref<128x64xf32, #tpu.memory_space<vmem>>, vector<16xf32>,
        tpu.vector_store %arg11[%swap3A_152, %swap3A_153], %mul3A_149 {strides = array<i32>} : memref<128x64xf32, #tpu.memory_space<vmem>>, vector<16xf32>,
        %add3A_155 = arith.constant 2 : i32
        %add3A_156 = arith.addi %mul3A_47, %add3A_155 : i32
        %get3A_157 = arith.index_cast %add3A_156 : i32 to index
        %get3A_158 = arith.constant 16 : index
        %get3A_159 = tpu.vector_load %arg10[%get3A_157, %get3A_158] {strides = array<i32>} : memref<128x64xf32, #tpu.memory_space<vmem>>, vector<16xf32>,
        %mul3A_160 = arith.mulf %get3A_159, %gather3A_143 : vector<16xf32>
        %add3A_161 = arith.constant 2 : i32
        %add3A_162 = arith.addi %mul3A_47, %add3A_161 : i32
        %swap3A_163 = arith.index_cast %add3A_162 : i32 to index
        %swap3A_164 = arith.constant 16 : index
        %swap3A_165 = tpu.vector_load %arg11[%swap3A_163, %swap3A_164] {strides = array<i32>} : memref<128x64xf32, #tpu.memory_space<vmem>>, vector<16xf32>,
        tpu.vector_store %arg11[%swap3A_163, %swap3A_164], %mul3A_160 {strides = array<i32>} : memref<128x64xf32, #tpu.memory_space<vmem>>, vector<16xf32>,
        %add3A_166 = arith.constant 2 : i32
        %add3A_167 = arith.addi %mul3A_47, %add3A_166 : i32
        %get3A_168 = arith.index_cast %add3A_167 : i32 to index
        %get3A_169 = arith.constant 32 : index
        %get3A_170 = tpu.vector_load %arg10[%get3A_168, %get3A_169] {strides = array<i32>} : memref<128x64xf32, #tpu.memory_space<vmem>>, vector<16xf32>,
        %mul3A_171 = arith.mulf %get3A_170, %gather3A_143 : vector<16xf32>
        %add3A_172 = arith.constant 2 : i32
        %add3A_173 = arith.addi %mul3A_47, %add3A_172 : i32
        %swap3A_174 = arith.index_cast %add3A_173 : i32 to index
        %swap3A_175 = arith.constant 32 : index
        %swap3A_176 = tpu.vector_load %arg11[%swap3A_174, %swap3A_175] {strides = array<i32>} : memref<128x64xf32, #tpu.memory_space<vmem>>, vector<16xf32>,
        tpu.vector_store %arg11[%swap3A_174, %swap3A_175], %mul3A_171 {strides = array<i32>} : memref<128x64xf32, #tpu.memory_space<vmem>>, vector<16xf32>,
        %add3A_177 = arith.constant 2 : i32
        %add3A_178 = arith.addi %mul3A_47, %add3A_177 : i32
        %get3A_179 = arith.index_cast %add3A_178 : i32 to index
        %get3A_180 = arith.constant 48 : index
        %get3A_181 = tpu.vector_load %arg10[%get3A_179, %get3A_180] {strides = array<i32>} : memref<128x64xf32, #tpu.memory_space<vmem>>, vector<16xf32>,
        %mul3A_182 = arith.mulf %get3A_181, %gather3A_143 : vector<16xf32>
        %add3A_183 = arith.constant 2 : i32
        %add3A_184 = arith.addi %mul3A_47, %add3A_183 : i32
        %swap3A_185 = arith.index_cast %add3A_184 : i32 to index
        %swap3A_186 = arith.constant 48 : index
        %swap3A_187 = tpu.vector_load %arg11[%swap3A_185, %swap3A_186] {strides = array<i32>} : memref<128x64xf32, #tpu.memory_space<vmem>>, vector<16xf32>,
        tpu.vector_store %arg11[%swap3A_185, %swap3A_186], %mul3A_182 {strides = array<i32>} : memref<128x64xf32, #tpu.memory_space<vmem>>, vector<16xf32>,
        %add3A_188 = arith.constant 3 : i32
        %add3A_189 = arith.addi %mul3A_47, %add3A_188 : i32
        %broadcast_in_dim3A_190 = vector.broadcast %add3A_189 : i32 to vector<16xi32>
        %gather3A_191 = tpu.vector_load_idx %arg9[%broadcast_in_dim3A_190] : memref<128xf32, #tpu.memory_space<vmem>>[vector<16xi32>], vector<16xf32>,
        %add3A_192 = arith.constant 3 : i32
        %add3A_193 = arith.addi %mul3A_47, %add3A_192 : i32
        %get3A_194 = arith.index_cast %add3A_193 : i32 to index
        %get3A_195 = arith.constant 0 : index
        %get3A_196 = tpu.vector_load %arg10[%get3A_194, %get3A_195] {strides = array<i32>} : memref<128x64xf32, #tpu.memory_space<vmem>>, vector<16xf32>,
        %mul3A_197 = arith.mulf %get3A_196, %gather3A_191 : vector<16xf32>
        %add3A_198 = arith.constant 3 : i32
        %add3A_199 = arith.addi %mul3A_47, %add3A_198 : i32
        %swap3A_200 = arith.index_cast %add3A_199 : i32 to index
        %swap3A_201 = arith.constant 0 : index
        %swap3A_202 = tpu.vector_load %arg11[%swap3A_200, %swap3A_201] {strides = array<i32>} : memref<128x64xf32, #tpu.memory_space<vmem>>, vector<16xf32>,
        tpu.vector_store %arg11[%swap3A_200, %swap3A_201], %mul3A_197 {strides = array<i32>} : memref<128x64xf32, #tpu.memory_space<vmem>>, vector<16xf32>,
        %add3A_203 = arith.constant 3 : i32
        %add3A_204 = arith.addi %mul3A_47, %add3A_203 : i32
        %get3A_205 = arith.index_cast %add3A_204 : i32 to index
        %get3A_206 = arith.constant 16 : index
        %get3A_207 = tpu.vector_load %arg10[%get3A_205, %get3A_206] {strides = array<i32>} : memref<128x64xf32, #tpu.memory_space<vmem>>, vector<16xf32>,
        %mul3A_208 = arith.mulf %get3A_207, %gather3A_191 : vector<16xf32>
        %add3A_209 = arith.constant 3 : i32
        %add3A_210 = arith.addi %mul3A_47, %add3A_209 : i32
        %swap3A_211 = arith.index_cast %add3A_210 : i32 to index
        %swap3A_212 = arith.constant 16 : index
        %swap3A_213 = tpu.vector_load %arg11[%swap3A_211, %swap3A_212] {strides = array<i32>} : memref<128x64xf32, #tpu.memory_space<vmem>>, vector<16xf32>,
        tpu.vector_store %arg11[%swap3A_211, %swap3A_212], %mul3A_208 {strides = array<i32>} : memref<128x64xf32, #tpu.memory_space<vmem>>, vector<16xf32>,
        %add3A_214 = arith.constant 3 : i32
        %add3A_215 = arith.addi %mul3A_47, %add3A_214 : i32
        %get3A_216 = arith.index_cast %add3A_215 : i32 to index
        %get3A_217 = arith.constant 32 : index
        %get3A_218 = tpu.vector_load %arg10[%get3A_216, %get3A_217] {strides = array<i32>} : memref<128x64xf32, #tpu.memory_space<vmem>>, vector<16xf32>,
        %mul3A_219 = arith.mulf %get3A_218, %gather3A_191 : vector<16xf32>
        %add3A_220 = arith.constant 3 : i32
        %add3A_221 = arith.addi %mul3A_47, %add3A_220 : i32
        %swap3A_222 = arith.index_cast %add3A_221 : i32 to index
        %swap3A_223 = arith.constant 32 : index
        %swap3A_224 = tpu.vector_load %arg11[%swap3A_222, %swap3A_223] {strides = array<i32>} : memref<128x64xf32, #tpu.memory_space<vmem>>, vector<16xf32>,
        tpu.vector_store %arg11[%swap3A_222, %swap3A_223], %mul3A_219 {strides = array<i32>} : memref<128x64xf32, #tpu.memory_space<vmem>>, vector<16xf32>,
        %add3A_225 = arith.constant 3 : i32
        %add3A_226 = arith.addi %mul3A_47, %add3A_225 : i32
        %get3A_227 = arith.index_cast %add3A_226 : i32 to index
        %get3A_228 = arith.constant 48 : index
        %get3A_229 = tpu.vector_load %arg10[%get3A_227, %get3A_228] {strides = array<i32>} : memref<128x64xf32, #tpu.memory_space<vmem>>, vector<16xf32>,
        %mul3A_230 = arith.mulf %get3A_229, %gather3A_191 : vector<16xf32>
        %add3A_231 = arith.constant 3 : i32
        %add3A_232 = arith.addi %mul3A_47, %add3A_231 : i32
        %swap3A_233 = arith.index_cast %add3A_232 : i32 to index
        %swap3A_234 = arith.constant 48 : index
        %swap3A_235 = tpu.vector_load %arg11[%swap3A_233, %swap3A_234] {strides = array<i32>} : memref<128x64xf32, #tpu.memory_space<vmem>>, vector<16xf32>,
        tpu.vector_store %arg11[%swap3A_233, %swap3A_234], %mul3A_230 {strides = array<i32>} : memref<128x64xf32, #tpu.memory_space<vmem>>, vector<16xf32>,
        %add3A_236 = arith.constant 4 : i32
        %add3A_237 = arith.addi %mul3A_47, %add3A_236 : i32
        %broadcast_in_dim3A_238 = vector.broadcast %add3A_237 : i32 to vector<16xi32>
        %gather3A_239 = tpu.vector_load_idx %arg9[%broadcast_in_dim3A_238] : memref<128xf32, #tpu.memory_space<vmem>>[vector<16xi32>], vector<16xf32>,
        %add3A_240 = arith.constant 4 : i32
        %add3A_241 = arith.addi %mul3A_47, %add3A_240 : i32
        %get3A_242 = arith.index_cast %add3A_241 : i32 to index
        %get3A_243 = arith.constant 0 : index
        %get3A_244 = tpu.vector_load %arg10[%get3A_242, %get3A_243] {strides = array<i32>} : memref<128x64xf32, #tpu.memory_space<vmem>>, vector<16xf32>,
        %mul3A_245 = arith.mulf %get3A_244, %gather3A_239 : vector<16xf32>
        %add3A_246 = arith.constant 4 : i32
        %add3A_247 = arith.addi %mul3A_47, %add3A_246 : i32
        %swap3A_248 = arith.index_cast %add3A_247 : i32 to index
        %swap3A_249 = arith.constant 0 : index
        %swap3A_250 = tpu.vector_load %arg11[%swap3A_248, %swap3A_249] {strides = array<i32>} : memref<128x64xf32, #tpu.memory_space<vmem>>, vector<16xf32>,
        tpu.vector_store %arg11[%swap3A_248, %swap3A_249], %mul3A_245 {strides = array<i32>} : memref<128x64xf32, #tpu.memory_space<vmem>>, vector<16xf32>,
        %add3A_251 = arith.constant 4 : i32
        %add3A_252 = arith.addi %mul3A_47, %add3A_251 : i32
        %get3A_253 = arith.index_cast %add3A_252 : i32 to index
        %get3A_254 = arith.constant 16 : index
        %get3A_255 = tpu.vector_load %arg10[%get3A_253, %get3A_254] {strides = array<i32>} : memref<128x64xf32, #tpu.memory_space<vmem>>, vector<16xf32>,
        %mul3A_256 = arith.mulf %get3A_255, %gather3A_239 : vector<16xf32>
        %add3A_257 = arith.constant 4 : i32
        %add3A_258 = arith.addi %mul3A_47, %add3A_257 : i32
        %swap3A_259 = arith.index_cast %add3A_258 : i32 to index
        %swap3A_260 = arith.constant 16 : index
        %swap3A_261 = tpu.vector_load %arg11[%swap3A_259, %swap3A_260] {strides = array<i32>} : memref<128x64xf32, #tpu.memory_space<vmem>>, vector<16xf32>,
        tpu.vector_store %arg11[%swap3A_259, %swap3A_260], %mul3A_256 {strides = array<i32>} : memref<128x64xf32, #tpu.memory_space<vmem>>, vector<16xf32>,
        %add3A_262 = arith.constant 4 : i32
        %add3A_263 = arith.addi %mul3A_47, %add3A_262 : i32
        %get3A_264 = arith.index_cast %add3A_263 : i32 to index
        %get3A_265 = arith.constant 32 : index
        %get3A_266 = tpu.vector_load %arg10[%get3A_264, %get3A_265] {strides = array<i32>} : memref<128x64xf32, #tpu.memory_space<vmem>>, vector<16xf32>,
        %mul3A_267 = arith.mulf %get3A_266, %gather3A_239 : vector<16xf32>
        %add3A_268 = arith.constant 4 : i32
        %add3A_269 = arith.addi %mul3A_47, %add3A_268 : i32
        %swap3A_270 = arith.index_cast %add3A_269 : i32 to index
        %swap3A_271 = arith.constant 32 : index
        %swap3A_272 = tpu.vector_load %arg11[%swap3A_270, %swap3A_271] {strides = array<i32>} : memref<128x64xf32, #tpu.memory_space<vmem>>, vector<16xf32>,
        tpu.vector_store %arg11[%swap3A_270, %swap3A_271], %mul3A_267 {strides = array<i32>} : memref<128x64xf32, #tpu.memory_space<vmem>>, vector<16xf32>,
        %add3A_273 = arith.constant 4 : i32
        %add3A_274 = arith.addi %mul3A_47, %add3A_273 : i32
        %get3A_275 = arith.index_cast %add3A_274 : i32 to index
        %get3A_276 = arith.constant 48 : index
        %get3A_277 = tpu.vector_load %arg10[%get3A_275, %get3A_276] {strides = array<i32>} : memref<128x64xf32, #tpu.memory_space<vmem>>, vector<16xf32>,
        %mul3A_278 = arith.mulf %get3A_277, %gather3A_239 : vector<16xf32>
        %add3A_279 = arith.constant 4 : i32
        %add3A_280 = arith.addi %mul3A_47, %add3A_279 : i32
        %swap3A_281 = arith.index_cast %add3A_280 : i32 to index
        %swap3A_282 = arith.constant 48 : index
        %swap3A_283 = tpu.vector_load %arg11[%swap3A_281, %swap3A_282] {strides = array<i32>} : memref<128x64xf32, #tpu.memory_space<vmem>>, vector<16xf32>,
        tpu.vector_store %arg11[%swap3A_281, %swap3A_282], %mul3A_278 {strides = array<i32>} : memref<128x64xf32, #tpu.memory_space<vmem>>, vector<16xf32>,
        %add3A_284 = arith.constant 5 : i32
        %add3A_285 = arith.addi %mul3A_47, %add3A_284 : i32
        %broadcast_in_dim3A_286 = vector.broadcast %add3A_285 : i32 to vector<16xi32>
        %gather3A_287 = tpu.vector_load_idx %arg9[%broadcast_in_dim3A_286] : memref<128xf32, #tpu.memory_space<vmem>>[vector<16xi32>], vector<16xf32>,
        %add3A_288 = arith.constant 5 : i32
        %add3A_289 = arith.addi %mul3A_47, %add3A_288 : i32
        %get3A_290 = arith.index_cast %add3A_289 : i32 to index
        %get3A_291 = arith.constant 0 : index
        %get3A_292 = tpu.vector_load %arg10[%get3A_290, %get3A_291] {strides = array<i32>} : memref<128x64xf32, #tpu.memory_space<vmem>>, vector<16xf32>,
        %mul3A_293 = arith.mulf %get3A_292, %gather3A_287 : vector<16xf32>
        %add3A_294 = arith.constant 5 : i32
        %add3A_295 = arith.addi %mul3A_47, %add3A_294 : i32
        %swap3A_296 = arith.index_cast %add3A_295 : i32 to index
        %swap3A_297 = arith.constant 0 : index
        %swap3A_298 = tpu.vector_load %arg11[%swap3A_296, %swap3A_297] {strides = array<i32>} : memref<128x64xf32, #tpu.memory_space<vmem>>, vector<16xf32>,
        tpu.vector_store %arg11[%swap3A_296, %swap3A_297], %mul3A_293 {strides = array<i32>} : memref<128x64xf32, #tpu.memory_space<vmem>>, vector<16xf32>,
        %add3A_299 = arith.constant 5 : i32
        %add3A_300 = arith.addi %mul3A_47, %add3A_299 : i32
        %get3A_301 = arith.index_cast %add3A_300 : i32 to index
        %get3A_302 = arith.constant 16 : index
        %get3A_303 = tpu.vector_load %arg10[%get3A_301, %get3A_302] {strides = array<i32>} : memref<128x64xf32, #tpu.memory_space<vmem>>, vector<16xf32>,
        %mul3A_304 = arith.mulf %get3A_303, %gather3A_287 : vector<16xf32>
        %add3A_305 = arith.constant 5 : i32
        %add3A_306 = arith.addi %mul3A_47, %add3A_305 : i32
        %swap3A_307 = arith.index_cast %add3A_306 : i32 to index
        %swap3A_308 = arith.constant 16 : index
        %swap3A_309 = tpu.vector_load %arg11[%swap3A_307, %swap3A_308] {strides = array<i32>} : memref<128x64xf32, #tpu.memory_space<vmem>>, vector<16xf32>,
        tpu.vector_store %arg11[%swap3A_307, %swap3A_308], %mul3A_304 {strides = array<i32>} : memref<128x64xf32, #tpu.memory_space<vmem>>, vector<16xf32>,
        %add3A_310 = arith.constant 5 : i32
        %add3A_311 = arith.addi %mul3A_47, %add3A_310 : i32
        %get3A_312 = arith.index_cast %add3A_311 : i32 to index
        %get3A_313 = arith.constant 32 : index
        %get3A_314 = tpu.vector_load %arg10[%get3A_312, %get3A_313] {strides = array<i32>} : memref<128x64xf32, #tpu.memory_space<vmem>>, vector<16xf32>,
        %mul3A_315 = arith.mulf %get3A_314, %gather3A_287 : vector<16xf32>
        %add3A_316 = arith.constant 5 : i32
        %add3A_317 = arith.addi %mul3A_47, %add3A_316 : i32
        %swap3A_318 = arith.index_cast %add3A_317 : i32 to index
        %swap3A_319 = arith.constant 32 : index
        %swap3A_320 = tpu.vector_load %arg11[%swap3A_318, %swap3A_319] {strides = array<i32>} : memref<128x64xf32, #tpu.memory_space<vmem>>, vector<16xf32>,
        tpu.vector_store %arg11[%swap3A_318, %swap3A_319], %mul3A_315 {strides = array<i32>} : memref<128x64xf32, #tpu.memory_space<vmem>>, vector<16xf32>,
        %add3A_321 = arith.constant 5 : i32
        %add3A_322 = arith.addi %mul3A_47, %add3A_321 : i32
        %get3A_323 = arith.index_cast %add3A_322 : i32 to index
        %get3A_324 = arith.constant 48 : index
        %get3A_325 = tpu.vector_load %arg10[%get3A_323, %get3A_324] {strides = array<i32>} : memref<128x64xf32, #tpu.memory_space<vmem>>, vector<16xf32>,
        %mul3A_326 = arith.mulf %get3A_325, %gather3A_287 : vector<16xf32>
        %add3A_327 = arith.constant 5 : i32
        %add3A_328 = arith.addi %mul3A_47, %add3A_327 : i32
        %swap3A_329 = arith.index_cast %add3A_328 : i32 to index
        %swap3A_330 = arith.constant 48 : index
        %swap3A_331 = tpu.vector_load %arg11[%swap3A_329, %swap3A_330] {strides = array<i32>} : memref<128x64xf32, #tpu.memory_space<vmem>>, vector<16xf32>,
        tpu.vector_store %arg11[%swap3A_329, %swap3A_330], %mul3A_326 {strides = array<i32>} : memref<128x64xf32, #tpu.memory_space<vmem>>, vector<16xf32>,
        %add3A_332 = arith.constant 6 : i32
        %add3A_333 = arith.addi %mul3A_47, %add3A_332 : i32
        %broadcast_in_dim3A_334 = vector.broadcast %add3A_333 : i32 to vector<16xi32>
        %gather3A_335 = tpu.vector_load_idx %arg9[%broadcast_in_dim3A_334] : memref<128xf32, #tpu.memory_space<vmem>>[vector<16xi32>], vector<16xf32>,
        %add3A_336 = arith.constant 6 : i32
        %add3A_337 = arith.addi %mul3A_47, %add3A_336 : i32
        %get3A_338 = arith.index_cast %add3A_337 : i32 to index
        %get3A_339 = arith.constant 0 : index
        %get3A_340 = tpu.vector_load %arg10[%get3A_338, %get3A_339] {strides = array<i32>} : memref<128x64xf32, #tpu.memory_space<vmem>>, vector<16xf32>,
        %mul3A_341 = arith.mulf %get3A_340, %gather3A_335 : vector<16xf32>
        %add3A_342 = arith.constant 6 : i32
        %add3A_343 = arith.addi %mul3A_47, %add3A_342 : i32
        %swap3A_344 = arith.index_cast %add3A_343 : i32 to index
        %swap3A_345 = arith.constant 0 : index
        %swap3A_346 = tpu.vector_load %arg11[%swap3A_344, %swap3A_345] {strides = array<i32>} : memref<128x64xf32, #tpu.memory_space<vmem>>, vector<16xf32>,
        tpu.vector_store %arg11[%swap3A_344, %swap3A_345], %mul3A_341 {strides = array<i32>} : memref<128x64xf32, #tpu.memory_space<vmem>>, vector<16xf32>,
        %add3A_347 = arith.constant 6 : i32
        %add3A_348 = arith.addi %mul3A_47, %add3A_347 : i32
        %get3A_349 = arith.index_cast %add3A_348 : i32 to index
        %get3A_350 = arith.constant 16 : index
        %get3A_351 = tpu.vector_load %arg10[%get3A_349, %get3A_350] {strides = array<i32>} : memref<128x64xf32, #tpu.memory_space<vmem>>, vector<16xf32>,
        %mul3A_352 = arith.mulf %get3A_351, %gather3A_335 : vector<16xf32>
        %add3A_353 = arith.constant 6 : i32
        %add3A_354 = arith.addi %mul3A_47, %add3A_353 : i32
        %swap3A_355 = arith.index_cast %add3A_354 : i32 to index
        %swap3A_356 = arith.constant 16 : index
        %swap3A_357 = tpu.vector_load %arg11[%swap3A_355, %swap3A_356] {strides = array<i32>} : memref<128x64xf32, #tpu.memory_space<vmem>>, vector<16xf32>,
        tpu.vector_store %arg11[%swap3A_355, %swap3A_356], %mul3A_352 {strides = array<i32>} : memref<128x64xf32, #tpu.memory_space<vmem>>, vector<16xf32>,
        %add3A_358 = arith.constant 6 : i32
        %add3A_359 = arith.addi %mul3A_47, %add3A_358 : i32
        %get3A_360 = arith.index_cast %add3A_359 : i32 to index
        %get3A_361 = arith.constant 32 : index
        %get3A_362 = tpu.vector_load %arg10[%get3A_360, %get3A_361] {strides = array<i32>} : memref<128x64xf32, #tpu.memory_space<vmem>>, vector<16xf32>,
        %mul3A_363 = arith.mulf %get3A_362, %gather3A_335 : vector<16xf32>
        %add3A_364 = arith.constant 6 : i32
        %add3A_365 = arith.addi %mul3A_47, %add3A_364 : i32
        %swap3A_366 = arith.index_cast %add3A_365 : i32 to index
        %swap3A_367 = arith.constant 32 : index
        %swap3A_368 = tpu.vector_load %arg11[%swap3A_366, %swap3A_367] {strides = array<i32>} : memref<128x64xf32, #tpu.memory_space<vmem>>, vector<16xf32>,
        tpu.vector_store %arg11[%swap3A_366, %swap3A_367], %mul3A_363 {strides = array<i32>} : memref<128x64xf32, #tpu.memory_space<vmem>>, vector<16xf32>,
        %add3A_369 = arith.constant 6 : i32
        %add3A_370 = arith.addi %mul3A_47, %add3A_369 : i32
        %get3A_371 = arith.index_cast %add3A_370 : i32 to index
        %get3A_372 = arith.constant 48 : index
        %get3A_373 = tpu.vector_load %arg10[%get3A_371, %get3A_372] {strides = array<i32>} : memref<128x64xf32, #tpu.memory_space<vmem>>, vector<16xf32>,
        %mul3A_374 = arith.mulf %get3A_373, %gather3A_335 : vector<16xf32>
        %add3A_375 = arith.constant 6 : i32
        %add3A_376 = arith.addi %mul3A_47, %add3A_375 : i32
        %swap3A_377 = arith.index_cast %add3A_376 : i32 to index
        %swap3A_378 = arith.constant 48 : index
        %swap3A_379 = tpu.vector_load %arg11[%swap3A_377, %swap3A_378] {strides = array<i32>} : memref<128x64xf32, #tpu.memory_space<vmem>>, vector<16xf32>,
        tpu.vector_store %arg11[%swap3A_377, %swap3A_378], %mul3A_374 {strides = array<i32>} : memref<128x64xf32, #tpu.memory_space<vmem>>, vector<16xf32>,
        %add3A_380 = arith.constant 7 : i32
        %add3A_381 = arith.addi %mul3A_47, %add3A_380 : i32
        %broadcast_in_dim3A_382 = vector.broadcast %add3A_381 : i32 to vector<16xi32>
        %gather3A_383 = tpu.vector_load_idx %arg9[%broadcast_in_dim3A_382] : memref<128xf32, #tpu.memory_space<vmem>>[vector<16xi32>], vector<16xf32>,
        %add3A_384 = arith.constant 7 : i32
        %add3A_385 = arith.addi %mul3A_47, %add3A_384 : i32
        %get3A_386 = arith.index_cast %add3A_385 : i32 to index
        %get3A_387 = arith.constant 0 : index
        %get3A_388 = tpu.vector_load %arg10[%get3A_386, %get3A_387] {strides = array<i32>} : memref<128x64xf32, #tpu.memory_space<vmem>>, vector<16xf32>,
        %mul3A_389 = arith.mulf %get3A_388, %gather3A_383 : vector<16xf32>
        %add3A_390 = arith.constant 7 : i32
        %add3A_391 = arith.addi %mul3A_47, %add3A_390 : i32
        %swap3A_392 = arith.index_cast %add3A_391 : i32 to index
        %swap3A_393 = arith.constant 0 : index
        %swap3A_394 = tpu.vector_load %arg11[%swap3A_392, %swap3A_393] {strides = array<i32>} : memref<128x64xf32, #tpu.memory_space<vmem>>, vector<16xf32>,
        tpu.vector_store %arg11[%swap3A_392, %swap3A_393], %mul3A_389 {strides = array<i32>} : memref<128x64xf32, #tpu.memory_space<vmem>>, vector<16xf32>,
        %add3A_395 = arith.constant 7 : i32
        %add3A_396 = arith.addi %mul3A_47, %add3A_395 : i32
        %get3A_397 = arith.index_cast %add3A_396 : i32 to index
        %get3A_398 = arith.constant 16 : index
        %get3A_399 = tpu.vector_load %arg10[%get3A_397, %get3A_398] {strides = array<i32>} : memref<128x64xf32, #tpu.memory_space<vmem>>, vector<16xf32>,
        %mul3A_400 = arith.mulf %get3A_399, %gather3A_383 : vector<16xf32>
        %add3A_401 = arith.constant 7 : i32
        %add3A_402 = arith.addi %mul3A_47, %add3A_401 : i32
        %swap3A_403 = arith.index_cast %add3A_402 : i32 to index
        %swap3A_404 = arith.constant 16 : index
        %swap3A_405 = tpu.vector_load %arg11[%swap3A_403, %swap3A_404] {strides = array<i32>} : memref<128x64xf32, #tpu.memory_space<vmem>>, vector<16xf32>,
        tpu.vector_store %arg11[%swap3A_403, %swap3A_404], %mul3A_400 {strides = array<i32>} : memref<128x64xf32, #tpu.memory_space<vmem>>, vector<16xf32>,
        %add3A_406 = arith.constant 7 : i32
        %add3A_407 = arith.addi %mul3A_47, %add3A_406 : i32
        %get3A_408 = arith.index_cast %add3A_407 : i32 to index
        %get3A_409 = arith.constant 32 : index
        %get3A_410 = tpu.vector_load %arg10[%get3A_408, %get3A_409] {strides = array<i32>} : memref<128x64xf32, #tpu.memory_space<vmem>>, vector<16xf32>,
        %mul3A_411 = arith.mulf %get3A_410, %gather3A_383 : vector<16xf32>
        %add3A_412 = arith.constant 7 : i32
        %add3A_413 = arith.addi %mul3A_47, %add3A_412 : i32
        %swap3A_414 = arith.index_cast %add3A_413 : i32 to index
        %swap3A_415 = arith.constant 32 : index
        %swap3A_416 = tpu.vector_load %arg11[%swap3A_414, %swap3A_415] {strides = array<i32>} : memref<128x64xf32, #tpu.memory_space<vmem>>, vector<16xf32>,
        tpu.vector_store %arg11[%swap3A_414, %swap3A_415], %mul3A_411 {strides = array<i32>} : memref<128x64xf32, #tpu.memory_space<vmem>>, vector<16xf32>,
        %add3A_417 = arith.constant 7 : i32
        %add3A_418 = arith.addi %mul3A_47, %add3A_417 : i32
        %get3A_419 = arith.index_cast %add3A_418 : i32 to index
        %get3A_420 = arith.constant 48 : index
        %get3A_421 = tpu.vector_load %arg10[%get3A_419, %get3A_420] {strides = array<i32>} : memref<128x64xf32, #tpu.memory_space<vmem>>, vector<16xf32>,
        %mul3A_422 = arith.mulf %get3A_421, %gather3A_383 : vector<16xf32>
        %add3A_423 = arith.constant 7 : i32
        %add3A_424 = arith.addi %mul3A_47, %add3A_423 : i32
        %swap3A_425 = arith.index_cast %add3A_424 : i32 to index
        %swap3A_426 = arith.constant 48 : index
        %swap3A_427 = tpu.vector_load %arg11[%swap3A_425, %swap3A_426] {strides = array<i32>} : memref<128x64xf32, #tpu.memory_space<vmem>>, vector<16xf32>,
        tpu.vector_store %arg11[%swap3A_425, %swap3A_426], %mul3A_422 {strides = array<i32>} : memref<128x64xf32, #tpu.memory_space<vmem>>, vector<16xf32>,
        %add3A_428 = arith.constant 8 : i32
        %add3A_429 = arith.addi %mul3A_47, %add3A_428 : i32
        %broadcast_in_dim3A_430 = vector.broadcast %add3A_429 : i32 to vector<16xi32>
        %gather3A_431 = tpu.vector_load_idx %arg9[%broadcast_in_dim3A_430] : memref<128xf32, #tpu.memory_space<vmem>>[vector<16xi32>], vector<16xf32>,
        %add3A_432 = arith.constant 8 : i32
        %add3A_433 = arith.addi %mul3A_47, %add3A_432 : i32
        %get3A_434 = arith.index_cast %add3A_433 : i32 to index
        %get3A_435 = arith.constant 0 : index
        %get3A_436 = tpu.vector_load %arg10[%get3A_434, %get3A_435] {strides = array<i32>} : memref<128x64xf32, #tpu.memory_space<vmem>>, vector<16xf32>,
        %mul3A_437 = arith.mulf %get3A_436, %gather3A_431 : vector<16xf32>
        %add3A_438 = arith.constant 8 : i32
        %add3A_439 = arith.addi %mul3A_47, %add3A_438 : i32
        %swap3A_440 = arith.index_cast %add3A_439 : i32 to index
        %swap3A_441 = arith.constant 0 : index
        %swap3A_442 = tpu.vector_load %arg11[%swap3A_440, %swap3A_441] {strides = array<i32>} : memref<128x64xf32, #tpu.memory_space<vmem>>, vector<16xf32>,
        tpu.vector_store %arg11[%swap3A_440, %swap3A_441], %mul3A_437 {strides = array<i32>} : memref<128x64xf32, #tpu.memory_space<vmem>>, vector<16xf32>,
        %add3A_443 = arith.constant 8 : i32
        %add3A_444 = arith.addi %mul3A_47, %add3A_443 : i32
        %get3A_445 = arith.index_cast %add3A_444 : i32 to index
        %get3A_446 = arith.constant 16 : index
        %get3A_447 = tpu.vector_load %arg10[%get3A_445, %get3A_446] {strides = array<i32>} : memref<128x64xf32, #tpu.memory_space<vmem>>, vector<16xf32>,
        %mul3A_448 = arith.mulf %get3A_447, %gather3A_431 : vector<16xf32>
        %add3A_449 = arith.constant 8 : i32
        %add3A_450 = arith.addi %mul3A_47, %add3A_449 : i32
        %swap3A_451 = arith.index_cast %add3A_450 : i32 to index
        %swap3A_452 = arith.constant 16 : index
        %swap3A_453 = tpu.vector_load %arg11[%swap3A_451, %swap3A_452] {strides = array<i32>} : memref<128x64xf32, #tpu.memory_space<vmem>>, vector<16xf32>,
        tpu.vector_store %arg11[%swap3A_451, %swap3A_452], %mul3A_448 {strides = array<i32>} : memref<128x64xf32, #tpu.memory_space<vmem>>, vector<16xf32>,
        %add3A_454 = arith.constant 8 : i32
        %add3A_455 = arith.addi %mul3A_47, %add3A_454 : i32
        %get3A_456 = arith.index_cast %add3A_455 : i32 to index
        %get3A_457 = arith.constant 32 : index
        %get3A_458 = tpu.vector_load %arg10[%get3A_456, %get3A_457] {strides = array<i32>} : memref<128x64xf32, #tpu.memory_space<vmem>>, vector<16xf32>,
        %mul3A_459 = arith.mulf %get3A_458, %gather3A_431 : vector<16xf32>
        %add3A_460 = arith.constant 8 : i32
        %add3A_461 = arith.addi %mul3A_47, %add3A_460 : i32
        %swap3A_462 = arith.index_cast %add3A_461 : i32 to index
        %swap3A_463 = arith.constant 32 : index
        %swap3A_464 = tpu.vector_load %arg11[%swap3A_462, %swap3A_463] {strides = array<i32>} : memref<128x64xf32, #tpu.memory_space<vmem>>, vector<16xf32>,
        tpu.vector_store %arg11[%swap3A_462, %swap3A_463], %mul3A_459 {strides = array<i32>} : memref<128x64xf32, #tpu.memory_space<vmem>>, vector<16xf32>,
        %add3A_465 = arith.constant 8 : i32
        %add3A_466 = arith.addi %mul3A_47, %add3A_465 : i32
        %get3A_467 = arith.index_cast %add3A_466 : i32 to index
        %get3A_468 = arith.constant 48 : index
        %get3A_469 = tpu.vector_load %arg10[%get3A_467, %get3A_468] {strides = array<i32>} : memref<128x64xf32, #tpu.memory_space<vmem>>, vector<16xf32>,
        %mul3A_470 = arith.mulf %get3A_469, %gather3A_431 : vector<16xf32>
        %add3A_471 = arith.constant 8 : i32
        %add3A_472 = arith.addi %mul3A_47, %add3A_471 : i32
        %swap3A_473 = arith.index_cast %add3A_472 : i32 to index
        %swap3A_474 = arith.constant 48 : index
        %swap3A_475 = tpu.vector_load %arg11[%swap3A_473, %swap3A_474] {strides = array<i32>} : memref<128x64xf32, #tpu.memory_space<vmem>>, vector<16xf32>,
        tpu.vector_store %arg11[%swap3A_473, %swap3A_474], %mul3A_470 {strides = array<i32>} : memref<128x64xf32, #tpu.memory_space<vmem>>, vector<16xf32>,
        %add3A_476 = arith.constant 9 : i32
        %add3A_477 = arith.addi %mul3A_47, %add3A_476 : i32
        %broadcast_in_dim3A_478 = vector.broadcast %add3A_477 : i32 to vector<16xi32>
        %gather3A_479 = tpu.vector_load_idx %arg9[%broadcast_in_dim3A_478] : memref<128xf32, #tpu.memory_space<vmem>>[vector<16xi32>], vector<16xf32>,
        %add3A_480 = arith.constant 9 : i32
        %add3A_481 = arith.addi %mul3A_47, %add3A_480 : i32
        %get3A_482 = arith.index_cast %add3A_481 : i32 to index
        %get3A_483 = arith.constant 0 : index
        %get3A_484 = tpu.vector_load %arg10[%get3A_482, %get3A_483] {strides = array<i32>} : memref<128x64xf32, #tpu.memory_space<vmem>>, vector<16xf32>,
        %mul3A_485 = arith.mulf %get3A_484, %gather3A_479 : vector<16xf32>
        %add3A_486 = arith.constant 9 : i32
        %add3A_487 = arith.addi %mul3A_47, %add3A_486 : i32
        %swap3A_488 = arith.index_cast %add3A_487 : i32 to index
        %swap3A_489 = arith.constant 0 : index
        %swap3A_490 = tpu.vector_load %arg11[%swap3A_488, %swap3A_489] {strides = array<i32>} : memref<128x64xf32, #tpu.memory_space<vmem>>, vector<16xf32>,
        tpu.vector_store %arg11[%swap3A_488, %swap3A_489], %mul3A_485 {strides = array<i32>} : memref<128x64xf32, #tpu.memory_space<vmem>>, vector<16xf32>,
        %add3A_491 = arith.constant 9 : i32
        %add3A_492 = arith.addi %mul3A_47, %add3A_491 : i32
        %get3A_493 = arith.index_cast %add3A_492 : i32 to index
        %get3A_494 = arith.constant 16 : index
        %get3A_495 = tpu.vector_load %arg10[%get3A_493, %get3A_494] {strides = array<i32>} : memref<128x64xf32, #tpu.memory_space<vmem>>, vector<16xf32>,
        %mul3A_496 = arith.mulf %get3A_495, %gather3A_479 : vector<16xf32>
        %add3A_497 = arith.constant 9 : i32
        %add3A_498 = arith.addi %mul3A_47, %add3A_497 : i32
        %swap3A_499 = arith.index_cast %add3A_498 : i32 to index
        %swap3A_500 = arith.constant 16 : index
        %swap3A_501 = tpu.vector_load %arg11[%swap3A_499, %swap3A_500] {strides = array<i32>} : memref<128x64xf32, #tpu.memory_space<vmem>>, vector<16xf32>,
        tpu.vector_store %arg11[%swap3A_499, %swap3A_500], %mul3A_496 {strides = array<i32>} : memref<128x64xf32, #tpu.memory_space<vmem>>, vector<16xf32>,
        %add3A_502 = arith.constant 9 : i32
        %add3A_503 = arith.addi %mul3A_47, %add3A_502 : i32
        %get3A_504 = arith.index_cast %add3A_503 : i32 to index
        %get3A_505 = arith.constant 32 : index
        %get3A_506 = tpu.vector_load %arg10[%get3A_504, %get3A_505] {strides = array<i32>} : memref<128x64xf32, #tpu.memory_space<vmem>>, vector<16xf32>,
        %mul3A_507 = arith.mulf %get3A_506, %gather3A_479 : vector<16xf32>
        %add3A_508 = arith.constant 9 : i32
        %add3A_509 = arith.addi %mul3A_47, %add3A_508 : i32
        %swap3A_510 = arith.index_cast %add3A_509 : i32 to index
        %swap3A_511 = arith.constant 32 : index
        %swap3A_512 = tpu.vector_load %arg11[%swap3A_510, %swap3A_511] {strides = array<i32>} : memref<128x64xf32, #tpu.memory_space<vmem>>, vector<16xf32>,
        tpu.vector_store %arg11[%swap3A_510, %swap3A_511], %mul3A_507 {strides = array<i32>} : memref<128x64xf32, #tpu.memory_space<vmem>>, vector<16xf32>,
        %add3A_513 = arith.constant 9 : i32
        %add3A_514 = arith.addi %mul3A_47, %add3A_513 : i32
        %get3A_515 = arith.index_cast %add3A_514 : i32 to index
        %get3A_516 = arith.constant 48 : index
        %get3A_517 = tpu.vector_load %arg10[%get3A_515, %get3A_516] {strides = array<i32>} : memref<128x64xf32, #tpu.memory_space<vmem>>, vector<16xf32>,
        %mul3A_518 = arith.mulf %get3A_517, %gather3A_479 : vector<16xf32>
        %add3A_519 = arith.constant 9 : i32
        %add3A_520 = arith.addi %mul3A_47, %add3A_519 : i32
        %swap3A_521 = arith.index_cast %add3A_520 : i32 to index
        %swap3A_522 = arith.constant 48 : index
        %swap3A_523 = tpu.vector_load %arg11[%swap3A_521, %swap3A_522] {strides = array<i32>} : memref<128x64xf32, #tpu.memory_space<vmem>>, vector<16xf32>,
        tpu.vector_store %arg11[%swap3A_521, %swap3A_522], %mul3A_518 {strides = array<i32>} : memref<128x64xf32, #tpu.memory_space<vmem>>, vector<16xf32>,
        %add3A_524 = arith.constant 10 : i32
        %add3A_525 = arith.addi %mul3A_47, %add3A_524 : i32
        %broadcast_in_dim3A_526 = vector.broadcast %add3A_525 : i32 to vector<16xi32>
        %gather3A_527 = tpu.vector_load_idx %arg9[%broadcast_in_dim3A_526] : memref<128xf32, #tpu.memory_space<vmem>>[vector<16xi32>], vector<16xf32>,
        %add3A_528 = arith.constant 10 : i32
        %add3A_529 = arith.addi %mul3A_47, %add3A_528 : i32
        %get3A_530 = arith.index_cast %add3A_529 : i32 to index
        %get3A_531 = arith.constant 0 : index
        %get3A_532 = tpu.vector_load %arg10[%get3A_530, %get3A_531] {strides = array<i32>} : memref<128x64xf32, #tpu.memory_space<vmem>>, vector<16xf32>,
        %mul3A_533 = arith.mulf %get3A_532, %gather3A_527 : vector<16xf32>
        %add3A_534 = arith.constant 10 : i32
        %add3A_535 = arith.addi %mul3A_47, %add3A_534 : i32
        %swap3A_536 = arith.index_cast %add3A_535 : i32 to index
        %swap3A_537 = arith.constant 0 : index
        %swap3A_538 = tpu.vector_load %arg11[%swap3A_536, %swap3A_537] {strides = array<i32>} : memref<128x64xf32, #tpu.memory_space<vmem>>, vector<16xf32>,
        tpu.vector_store %arg11[%swap3A_536, %swap3A_537], %mul3A_533 {strides = array<i32>} : memref<128x64xf32, #tpu.memory_space<vmem>>, vector<16xf32>,
        %add3A_539 = arith.constant 10 : i32
        %add3A_540 = arith.addi %mul3A_47, %add3A_539 : i32
        %get3A_541 = arith.index_cast %add3A_540 : i32 to index
        %get3A_542 = arith.constant 16 : index
        %get3A_543 = tpu.vector_load %arg10[%get3A_541, %get3A_542] {strides = array<i32>} : memref<128x64xf32, #tpu.memory_space<vmem>>, vector<16xf32>,
        %mul3A_544 = arith.mulf %get3A_543, %gather3A_527 : vector<16xf32>
        %add3A_545 = arith.constant 10 : i32
        %add3A_546 = arith.addi %mul3A_47, %add3A_545 : i32
        %swap3A_547 = arith.index_cast %add3A_546 : i32 to index
        %swap3A_548 = arith.constant 16 : index
        %swap3A_549 = tpu.vector_load %arg11[%swap3A_547, %swap3A_548] {strides = array<i32>} : memref<128x64xf32, #tpu.memory_space<vmem>>, vector<16xf32>,
        tpu.vector_store %arg11[%swap3A_547, %swap3A_548], %mul3A_544 {strides = array<i32>} : memref<128x64xf32, #tpu.memory_space<vmem>>, vector<16xf32>,
        %add3A_550 = arith.constant 10 : i32
        %add3A_551 = arith.addi %mul3A_47, %add3A_550 : i32
        %get3A_552 = arith.index_cast %add3A_551 : i32 to index
        %get3A_553 = arith.constant 32 : index
        %get3A_554 = tpu.vector_load %arg10[%get3A_552, %get3A_553] {strides = array<i32>} : memref<128x64xf32, #tpu.memory_space<vmem>>, vector<16xf32>,
        %mul3A_555 = arith.mulf %get3A_554, %gather3A_527 : vector<16xf32>
        %add3A_556 = arith.constant 10 : i32
        %add3A_557 = arith.addi %mul3A_47, %add3A_556 : i32
        %swap3A_558 = arith.index_cast %add3A_557 : i32 to index
        %swap3A_559 = arith.constant 32 : index
        %swap3A_560 = tpu.vector_load %arg11[%swap3A_558, %swap3A_559] {strides = array<i32>} : memref<128x64xf32, #tpu.memory_space<vmem>>, vector<16xf32>,
        tpu.vector_store %arg11[%swap3A_558, %swap3A_559], %mul3A_555 {strides = array<i32>} : memref<128x64xf32, #tpu.memory_space<vmem>>, vector<16xf32>,
        %add3A_561 = arith.constant 10 : i32
        %add3A_562 = arith.addi %mul3A_47, %add3A_561 : i32
        %get3A_563 = arith.index_cast %add3A_562 : i32 to index
        %get3A_564 = arith.constant 48 : index
        %get3A_565 = tpu.vector_load %arg10[%get3A_563, %get3A_564] {strides = array<i32>} : memref<128x64xf32, #tpu.memory_space<vmem>>, vector<16xf32>,
        %mul3A_566 = arith.mulf %get3A_565, %gather3A_527 : vector<16xf32>
        %add3A_567 = arith.constant 10 : i32
        %add3A_568 = arith.addi %mul3A_47, %add3A_567 : i32
        %swap3A_569 = arith.index_cast %add3A_568 : i32 to index
        %swap3A_570 = arith.constant 48 : index
        %swap3A_571 = tpu.vector_load %arg11[%swap3A_569, %swap3A_570] {strides = array<i32>} : memref<128x64xf32, #tpu.memory_space<vmem>>, vector<16xf32>,
        tpu.vector_store %arg11[%swap3A_569, %swap3A_570], %mul3A_566 {strides = array<i32>} : memref<128x64xf32, #tpu.memory_space<vmem>>, vector<16xf32>,
        %add3A_572 = arith.constant 11 : i32
        %add3A_573 = arith.addi %mul3A_47, %add3A_572 : i32
        %broadcast_in_dim3A_574 = vector.broadcast %add3A_573 : i32 to vector<16xi32>
        %gather3A_575 = tpu.vector_load_idx %arg9[%broadcast_in_dim3A_574] : memref<128xf32, #tpu.memory_space<vmem>>[vector<16xi32>], vector<16xf32>,
        %add3A_576 = arith.constant 11 : i32
        %add3A_577 = arith.addi %mul3A_47, %add3A_576 : i32
        %get3A_578 = arith.index_cast %add3A_577 : i32 to index
        %get3A_579 = arith.constant 0 : index
        %get3A_580 = tpu.vector_load %arg10[%get3A_578, %get3A_579] {strides = array<i32>} : memref<128x64xf32, #tpu.memory_space<vmem>>, vector<16xf32>,
        %mul3A_581 = arith.mulf %get3A_580, %gather3A_575 : vector<16xf32>
        %add3A_582 = arith.constant 11 : i32
        %add3A_583 = arith.addi %mul3A_47, %add3A_582 : i32
        %swap3A_584 = arith.index_cast %add3A_583 : i32 to index
        %swap3A_585 = arith.constant 0 : index
        %swap3A_586 = tpu.vector_load %arg11[%swap3A_584, %swap3A_585] {strides = array<i32>} : memref<128x64xf32, #tpu.memory_space<vmem>>, vector<16xf32>,
        tpu.vector_store %arg11[%swap3A_584, %swap3A_585], %mul3A_581 {strides = array<i32>} : memref<128x64xf32, #tpu.memory_space<vmem>>, vector<16xf32>,
        %add3A_587 = arith.constant 11 : i32
        %add3A_588 = arith.addi %mul3A_47, %add3A_587 : i32
        %get3A_589 = arith.index_cast %add3A_588 : i32 to index
        %get3A_590 = arith.constant 16 : index
        %get3A_591 = tpu.vector_load %arg10[%get3A_589, %get3A_590] {strides = array<i32>} : memref<128x64xf32, #tpu.memory_space<vmem>>, vector<16xf32>,
        %mul3A_592 = arith.mulf %get3A_591, %gather3A_575 : vector<16xf32>
        %add3A_593 = arith.constant 11 : i32
        %add3A_594 = arith.addi %mul3A_47, %add3A_593 : i32
        %swap3A_595 = arith.index_cast %add3A_594 : i32 to index
        %swap3A_596 = arith.constant 16 : index
        %swap3A_597 = tpu.vector_load %arg11[%swap3A_595, %swap3A_596] {strides = array<i32>} : memref<128x64xf32, #tpu.memory_space<vmem>>, vector<16xf32>,
        tpu.vector_store %arg11[%swap3A_595, %swap3A_596], %mul3A_592 {strides = array<i32>} : memref<128x64xf32, #tpu.memory_space<vmem>>, vector<16xf32>,
        %add3A_598 = arith.constant 11 : i32
        %add3A_599 = arith.addi %mul3A_47, %add3A_598 : i32
        %get3A_600 = arith.index_cast %add3A_599 : i32 to index
        %get3A_601 = arith.constant 32 : index
        %get3A_602 = tpu.vector_load %arg10[%get3A_600, %get3A_601] {strides = array<i32>} : memref<128x64xf32, #tpu.memory_space<vmem>>, vector<16xf32>,
        %mul3A_603 = arith.mulf %get3A_602, %gather3A_575 : vector<16xf32>
        %add3A_604 = arith.constant 11 : i32
        %add3A_605 = arith.addi %mul3A_47, %add3A_604 : i32
        %swap3A_606 = arith.index_cast %add3A_605 : i32 to index
        %swap3A_607 = arith.constant 32 : index
        %swap3A_608 = tpu.vector_load %arg11[%swap3A_606, %swap3A_607] {strides = array<i32>} : memref<128x64xf32, #tpu.memory_space<vmem>>, vector<16xf32>,
        tpu.vector_store %arg11[%swap3A_606, %swap3A_607], %mul3A_603 {strides = array<i32>} : memref<128x64xf32, #tpu.memory_space<vmem>>, vector<16xf32>,
        %add3A_609 = arith.constant 11 : i32
        %add3A_610 = arith.addi %mul3A_47, %add3A_609 : i32
        %get3A_611 = arith.index_cast %add3A_610 : i32 to index
        %get3A_612 = arith.constant 48 : index
        %get3A_613 = tpu.vector_load %arg10[%get3A_611, %get3A_612] {strides = array<i32>} : memref<128x64xf32, #tpu.memory_space<vmem>>, vector<16xf32>,
        %mul3A_614 = arith.mulf %get3A_613, %gather3A_575 : vector<16xf32>
        %add3A_615 = arith.constant 11 : i32
        %add3A_616 = arith.addi %mul3A_47, %add3A_615 : i32
        %swap3A_617 = arith.index_cast %add3A_616 : i32 to index
        %swap3A_618 = arith.constant 48 : index
        %swap3A_619 = tpu.vector_load %arg11[%swap3A_617, %swap3A_618] {strides = array<i32>} : memref<128x64xf32, #tpu.memory_space<vmem>>, vector<16xf32>,
        tpu.vector_store %arg11[%swap3A_617, %swap3A_618], %mul3A_614 {strides = array<i32>} : memref<128x64xf32, #tpu.memory_space<vmem>>, vector<16xf32>,
        %add3A_620 = arith.constant 12 : i32
        %add3A_621 = arith.addi %mul3A_47, %add3A_620 : i32
        %broadcast_in_dim3A_622 = vector.broadcast %add3A_621 : i32 to vector<16xi32>
        %gather3A_623 = tpu.vector_load_idx %arg9[%broadcast_in_dim3A_622] : memref<128xf32, #tpu.memory_space<vmem>>[vector<16xi32>], vector<16xf32>,
        %add3A_624 = arith.constant 12 : i32
        %add3A_625 = arith.addi %mul3A_47, %add3A_624 : i32
        %get3A_626 = arith.index_cast %add3A_625 : i32 to index
        %get3A_627 = arith.constant 0 : index
        %get3A_628 = tpu.vector_load %arg10[%get3A_626, %get3A_627] {strides = array<i32>} : memref<128x64xf32, #tpu.memory_space<vmem>>, vector<16xf32>,
        %mul3A_629 = arith.mulf %get3A_628, %gather3A_623 : vector<16xf32>
        %add3A_630 = arith.constant 12 : i32
        %add3A_631 = arith.addi %mul3A_47, %add3A_630 : i32
        %swap3A_632 = arith.index_cast %add3A_631 : i32 to index
        %swap3A_633 = arith.constant 0 : index
        %swap3A_634 = tpu.vector_load %arg11[%swap3A_632, %swap3A_633] {strides = array<i32>} : memref<128x64xf32, #tpu.memory_space<vmem>>, vector<16xf32>,
        tpu.vector_store %arg11[%swap3A_632, %swap3A_633], %mul3A_629 {strides = array<i32>} : memref<128x64xf32, #tpu.memory_space<vmem>>, vector<16xf32>,
        %add3A_635 = arith.constant 12 : i32
        %add3A_636 = arith.addi %mul3A_47, %add3A_635 : i32
        %get3A_637 = arith.index_cast %add3A_636 : i32 to index
        %get3A_638 = arith.constant 16 : index
        %get3A_639 = tpu.vector_load %arg10[%get3A_637, %get3A_638] {strides = array<i32>} : memref<128x64xf32, #tpu.memory_space<vmem>>, vector<16xf32>,
        %mul3A_640 = arith.mulf %get3A_639, %gather3A_623 : vector<16xf32>
        %add3A_641 = arith.constant 12 : i32
        %add3A_642 = arith.addi %mul3A_47, %add3A_641 : i32
        %swap3A_643 = arith.index_cast %add3A_642 : i32 to index
        %swap3A_644 = arith.constant 16 : index
        %swap3A_645 = tpu.vector_load %arg11[%swap3A_643, %swap3A_644] {strides = array<i32>} : memref<128x64xf32, #tpu.memory_space<vmem>>, vector<16xf32>,
        tpu.vector_store %arg11[%swap3A_643, %swap3A_644], %mul3A_640 {strides = array<i32>} : memref<128x64xf32, #tpu.memory_space<vmem>>, vector<16xf32>,
        %add3A_646 = arith.constant 12 : i32
        %add3A_647 = arith.addi %mul3A_47, %add3A_646 : i32
        %get3A_648 = arith.index_cast %add3A_647 : i32 to index
        %get3A_649 = arith.constant 32 : index
        %get3A_650 = tpu.vector_load %arg10[%get3A_648, %get3A_649] {strides = array<i32>} : memref<128x64xf32, #tpu.memory_space<vmem>>, vector<16xf32>,
        %mul3A_651 = arith.mulf %get3A_650, %gather3A_623 : vector<16xf32>
        %add3A_652 = arith.constant 12 : i32
        %add3A_653 = arith.addi %mul3A_47, %add3A_652 : i32
        %swap3A_654 = arith.index_cast %add3A_653 : i32 to index
        %swap3A_655 = arith.constant 32 : index
        %swap3A_656 = tpu.vector_load %arg11[%swap3A_654, %swap3A_655] {strides = array<i32>} : memref<128x64xf32, #tpu.memory_space<vmem>>, vector<16xf32>,
        tpu.vector_store %arg11[%swap3A_654, %swap3A_655], %mul3A_651 {strides = array<i32>} : memref<128x64xf32, #tpu.memory_space<vmem>>, vector<16xf32>,
        %add3A_657 = arith.constant 12 : i32
        %add3A_658 = arith.addi %mul3A_47, %add3A_657 : i32
        %get3A_659 = arith.index_cast %add3A_658 : i32 to index
        %get3A_660 = arith.constant 48 : index
        %get3A_661 = tpu.vector_load %arg10[%get3A_659, %get3A_660] {strides = array<i32>} : memref<128x64xf32, #tpu.memory_space<vmem>>, vector<16xf32>,
        %mul3A_662 = arith.mulf %get3A_661, %gather3A_623 : vector<16xf32>
        %add3A_663 = arith.constant 12 : i32
        %add3A_664 = arith.addi %mul3A_47, %add3A_663 : i32
        %swap3A_665 = arith.index_cast %add3A_664 : i32 to index
        %swap3A_666 = arith.constant 48 : index
        %swap3A_667 = tpu.vector_load %arg11[%swap3A_665, %swap3A_666] {strides = array<i32>} : memref<128x64xf32, #tpu.memory_space<vmem>>, vector<16xf32>,
        tpu.vector_store %arg11[%swap3A_665, %swap3A_666], %mul3A_662 {strides = array<i32>} : memref<128x64xf32, #tpu.memory_space<vmem>>, vector<16xf32>,
        %add3A_668 = arith.constant 13 : i32
        %add3A_669 = arith.addi %mul3A_47, %add3A_668 : i32
        %broadcast_in_dim3A_670 = vector.broadcast %add3A_669 : i32 to vector<16xi32>
        %gather3A_671 = tpu.vector_load_idx %arg9[%broadcast_in_dim3A_670] : memref<128xf32, #tpu.memory_space<vmem>>[vector<16xi32>], vector<16xf32>,
        %add3A_672 = arith.constant 13 : i32
        %add3A_673 = arith.addi %mul3A_47, %add3A_672 : i32
        %get3A_674 = arith.index_cast %add3A_673 : i32 to index
        %get3A_675 = arith.constant 0 : index
        %get3A_676 = tpu.vector_load %arg10[%get3A_674, %get3A_675] {strides = array<i32>} : memref<128x64xf32, #tpu.memory_space<vmem>>, vector<16xf32>,
        %mul3A_677 = arith.mulf %get3A_676, %gather3A_671 : vector<16xf32>
        %add3A_678 = arith.constant 13 : i32
        %add3A_679 = arith.addi %mul3A_47, %add3A_678 : i32
        %swap3A_680 = arith.index_cast %add3A_679 : i32 to index
        %swap3A_681 = arith.constant 0 : index
        %swap3A_682 = tpu.vector_load %arg11[%swap3A_680, %swap3A_681] {strides = array<i32>} : memref<128x64xf32, #tpu.memory_space<vmem>>, vector<16xf32>,
        tpu.vector_store %arg11[%swap3A_680, %swap3A_681], %mul3A_677 {strides = array<i32>} : memref<128x64xf32, #tpu.memory_space<vmem>>, vector<16xf32>,
        %add3A_683 = arith.constant 13 : i32
        %add3A_684 = arith.addi %mul3A_47, %add3A_683 : i32
        %get3A_685 = arith.index_cast %add3A_684 : i32 to index
        %get3A_686 = arith.constant 16 : index
        %get3A_687 = tpu.vector_load %arg10[%get3A_685, %get3A_686] {strides = array<i32>} : memref<128x64xf32, #tpu.memory_space<vmem>>, vector<16xf32>,
        %mul3A_688 = arith.mulf %get3A_687, %gather3A_671 : vector<16xf32>
        %add3A_689 = arith.constant 13 : i32
        %add3A_690 = arith.addi %mul3A_47, %add3A_689 : i32
        %swap3A_691 = arith.index_cast %add3A_690 : i32 to index
        %swap3A_692 = arith.constant 16 : index
        %swap3A_693 = tpu.vector_load %arg11[%swap3A_691, %swap3A_692] {strides = array<i32>} : memref<128x64xf32, #tpu.memory_space<vmem>>, vector<16xf32>,
        tpu.vector_store %arg11[%swap3A_691, %swap3A_692], %mul3A_688 {strides = array<i32>} : memref<128x64xf32, #tpu.memory_space<vmem>>, vector<16xf32>,
        %add3A_694 = arith.constant 13 : i32
        %add3A_695 = arith.addi %mul3A_47, %add3A_694 : i32
        %get3A_696 = arith.index_cast %add3A_695 : i32 to index
        %get3A_697 = arith.constant 32 : index
        %get3A_698 = tpu.vector_load %arg10[%get3A_696, %get3A_697] {strides = array<i32>} : memref<128x64xf32, #tpu.memory_space<vmem>>, vector<16xf32>,
        %mul3A_699 = arith.mulf %get3A_698, %gather3A_671 : vector<16xf32>
        %add3A_700 = arith.constant 13 : i32
        %add3A_701 = arith.addi %mul3A_47, %add3A_700 : i32
        %swap3A_702 = arith.index_cast %add3A_701 : i32 to index
        %swap3A_703 = arith.constant 32 : index
        %swap3A_704 = tpu.vector_load %arg11[%swap3A_702, %swap3A_703] {strides = array<i32>} : memref<128x64xf32, #tpu.memory_space<vmem>>, vector<16xf32>,
        tpu.vector_store %arg11[%swap3A_702, %swap3A_703], %mul3A_699 {strides = array<i32>} : memref<128x64xf32, #tpu.memory_space<vmem>>, vector<16xf32>,
        %add3A_705 = arith.constant 13 : i32
        %add3A_706 = arith.addi %mul3A_47, %add3A_705 : i32
        %get3A_707 = arith.index_cast %add3A_706 : i32 to index
        %get3A_708 = arith.constant 48 : index
        %get3A_709 = tpu.vector_load %arg10[%get3A_707, %get3A_708] {strides = array<i32>} : memref<128x64xf32, #tpu.memory_space<vmem>>, vector<16xf32>,
        %mul3A_710 = arith.mulf %get3A_709, %gather3A_671 : vector<16xf32>
        %add3A_711 = arith.constant 13 : i32
        %add3A_712 = arith.addi %mul3A_47, %add3A_711 : i32
        %swap3A_713 = arith.index_cast %add3A_712 : i32 to index
        %swap3A_714 = arith.constant 48 : index
        %swap3A_715 = tpu.vector_load %arg11[%swap3A_713, %swap3A_714] {strides = array<i32>} : memref<128x64xf32, #tpu.memory_space<vmem>>, vector<16xf32>,
        tpu.vector_store %arg11[%swap3A_713, %swap3A_714], %mul3A_710 {strides = array<i32>} : memref<128x64xf32, #tpu.memory_space<vmem>>, vector<16xf32>,
        %add3A_716 = arith.constant 14 : i32
        %add3A_717 = arith.addi %mul3A_47, %add3A_716 : i32
        %broadcast_in_dim3A_718 = vector.broadcast %add3A_717 : i32 to vector<16xi32>
        %gather3A_719 = tpu.vector_load_idx %arg9[%broadcast_in_dim3A_718] : memref<128xf32, #tpu.memory_space<vmem>>[vector<16xi32>], vector<16xf32>,
        %add3A_720 = arith.constant 14 : i32
        %add3A_721 = arith.addi %mul3A_47, %add3A_720 : i32
        %get3A_722 = arith.index_cast %add3A_721 : i32 to index
        %get3A_723 = arith.constant 0 : index
        %get3A_724 = tpu.vector_load %arg10[%get3A_722, %get3A_723] {strides = array<i32>} : memref<128x64xf32, #tpu.memory_space<vmem>>, vector<16xf32>,
        %mul3A_725 = arith.mulf %get3A_724, %gather3A_719 : vector<16xf32>
        %add3A_726 = arith.constant 14 : i32
        %add3A_727 = arith.addi %mul3A_47, %add3A_726 : i32
        %swap3A_728 = arith.index_cast %add3A_727 : i32 to index
        %swap3A_729 = arith.constant 0 : index
        %swap3A_730 = tpu.vector_load %arg11[%swap3A_728, %swap3A_729] {strides = array<i32>} : memref<128x64xf32, #tpu.memory_space<vmem>>, vector<16xf32>,
        tpu.vector_store %arg11[%swap3A_728, %swap3A_729], %mul3A_725 {strides = array<i32>} : memref<128x64xf32, #tpu.memory_space<vmem>>, vector<16xf32>,
        %add3A_731 = arith.constant 14 : i32
        %add3A_732 = arith.addi %mul3A_47, %add3A_731 : i32
        %get3A_733 = arith.index_cast %add3A_732 : i32 to index
        %get3A_734 = arith.constant 16 : index
        %get3A_735 = tpu.vector_load %arg10[%get3A_733, %get3A_734] {strides = array<i32>} : memref<128x64xf32, #tpu.memory_space<vmem>>, vector<16xf32>,
        %mul3A_736 = arith.mulf %get3A_735, %gather3A_719 : vector<16xf32>
        %add3A_737 = arith.constant 14 : i32
        %add3A_738 = arith.addi %mul3A_47, %add3A_737 : i32
        %swap3A_739 = arith.index_cast %add3A_738 : i32 to index
        %swap3A_740 = arith.constant 16 : index
        %swap3A_741 = tpu.vector_load %arg11[%swap3A_739, %swap3A_740] {strides = array<i32>} : memref<128x64xf32, #tpu.memory_space<vmem>>, vector<16xf32>,
        tpu.vector_store %arg11[%swap3A_739, %swap3A_740], %mul3A_736 {strides = array<i32>} : memref<128x64xf32, #tpu.memory_space<vmem>>, vector<16xf32>,
        %add3A_742 = arith.constant 14 : i32
        %add3A_743 = arith.addi %mul3A_47, %add3A_742 : i32
        %get3A_744 = arith.index_cast %add3A_743 : i32 to index
        %get3A_745 = arith.constant 32 : index
        %get3A_746 = tpu.vector_load %arg10[%get3A_744, %get3A_745] {strides = array<i32>} : memref<128x64xf32, #tpu.memory_space<vmem>>, vector<16xf32>,
        %mul3A_747 = arith.mulf %get3A_746, %gather3A_719 : vector<16xf32>
        %add3A_748 = arith.constant 14 : i32
        %add3A_749 = arith.addi %mul3A_47, %add3A_748 : i32
        %swap3A_750 = arith.index_cast %add3A_749 : i32 to index
        %swap3A_751 = arith.constant 32 : index
        %swap3A_752 = tpu.vector_load %arg11[%swap3A_750, %swap3A_751] {strides = array<i32>} : memref<128x64xf32, #tpu.memory_space<vmem>>, vector<16xf32>,
        tpu.vector_store %arg11[%swap3A_750, %swap3A_751], %mul3A_747 {strides = array<i32>} : memref<128x64xf32, #tpu.memory_space<vmem>>, vector<16xf32>,
        %add3A_753 = arith.constant 14 : i32
        %add3A_754 = arith.addi %mul3A_47, %add3A_753 : i32
        %get3A_755 = arith.index_cast %add3A_754 : i32 to index
        %get3A_756 = arith.constant 48 : index
        %get3A_757 = tpu.vector_load %arg10[%get3A_755, %get3A_756] {strides = array<i32>} : memref<128x64xf32, #tpu.memory_space<vmem>>, vector<16xf32>,
        %mul3A_758 = arith.mulf %get3A_757, %gather3A_719 : vector<16xf32>
        %add3A_759 = arith.constant 14 : i32
        %add3A_760 = arith.addi %mul3A_47, %add3A_759 : i32
        %swap3A_761 = arith.index_cast %add3A_760 : i32 to index
        %swap3A_762 = arith.constant 48 : index
        %swap3A_763 = tpu.vector_load %arg11[%swap3A_761, %swap3A_762] {strides = array<i32>} : memref<128x64xf32, #tpu.memory_space<vmem>>, vector<16xf32>,
        tpu.vector_store %arg11[%swap3A_761, %swap3A_762], %mul3A_758 {strides = array<i32>} : memref<128x64xf32, #tpu.memory_space<vmem>>, vector<16xf32>,
        %add3A_764 = arith.constant 15 : i32
        %add3A_765 = arith.addi %mul3A_47, %add3A_764 : i32
        %broadcast_in_dim3A_766 = vector.broadcast %add3A_765 : i32 to vector<16xi32>
        %gather3A_767 = tpu.vector_load_idx %arg9[%broadcast_in_dim3A_766] : memref<128xf32, #tpu.memory_space<vmem>>[vector<16xi32>], vector<16xf32>,
        %add3A_768 = arith.constant 15 : i32
        %add3A_769 = arith.addi %mul3A_47, %add3A_768 : i32
        %get3A_770 = arith.index_cast %add3A_769 : i32 to index
        %get3A_771 = arith.constant 0 : index
        %get3A_772 = tpu.vector_load %arg10[%get3A_770, %get3A_771] {strides = array<i32>} : memref<128x64xf32, #tpu.memory_space<vmem>>, vector<16xf32>,
        %mul3A_773 = arith.mulf %get3A_772, %gather3A_767 : vector<16xf32>
        %add3A_774 = arith.constant 15 : i32
        %add3A_775 = arith.addi %mul3A_47, %add3A_774 : i32
        %swap3A_776 = arith.index_cast %add3A_775 : i32 to index
        %swap3A_777 = arith.constant 0 : index
        %swap3A_778 = tpu.vector_load %arg11[%swap3A_776, %swap3A_777] {strides = array<i32>} : memref<128x64xf32, #tpu.memory_space<vmem>>, vector<16xf32>,
        tpu.vector_store %arg11[%swap3A_776, %swap3A_777], %mul3A_773 {strides = array<i32>} : memref<128x64xf32, #tpu.memory_space<vmem>>, vector<16xf32>,
        %add3A_779 = arith.constant 15 : i32
        %add3A_780 = arith.addi %mul3A_47, %add3A_779 : i32
        %get3A_781 = arith.index_cast %add3A_780 : i32 to index
        %get3A_782 = arith.constant 16 : index
        %get3A_783 = tpu.vector_load %arg10[%get3A_781, %get3A_782] {strides = array<i32>} : memref<128x64xf32, #tpu.memory_space<vmem>>, vector<16xf32>,
        %mul3A_784 = arith.mulf %get3A_783, %gather3A_767 : vector<16xf32>
        %add3A_785 = arith.constant 15 : i32
        %add3A_786 = arith.addi %mul3A_47, %add3A_785 : i32
        %swap3A_787 = arith.index_cast %add3A_786 : i32 to index
        %swap3A_788 = arith.constant 16 : index
        %swap3A_789 = tpu.vector_load %arg11[%swap3A_787, %swap3A_788] {strides = array<i32>} : memref<128x64xf32, #tpu.memory_space<vmem>>, vector<16xf32>,
        tpu.vector_store %arg11[%swap3A_787, %swap3A_788], %mul3A_784 {strides = array<i32>} : memref<128x64xf32, #tpu.memory_space<vmem>>, vector<16xf32>,
        %add3A_790 = arith.constant 15 : i32
        %add3A_791 = arith.addi %mul3A_47, %add3A_790 : i32
        %get3A_792 = arith.index_cast %add3A_791 : i32 to index
        %get3A_793 = arith.constant 32 : index
        %get3A_794 = tpu.vector_load %arg10[%get3A_792, %get3A_793] {strides = array<i32>} : memref<128x64xf32, #tpu.memory_space<vmem>>, vector<16xf32>,
        %mul3A_795 = arith.mulf %get3A_794, %gather3A_767 : vector<16xf32>
        %add3A_796 = arith.constant 15 : i32
        %add3A_797 = arith.addi %mul3A_47, %add3A_796 : i32
        %swap3A_798 = arith.index_cast %add3A_797 : i32 to index
        %swap3A_799 = arith.constant 32 : index
        %swap3A_800 = tpu.vector_load %arg11[%swap3A_798, %swap3A_799] {strides = array<i32>} : memref<128x64xf32, #tpu.memory_space<vmem>>, vector<16xf32>,
        tpu.vector_store %arg11[%swap3A_798, %swap3A_799], %mul3A_795 {strides = array<i32>} : memref<128x64xf32, #tpu.memory_space<vmem>>, vector<16xf32>,
        %add3A_801 = arith.constant 15 : i32
        %add3A_802 = arith.addi %mul3A_47, %add3A_801 : i32
        %get3A_803 = arith.index_cast %add3A_802 : i32 to index
        %get3A_804 = arith.constant 48 : index
        %get3A_805 = tpu.vector_load %arg10[%get3A_803, %get3A_804] {strides = array<i32>} : memref<128x64xf32, #tpu.memory_space<vmem>>, vector<16xf32>,
        %mul3A_806 = arith.mulf %get3A_805, %gather3A_767 : vector<16xf32>
        %add3A_807 = arith.constant 15 : i32
        %add3A_808 = arith.addi %mul3A_47, %add3A_807 : i32
        %swap3A_809 = arith.index_cast %add3A_808 : i32 to index
        %swap3A_810 = arith.constant 48 : index
        %swap3A_811 = tpu.vector_load %arg11[%swap3A_809, %swap3A_810] {strides = array<i32>} : memref<128x64xf32, #tpu.memory_space<vmem>>, vector<16xf32>,
        tpu.vector_store %arg11[%swap3A_809, %swap3A_810], %mul3A_806 {strides = array<i32>} : memref<128x64xf32, #tpu.memory_space<vmem>>, vector<16xf32>,
      }
      %scan3A_40 = arith.constant 8 : i32
      "tpu.region"() ({
        %run_scoped3A = tpu.sem_alloc : memref<!tpu.dma_semaphore, #tpu.memory_space<semaphore_mem>>
        %dma_start3A_41 = arith.constant 0 : i32
        %dma_start3A_42 = arith.constant 0 : i32
        %dma_start3A_43 = tpu.memref_slice %arg13[%dma_start3A_41, %dma_start3A_42] : memref<10240x64xf32, #tpu.memory_space<vmem_shared>> -> memref<10240x64xf32, #tpu.memory_space<vmem_shared>>
        tpu.enqueue_indirect_dma source(%arg11 : memref<128x64xf32, #tpu.memory_space<vmem>>) target(%dma_start3A_43 : memref<10240x64xf32, #tpu.memory_space<vmem_shared>>) offsets(%arg8 : memref<128xi32, #tpu.memory_space<vmem>>) semaphore(%run_scoped3A : memref<!tpu.dma_semaphore, #tpu.memory_space<semaphore_mem>>) {add = true}
        %dma_wait3A_44 = arith.constant 0 : i32
        %dma_wait3A_45 = arith.constant 0 : i32
        %dma_wait3A_46 = tpu.memref_slice %arg13[%dma_wait3A_44, %dma_wait3A_45] : memref<10240x64xf32, #tpu.memory_space<vmem_shared>> -> memref<10240x64xf32, #tpu.memory_space<vmem_shared>>
        tpu.wait_indirect_dma semaphore(%run_scoped3A : memref<!tpu.dma_semaphore, #tpu.memory_space<semaphore_mem>>) src(%arg11 : memref<128x64xf32, #tpu.memory_space<vmem>>) dst(%dma_wait3A_46 : memref<10240x64xf32, #tpu.memory_space<vmem_shared>>)
        tpu.yield
      }) : () -> ()
    }
    %scan3A_16 = arith.constant 158 : i32
    %barrier3A_17 = arith.constant 0 : index
    tpu.barrier barrier_id(%barrier3A_17)
    %mul3A_18 = arith.constant 640 : i32
    %mul3A_19 = arith.muli %arg1, %mul3A_18 : i32
    %mul3A_20 = arith.constant 640 : i32
    %mul3A_21 = arith.muli %arg1, %mul3A_20 : i32
    "tpu.region"() ({
      %run_scoped3A = tpu.sem_alloc : memref<!tpu.dma_semaphore, #tpu.memory_space<semaphore_mem>>
      %dma_start3A = arith.constant 0 : i32
      %dma_start3A_22 = tpu.memref_slice %arg6[%arg0, %mul3A_21, %dma_start3A] : memref<2x10240x64xf32, #tpu.memory_space<hbm>> -> memref<1x640x64xf32, #tpu.memory_space<hbm>>
      %dma_start3A_23 = tpu.memref_squeeze %dma_start3A_22 : memref<1x640x64xf32, #tpu.memory_space<hbm>> -> memref<640x64xf32, #tpu.memory_space<hbm>>
      %dma_start3A_24 = arith.constant 0 : i32
      %dma_start3A_25 = tpu.memref_slice %arg13[%mul3A_19, %dma_start3A_24] : memref<10240x64xf32, #tpu.memory_space<vmem_shared>> -> memref<640x64xf32, #tpu.memory_space<vmem_shared>>
      tpu.enqueue_dma source(%dma_start3A_25 : memref<640x64xf32, #tpu.memory_space<vmem_shared>>) target(%dma_start3A_23 : memref<640x64xf32, #tpu.memory_space<hbm>>) target_semaphore(%run_scoped3A : memref<!tpu.dma_semaphore, #tpu.memory_space<semaphore_mem>>)
      %dma_wait3A = arith.constant 0 : i32
      %dma_wait3A_26 = tpu.memref_slice %arg6[%arg0, %mul3A_21, %dma_wait3A] : memref<2x10240x64xf32, #tpu.memory_space<hbm>> -> memref<1x640x64xf32, #tpu.memory_space<hbm>>
      %dma_wait3A_27 = tpu.memref_squeeze %dma_wait3A_26 : memref<1x640x64xf32, #tpu.memory_space<hbm>> -> memref<640x64xf32, #tpu.memory_space<hbm>>
      %dma_wait3A_28 = arith.constant 0 : i32
      %dma_wait3A_29 = tpu.memref_slice %arg13[%mul3A_19, %dma_wait3A_28] : memref<10240x64xf32, #tpu.memory_space<vmem_shared>> -> memref<640x64xf32, #tpu.memory_space<vmem_shared>>
      tpu.wait_dma2 semaphore(%run_scoped3A : memref<!tpu.dma_semaphore, #tpu.memory_space<semaphore_mem>>) src(%dma_wait3A_29 : memref<640x64xf32, #tpu.memory_space<vmem_shared>>) dst(%dma_wait3A_27 : memref<640x64xf32, #tpu.memory_space<hbm>>)
      tpu.yield
    }) : () -> ()
    return
  }
}

module attributes {stable_mosaic.version = 14 : i64} {
  func.func @body(%arg0: i32, %arg1: memref<1024x128xf32, #tpu.memory_space<vmem>>, %arg2: memref<128x128xf32, #tpu.memory_space<vmem>>, %arg3: memref<2x1024x1xf32, #tpu.memory_space<vmem>>, %arg4: memref<2x1024x64xf32, #tpu.memory_space<vmem>>, %arg5: memref<1024x1xf32, #tpu.memory_space<vmem>>) attributes {dimension_semantics = [#tpu.dimension_semantics<arbitrary>], iteration_bounds = array<i64: 10>, scalar_prefetch = 0 : i64, scratch_operands = 0 : i64, tpu.core_type = #tpu.core_type<tc>, window_params = [{transform_indices = @transform_0, window_bounds = array<i64: 1024, 128>}, {pipeline_mode = #tpu.pipeline_mode<synchronous>, transform_indices = @transform_1, window_bounds = array<i64: 128, 128>}, {transform_indices = @transform_2, window_bounds = array<i64: 2, 1024, 1>}, {transform_indices = @transform_3, window_bounds = array<i64: 2, 1024, 64>}, {transform_indices = @transform_4, window_bounds = array<i64: 1024, 1>}]} {
    %get3A = arith.constant 0 : index
    %get3A_0 = arith.constant 0 : index
    %get3A_1 = arith.constant 0 : index
    %get3A_2 = vector.load %arg3[%get3A, %get3A_0, %get3A_1] : memref<2x1024x1xf32, #tpu.memory_space<vmem>>, vector<1x1024x1xf32>
    %get3A_3 = vector.shape_cast %get3A_2 : vector<1x1024x1xf32> to vector<1024x1xf32>
    %get3A_4 = arith.constant 1 : index
    %get3A_5 = arith.constant 0 : index
    %get3A_6 = arith.constant 0 : index
    %get3A_7 = vector.load %arg3[%get3A_4, %get3A_5, %get3A_6] : memref<2x1024x1xf32, #tpu.memory_space<vmem>>, vector<1x1024x1xf32>
    %get3A_8 = vector.shape_cast %get3A_7 : vector<1x1024x1xf32> to vector<1024x1xf32>
    %add3A = arith.addf %get3A_3, %get3A_8 : vector<1024x1xf32>
    %add3A_9 = arith.constant 1.000000e+00 : f32
    %add3A_10 = vector.broadcast %add3A_9 : f32 to vector<1024x1xf32>
    %add3A_11 = arith.addf %add3A, %add3A_10 : vector<1024x1xf32>
    %rsqrt3A = math.rsqrt %add3A_11 : vector<1024x1xf32>
    %get3A_12 = arith.constant 0 : index
    %get3A_13 = arith.constant 0 : index
    %get3A_14 = vector.load %arg1[%get3A_12, %get3A_13] : memref<1024x128xf32, #tpu.memory_space<vmem>>, vector<1024x128xf32>
    %get3A_15 = arith.constant 0 : index
    %get3A_16 = arith.constant 0 : index
    %get3A_17 = vector.load %arg2[%get3A_15, %get3A_16] : memref<128x128xf32, #tpu.memory_space<vmem>>, vector<128x128xf32>
    %dot_general3A = arith.constant dense<0.000000e+00> : vector<1024x128xf32>
    %dot_general3A_18 = tpu.matmul %get3A_14, %get3A_17, %dot_general3A {dimension_numbers = #tpu.dot_dimension_numbers<[1], [0], [0], [1], [0, 0, 1, 1], [], []>, transpose_lhs_hint = false} : vector<1024x128xf32>, vector<128x128xf32>, vector<1024x128xf32> -> vector<1024x128xf32>
    %mul3A = vector.broadcast %rsqrt3A : vector<1024x1xf32> to vector<1024x128xf32>
    %mul3A_19 = arith.mulf %dot_general3A_18, %mul3A : vector<1024x128xf32>
    %slice3A = vector.extract_strided_slice %mul3A_19 {offsets = [0, 0], sizes = [1024, 64], strides = [1, 1]} : vector<1024x128xf32> to vector<1024x64xf32>
    %swap3A = arith.constant 0 : index
    %swap3A_20 = arith.constant 0 : index
    %swap3A_21 = arith.constant 0 : index
    %swap3A_22 = vector.load %arg4[%swap3A, %swap3A_20, %swap3A_21] : memref<2x1024x64xf32, #tpu.memory_space<vmem>>, vector<1x1024x64xf32>
    %swap3A_23 = vector.shape_cast %swap3A_22 : vector<1x1024x64xf32> to vector<1024x64xf32>
    %swap3A_24 = vector.shape_cast %slice3A : vector<1024x64xf32> to vector<1x1024x64xf32>
    tpu.vector_store %arg4[%swap3A, %swap3A_20, %swap3A_21], %swap3A_24 {strides = array<i32>} : memref<2x1024x64xf32, #tpu.memory_space<vmem>>, vector<1x1024x64xf32>,
    %slice3A_25 = vector.extract_strided_slice %mul3A_19 {offsets = [0, 64], sizes = [1024, 64], strides = [1, 1]} : vector<1024x128xf32> to vector<1024x64xf32>
    %swap3A_26 = arith.constant 1 : index
    %swap3A_27 = arith.constant 0 : index
    %swap3A_28 = arith.constant 0 : index
    %swap3A_29 = vector.load %arg4[%swap3A_26, %swap3A_27, %swap3A_28] : memref<2x1024x64xf32, #tpu.memory_space<vmem>>, vector<1x1024x64xf32>
    %swap3A_30 = vector.shape_cast %swap3A_29 : vector<1x1024x64xf32> to vector<1024x64xf32>
    %swap3A_31 = vector.shape_cast %slice3A_25 : vector<1024x64xf32> to vector<1x1024x64xf32>
    tpu.vector_store %arg4[%swap3A_26, %swap3A_27, %swap3A_28], %swap3A_31 {strides = array<i32>} : memref<2x1024x64xf32, #tpu.memory_space<vmem>>, vector<1x1024x64xf32>,
    %swap3A_32 = arith.constant 0 : index
    %swap3A_33 = arith.constant 0 : index
    %swap3A_34 = vector.load %arg5[%swap3A_32, %swap3A_33] : memref<1024x1xf32, #tpu.memory_space<vmem>>, vector<1024x1xf32>
    tpu.vector_store %arg5[%swap3A_32, %swap3A_33], %rsqrt3A {strides = array<i32>} : memref<1024x1xf32, #tpu.memory_space<vmem>>, vector<1024x1xf32>,
    return
  }
  func.func @transform_0(%arg0: i32) -> (i32, i32) {
    %c0_i32 = arith.constant 0 : i32
    %c0_i32_0 = arith.constant 0 : i32
    return %arg0, %c0_i32 : i32, i32
  }
  func.func @transform_1(%arg0: i32) -> (i32, i32) {
    %c0_i32 = arith.constant 0 : i32
    %c0_i32_0 = arith.constant 0 : i32
    %c0_i32_1 = arith.constant 0 : i32
    return %c0_i32, %c0_i32_0 : i32, i32
  }
  func.func @transform_2(%arg0: i32) -> (i32, i32, i32) {
    %c0_i32 = arith.constant 0 : i32
    %c0_i32_0 = arith.constant 0 : i32
    %c0_i32_1 = arith.constant 0 : i32
    return %c0_i32, %arg0, %c0_i32_0 : i32, i32, i32
  }
  func.func @transform_3(%arg0: i32) -> (i32, i32, i32) {
    %c0_i32 = arith.constant 0 : i32
    %c0_i32_0 = arith.constant 0 : i32
    %c0_i32_1 = arith.constant 0 : i32
    return %c0_i32, %arg0, %c0_i32_0 : i32, i32, i32
  }
  func.func @transform_4(%arg0: i32) -> (i32, i32) {
    %c0_i32 = arith.constant 0 : i32
    %c0_i32_0 = arith.constant 0 : i32
    return %arg0, %c0_i32 : i32, i32
  }
}

module attributes {stable_mosaic.version = 14 : i64} {
  func.func @body(%arg0: i32, %arg1: memref<2x1024x64xf32, #tpu.memory_space<vmem>>, %arg2: memref<2x1024x64xf32, #tpu.memory_space<vmem>>, %arg3: memref<1024x1xf32, #tpu.memory_space<vmem>>, %arg4: memref<1x128xf32, #tpu.memory_space<vmem>>, %arg5: memref<128x16xf32, #tpu.memory_space<vmem>>, %arg6: memref<1024x128xf32, #tpu.memory_space<vmem>>, %arg7: memref<1024x16xf32, #tpu.memory_space<vmem>>) attributes {dimension_semantics = [#tpu.dimension_semantics<arbitrary>], iteration_bounds = array<i64: 10>, scalar_prefetch = 0 : i64, scratch_operands = 0 : i64, tpu.core_type = #tpu.core_type<tc>, window_params = [{transform_indices = @transform_0, window_bounds = array<i64: 2, 1024, 64>}, {transform_indices = @transform_1, window_bounds = array<i64: 2, 1024, 64>}, {transform_indices = @transform_2, window_bounds = array<i64: 1024, 1>}, {pipeline_mode = #tpu.pipeline_mode<synchronous>, transform_indices = @transform_3, window_bounds = array<i64: 1, 128>}, {pipeline_mode = #tpu.pipeline_mode<synchronous>, transform_indices = @transform_4, window_bounds = array<i64: 128, 16>}, {transform_indices = @transform_5, window_bounds = array<i64: 1024, 128>}, {transform_indices = @transform_6, window_bounds = array<i64: 1024, 16>}]} {
    %get3A = arith.constant 0 : index
    %get3A_0 = arith.constant 0 : index
    %get3A_1 = vector.load %arg3[%get3A, %get3A_0] : memref<1024x1xf32, #tpu.memory_space<vmem>>, vector<1024x1xf32>
    %get3A_2 = arith.constant 0 : index
    %get3A_3 = arith.constant 0 : index
    %get3A_4 = vector.load %arg4[%get3A_2, %get3A_3] : memref<1x128xf32, #tpu.memory_space<vmem>>, vector<1x128xf32>
    %slice3A = vector.extract_strided_slice %get3A_4 {offsets = [0, 0], sizes = [1, 64], strides = [1, 1]} : vector<1x128xf32> to vector<1x64xf32>
    %get3A_5 = arith.constant 0 : index
    %get3A_6 = arith.constant 0 : index
    %get3A_7 = arith.constant 0 : index
    %get3A_8 = vector.load %arg1[%get3A_5, %get3A_6, %get3A_7] : memref<2x1024x64xf32, #tpu.memory_space<vmem>>, vector<1x1024x64xf32>
    %get3A_9 = vector.shape_cast %get3A_8 : vector<1x1024x64xf32> to vector<1024x64xf32>
    %get3A_10 = arith.constant 0 : index
    %get3A_11 = arith.constant 0 : index
    %get3A_12 = arith.constant 0 : index
    %get3A_13 = vector.load %arg2[%get3A_10, %get3A_11, %get3A_12] : memref<2x1024x64xf32, #tpu.memory_space<vmem>>, vector<1x1024x64xf32>
    %get3A_14 = vector.shape_cast %get3A_13 : vector<1x1024x64xf32> to vector<1024x64xf32>
    %add3A = arith.addf %get3A_9, %get3A_14 : vector<1024x64xf32>
    %mul3A = vector.broadcast %get3A_1 : vector<1024x1xf32> to vector<1024x64xf32>
    %mul3A_15 = arith.mulf %add3A, %mul3A : vector<1024x64xf32>
    %add3A_16 = vector.broadcast %slice3A : vector<1x64xf32> to vector<1024x64xf32>
    %add3A_17 = arith.addf %mul3A_15, %add3A_16 : vector<1024x64xf32>
    %get3A_18 = arith.constant 0 : index
    %get3A_19 = arith.constant 0 : index
    %get3A_20 = vector.load %arg4[%get3A_18, %get3A_19] : memref<1x128xf32, #tpu.memory_space<vmem>>, vector<1x128xf32>
    %slice3A_21 = vector.extract_strided_slice %get3A_20 {offsets = [0, 64], sizes = [1, 64], strides = [1, 1]} : vector<1x128xf32> to vector<1x64xf32>
    %get3A_22 = arith.constant 1 : index
    %get3A_23 = arith.constant 0 : index
    %get3A_24 = arith.constant 0 : index
    %get3A_25 = vector.load %arg1[%get3A_22, %get3A_23, %get3A_24] : memref<2x1024x64xf32, #tpu.memory_space<vmem>>, vector<1x1024x64xf32>
    %get3A_26 = vector.shape_cast %get3A_25 : vector<1x1024x64xf32> to vector<1024x64xf32>
    %get3A_27 = arith.constant 1 : index
    %get3A_28 = arith.constant 0 : index
    %get3A_29 = arith.constant 0 : index
    %get3A_30 = vector.load %arg2[%get3A_27, %get3A_28, %get3A_29] : memref<2x1024x64xf32, #tpu.memory_space<vmem>>, vector<1x1024x64xf32>
    %get3A_31 = vector.shape_cast %get3A_30 : vector<1x1024x64xf32> to vector<1024x64xf32>
    %add3A_32 = arith.addf %get3A_26, %get3A_31 : vector<1024x64xf32>
    %mul3A_33 = vector.broadcast %get3A_1 : vector<1024x1xf32> to vector<1024x64xf32>
    %mul3A_34 = arith.mulf %add3A_32, %mul3A_33 : vector<1024x64xf32>
    %add3A_35 = vector.broadcast %slice3A_21 : vector<1x64xf32> to vector<1024x64xf32>
    %add3A_36 = arith.addf %mul3A_34, %add3A_35 : vector<1024x64xf32>
    %concatenate3A = tpu.concatenate %add3A_17, %add3A_36 in 1 : vector<1024x64xf32>, vector<1024x64xf32> -> vector<1024x128xf32>
    %max3A = arith.constant 0.000000e+00 : f32
    %max3A_37 = vector.broadcast %max3A : f32 to vector<1024x128xf32>
    %max3A_38 = arith.maximumf %concatenate3A, %max3A_37 : vector<1024x128xf32>
    %swap3A = arith.constant 0 : index
    %swap3A_39 = arith.constant 0 : index
    %swap3A_40 = vector.load %arg6[%swap3A, %swap3A_39] : memref<1024x128xf32, #tpu.memory_space<vmem>>, vector<1024x128xf32>
    tpu.vector_store %arg6[%swap3A, %swap3A_39], %max3A_38 {strides = array<i32>} : memref<1024x128xf32, #tpu.memory_space<vmem>>, vector<1024x128xf32>,
    %get3A_41 = arith.constant 0 : index
    %get3A_42 = arith.constant 0 : index
    %get3A_43 = vector.load %arg5[%get3A_41, %get3A_42] : memref<128x16xf32, #tpu.memory_space<vmem>>, vector<128x16xf32>
    %dot_general3A = arith.constant dense<0.000000e+00> : vector<1024x16xf32>
    %dot_general3A_44 = tpu.matmul %max3A_38, %get3A_43, %dot_general3A {dimension_numbers = #tpu.dot_dimension_numbers<[1], [0], [0], [1], [0, 0, 1, 1], [], []>, transpose_lhs_hint = false} : vector<1024x128xf32>, vector<128x16xf32>, vector<1024x16xf32> -> vector<1024x16xf32>
    %mul3A_45 = vector.broadcast %get3A_1 : vector<1024x1xf32> to vector<1024x16xf32>
    %mul3A_46 = arith.mulf %dot_general3A_44, %mul3A_45 : vector<1024x16xf32>
    %swap3A_47 = arith.constant 0 : index
    %swap3A_48 = arith.constant 0 : index
    %swap3A_49 = vector.load %arg7[%swap3A_47, %swap3A_48] : memref<1024x16xf32, #tpu.memory_space<vmem>>, vector<1024x16xf32>
    tpu.vector_store %arg7[%swap3A_47, %swap3A_48], %mul3A_46 {strides = array<i32>} : memref<1024x16xf32, #tpu.memory_space<vmem>>, vector<1024x16xf32>,
    return
  }
  func.func @transform_0(%arg0: i32) -> (i32, i32, i32) {
    %c0_i32 = arith.constant 0 : i32
    %c0_i32_0 = arith.constant 0 : i32
    %c0_i32_1 = arith.constant 0 : i32
    return %c0_i32, %arg0, %c0_i32_0 : i32, i32, i32
  }
  func.func @transform_1(%arg0: i32) -> (i32, i32, i32) {
    %c0_i32 = arith.constant 0 : i32
    %c0_i32_0 = arith.constant 0 : i32
    %c0_i32_1 = arith.constant 0 : i32
    return %c0_i32, %arg0, %c0_i32_0 : i32, i32, i32
  }
  func.func @transform_2(%arg0: i32) -> (i32, i32) {
    %c0_i32 = arith.constant 0 : i32
    %c0_i32_0 = arith.constant 0 : i32
    return %arg0, %c0_i32 : i32, i32
  }
  func.func @transform_3(%arg0: i32) -> (i32, i32) {
    %c0_i32 = arith.constant 0 : i32
    %c0_i32_0 = arith.constant 0 : i32
    %c0_i32_1 = arith.constant 0 : i32
    return %c0_i32, %c0_i32_0 : i32, i32
  }
  func.func @transform_4(%arg0: i32) -> (i32, i32) {
    %c0_i32 = arith.constant 0 : i32
    %c0_i32_0 = arith.constant 0 : i32
    %c0_i32_1 = arith.constant 0 : i32
    return %c0_i32, %c0_i32_0 : i32, i32
  }
  func.func @transform_5(%arg0: i32) -> (i32, i32) {
    %c0_i32 = arith.constant 0 : i32
    %c0_i32_0 = arith.constant 0 : i32
    return %arg0, %c0_i32 : i32, i32
  }
  func.func @transform_6(%arg0: i32) -> (i32, i32) {
    %c0_i32 = arith.constant 0 : i32
    %c0_i32_0 = arith.constant 0 : i32
    return %arg0, %c0_i32 : i32, i32
  }
}

module attributes {stable_mosaic.version = 14 : i64} {
  func.func @body(%arg0: i32, %arg1: memref<2x1024x16xf32, #tpu.memory_space<vmem>>, %arg2: memref<1024x16xf32, #tpu.memory_space<vmem>>, %arg3: memref<1024x1xf32, #tpu.memory_space<vmem>>, %arg4: memref<1x16xf32, #tpu.memory_space<vmem>>, %arg5: memref<1024x16xf32, #tpu.memory_space<vmem>>) attributes {dimension_semantics = [#tpu.dimension_semantics<arbitrary>], iteration_bounds = array<i64: 10>, scalar_prefetch = 0 : i64, scratch_operands = 0 : i64, tpu.core_type = #tpu.core_type<tc>, window_params = [{transform_indices = @transform_0, window_bounds = array<i64: 2, 1024, 16>}, {transform_indices = @transform_1, window_bounds = array<i64: 1024, 16>}, {transform_indices = @transform_2, window_bounds = array<i64: 1024, 1>}, {pipeline_mode = #tpu.pipeline_mode<synchronous>, transform_indices = @transform_3, window_bounds = array<i64: 1, 16>}, {transform_indices = @transform_4, window_bounds = array<i64: 1024, 16>}]} {
    %get3A = arith.constant 0 : index
    %get3A_0 = arith.constant 0 : index
    %get3A_1 = vector.load %arg3[%get3A, %get3A_0] : memref<1024x1xf32, #tpu.memory_space<vmem>>, vector<1024x1xf32>
    %get3A_2 = arith.constant 0 : index
    %get3A_3 = arith.constant 0 : index
    %get3A_4 = arith.constant 0 : index
    %get3A_5 = vector.load %arg1[%get3A_2, %get3A_3, %get3A_4] : memref<2x1024x16xf32, #tpu.memory_space<vmem>>, vector<1x1024x16xf32>
    %get3A_6 = vector.shape_cast %get3A_5 : vector<1x1024x16xf32> to vector<1024x16xf32>
    %get3A_7 = arith.constant 1 : index
    %get3A_8 = arith.constant 0 : index
    %get3A_9 = arith.constant 0 : index
    %get3A_10 = vector.load %arg1[%get3A_7, %get3A_8, %get3A_9] : memref<2x1024x16xf32, #tpu.memory_space<vmem>>, vector<1x1024x16xf32>
    %get3A_11 = vector.shape_cast %get3A_10 : vector<1x1024x16xf32> to vector<1024x16xf32>
    %add3A = arith.addf %get3A_6, %get3A_11 : vector<1024x16xf32>
    %get3A_12 = arith.constant 0 : index
    %get3A_13 = arith.constant 0 : index
    %get3A_14 = vector.load %arg2[%get3A_12, %get3A_13] : memref<1024x16xf32, #tpu.memory_space<vmem>>, vector<1024x16xf32>
    %add3A_15 = arith.addf %add3A, %get3A_14 : vector<1024x16xf32>
    %mul3A = vector.broadcast %get3A_1 : vector<1024x1xf32> to vector<1024x16xf32>
    %mul3A_16 = arith.mulf %add3A_15, %mul3A : vector<1024x16xf32>
    %get3A_17 = arith.constant 0 : index
    %get3A_18 = arith.constant 0 : index
    %get3A_19 = vector.load %arg4[%get3A_17, %get3A_18] : memref<1x16xf32, #tpu.memory_space<vmem>>, vector<1x16xf32>
    %add3A_20 = vector.broadcast %get3A_19 : vector<1x16xf32> to vector<1024x16xf32>
    %add3A_21 = arith.addf %mul3A_16, %add3A_20 : vector<1024x16xf32>
    %swap3A = arith.constant 0 : index
    %swap3A_22 = arith.constant 0 : index
    %swap3A_23 = vector.load %arg5[%swap3A, %swap3A_22] : memref<1024x16xf32, #tpu.memory_space<vmem>>, vector<1024x16xf32>
    tpu.vector_store %arg5[%swap3A, %swap3A_22], %add3A_21 {strides = array<i32>} : memref<1024x16xf32, #tpu.memory_space<vmem>>, vector<1024x16xf32>,
    return
  }
  func.func @transform_0(%arg0: i32) -> (i32, i32, i32) {
    %c0_i32 = arith.constant 0 : i32
    %c0_i32_0 = arith.constant 0 : i32
    %c0_i32_1 = arith.constant 0 : i32
    return %c0_i32, %arg0, %c0_i32_0 : i32, i32, i32
  }
  func.func @transform_1(%arg0: i32) -> (i32, i32) {
    %c0_i32 = arith.constant 0 : i32
    %c0_i32_0 = arith.constant 0 : i32
    return %arg0, %c0_i32 : i32, i32
  }
  func.func @transform_2(%arg0: i32) -> (i32, i32) {
    %c0_i32 = arith.constant 0 : i32
    %c0_i32_0 = arith.constant 0 : i32
    return %arg0, %c0_i32 : i32, i32
  }
  func.func @transform_3(%arg0: i32) -> (i32, i32) {
    %c0_i32 = arith.constant 0 : i32
    %c0_i32_0 = arith.constant 0 : i32
    %c0_i32_1 = arith.constant 0 : i32
    return %c0_i32, %c0_i32_0 : i32, i32
  }
  func.func @transform_4(%arg0: i32) -> (i32, i32) {
    %c0_i32 = arith.constant 0 : i32
    %c0_i32_0 = arith.constant 0 : i32
    return %arg0, %c0_i32 : i32, i32
  }
}

</mosaic_0001>

<sc_bundles>
// kernel: kernel.11.cloned.1.call-start
scs
__scs_entry_jumppad:
0x0: {  	(pc) =	sbr.rel $0x88, $3  }
0x1: {  	(tag) =	ssettag $0x0;
	lr =	simm.s32 $0x1  }
0x2: {  	[smem:$0x3F9A] =	sst lr;
	_ =	strace $0xD0000000  }
0x3: {  	_ = 	snop  }
0x4: {  	_ = 	snop  }
0x5: {  	_ = 	snop  }
0x6: {  	_ = 	snop  }
0x7: {  	_ = 	snop  }
__scs_overlays_trampoline_lowered:
0x8: {  	[smem:$0x3FA9] =	sst s0  }
0x9: {  	[smem:$0x3FAA] =	sst s1  }
0xa: {  	[smem:$0x3FAB] =	sst s2  }
0xb: {  	[smem:$0x3FAC] =	sst s3  }
0xc: {  	[smem:$0x3FAD] =	sst s4  }
0xd: {  	[smem:$0x3FAE] =	sst s5  }
0xe: {  	[smem:$0x3FAF] =	sst s6  }
0xf: {  	[smem:$0x3FB0] =	sst s7  }
0x10: {  	[smem:$0x3FB1] =	sst s8  }
0x11: {  	[smem:$0x3FB2] =	sst s9;
	s0 =	simm.s32 @!p0 $0x0  }
0x12: {  	s1 =	sld [smem:$0x3F98];
	s0 =	simm.s32 @p0 $0x1  }
0x13: {  	[smem:$0x3FB3] =	sst s0;
	s0 =	simm.s32 @!p1 $0x0  }
0x14: {  	s2 =	sld [smem:$0x3F97];
	s0 =	simm.s32 @p1 $0x1  }
0x15: {  	[smem:$0x3FB4] =	sst s0;
	s0 =	simm.s32 @!p2 $0x0  }
0x16: {  	s3 =	sld [smem:$0x3FDB];
	s0 =	simm.s32 @p2 $0x1  }
0x17: {  	s4 =	simm.s32 $0x1BF5;
	[smem:$0x3FB6] =	sst s0  }
0x18: {  	s0 =	sld [smem:$0x3F99];
	_ =	swait.ge [sflag:s4], $0x0  }
0x19: {  	s7 =	sld [smem:$0x3F9A]  }
0x1a: {  	s8 =	sadd.s32 $0xFFFFE003, lr  }
0x1b: {  	s9 =	sadd.s32 $0xFFFFFEF7, lr;
	s5 =	simm.s32 $0xFFFFFFFF;
	p2 =	slt.u32 s8, $0xFFFFF086  }
0x1c: {  	p1 =	slt.u32 s9, $0xF7A;
	s5 =	simm.s32 @!p2 $0x0  }
0x1d: {  	s5 =	simm.s32 @p1 $0x1;
	p0 =	seq.s32 s7, s2  }
0x1e: {  	s7 =	smul.u32 @!p0 $0xF7A, s2;
	p2 =	seq.s32 @!p0 s5, $0x0  }
0x1f: {  	s9 =	smul.u32 $0xF7A, s1;
	s8 =	simm.s32 @!p0 $0x1BF5;
	p2 =	por !p2, p0  }
0x20: {  	[sflag:s8] =	ssyncset.s32 @!p0 $0xFFFFF086;
	s6 =	sadd.s32 @!p0 s3, s7;
	s7 =	simm.s32 @!p0 $0x108  }
0x21: {  	s3 =	sadd.s32 s3, s9;
	s6 =	sadd.s32 @!p0 $0x88, s6;
	s7 =	simm.s32 @p2 $0x1082  }
0x22: {  	[simem:s7], [sflag:s8] =	dma.local @!p0 [hbm:s6], $0xF7A  }
0x23: {  	s9 =	sor.u32 $0xD0000000, s2;
	s6 =	simm.s32 $0x108;
	_ =	swait.ge @!p0 [sflag:s8], $0x0  }
0x24: {  	s3 =	sadd.s32 $0x88, s3;
	s6 =	simm.s32 @!p1 $0x1082;
	[sflag:s4] =	ssyncset.s32 $0xFFFFF086  }
0x25: {  	[simem:s6], [sflag:s4] =	dma.local [hbm:s3], $0xF7A  }
0x26: {  	[smem:$0x3F9A] =	sst s1;
	(tag) =	ssettag s2;
	_ =	strace s9  }
0x27: {  	s1 =	sld [smem:$0x3FAA]  }
0x28: {  	s2 =	sld [smem:$0x3FAB]  }
0x29: {  	s4 =	sld [smem:$0x3FAD]  }
0x2a: {  	p0 =	seq.s32 s5, $0x0;
	s5 =	sld [smem:$0x3FAE]  }
0x2b: {  	s6 =	sld [smem:$0x3FAF]  }
0x2c: {  	s7 =	sld [smem:$0x3FB0]  }
0x2d: {  	s3 =	simm.s32 $0x108;
	s8 =	sld [smem:$0x3FB1]  }
0x2e: {  	s3 =	simm.s32 @!p0 $0x1082;
	s9 =	sld [smem:$0x3FB2]  }
0x2f: {  	lr =	sadd.s32 s0, s3;
	s0 =	sld [smem:$0x3FA9]  }
0x30: {  	s3 =	sld [smem:$0x3FAC]  }
0x31: {  	[smem:$0x3FB5] =	sst s10  }
0x32: {  	s10 =	sld [smem:$0x3FB3];
	_ =	sdelay $0x3  }
0x33: {  	p0 =	seq.s32 s10, $0x1;
	s10 =	sld [smem:$0x3FB5];
	_ =	sdelay $0x3  }
0x34: {  	[smem:$0x3FB5] =	sst s10  }
0x35: {  	s10 =	sld [smem:$0x3FB4];
	_ =	sdelay $0x3  }
0x36: {  	p1 =	seq.s32 s10, $0x1;
	s10 =	sld [smem:$0x3FB5];
	_ =	sdelay $0x3  }
0x37: {  	[smem:$0x3FB5] =	sst s10  }
0x38: {  	s10 =	sld [smem:$0x3FB6]  }
0x39: {  	_ = 	snop;
	(pc) =	sbr.ind lr, $3  }
0x3a: {  	_ = 	snop  }
0x3b: {  	_ = 	snop  }
0x3c: {  	p2 =	seq.s32 s10, $0x1;
	s10 =	sld [smem:$0x3FB5]  }
0x3d: {  	_ =	shalt  }
0x3e: {  	_ =	shalt  }
0x3f: {  	_ =	shalt  }
0x40: {  	_ =	shalt  }
0x41: {  	_ =	shalt  }
0x42: {  	_ =	shalt  }
0x43: {  	_ =	shalt  }
0x44: {  	_ =	shalt  }
0x45: {  	_ =	shalt  }
0x46: {  	_ =	shalt  }
0x47: {  	_ =	shalt  }
0x48: {  	_ =	shalt  }
0x49: {  	_ =	shalt  }
0x4a: {  	_ =	shalt  }
0x4b: {  	_ =	shalt  }
0x4c: {  	_ =	shalt  }
0x4d: {  	_ =	shalt  }
0x4e: {  	_ =	shalt  }
0x4f: {  	_ =	shalt  }
0x50: {  	_ =	shalt  }
0x51: {  	_ =	shalt  }
0x52: {  	_ =	shalt  }
0x53: {  	_ =	shalt  }
0x54: {  	_ =	shalt  }
0x55: {  	_ =	shalt  }
0x56: {  	_ =	shalt  }
0x57: {  	_ =	shalt  }
0x58: {  	_ =	shalt  }
0x59: {  	_ =	shalt  }
0x5a: {  	_ =	shalt  }
0x5b: {  	_ =	shalt  }
0x5c: {  	_ =	shalt  }
0x5d: {  	_ =	shalt  }
0x5e: {  	_ =	shalt  }
0x5f: {  	_ =	shalt  }
0x60: {  	_ =	shalt  }
0x61: {  	_ =	shalt  }
0x62: {  	_ =	shalt  }
0x63: {  	_ =	shalt  }
0x64: {  	_ =	shalt  }
0x65: {  	_ =	shalt  }
0x66: {  	_ =	shalt  }
0x67: {  	_ =	shalt  }
0x68: {  	_ =	shalt  }
0x69: {  	_ =	shalt  }
0x6a: {  	_ =	shalt  }
0x6b: {  	_ =	shalt  }
0x6c: {  	_ =	shalt  }
0x6d: {  	_ =	shalt  }
0x6e: {  	_ =	shalt  }
0x6f: {  	_ =	shalt  }
0x70: {  	_ =	shalt  }
0x71: {  	_ =	shalt  }
0x72: {  	_ =	shalt  }
0x73: {  	_ =	shalt  }
0x74: {  	_ =	shalt  }
0x75: {  	_ =	shalt  }
0x76: {  	_ =	shalt  }
0x77: {  	_ =	shalt  }
0x78: {  	_ =	shalt  }
0x79: {  	_ =	shalt  }
0x7a: {  	_ =	shalt  }
0x7b: {  	_ =	shalt  }
0x7c: {  	_ =	shalt  }
0x7d: {  	_ =	shalt  }
0x7e: {  	_ =	shalt  }
0x7f: {  	_ =	shalt  }
0x80: {  	_ =	shalt  }
0x81: {  	_ =	shalt  }
0x82: {  	_ =	shalt  }
0x83: {  	_ =	shalt  }
0x84: {  	_ =	shalt  }
0x85: {  	_ =	shalt  }
0x86: {  	_ =	shalt  }
0x87: {  	_ =	shalt  }
.Lfunc_end0:
.L_simem_size_0:
called_computation.1_lowered:
.L_overlay_start_0:
0x88: {  	s2 =	sld [smem:$0x3FD9]  }
0x89: {  	s3 =	sld [smem:$0x3FFE];
	_ =	sdelay $0x1  }
0x8a: {  	s1 =	srdreg.scid  }
0x8b: {  	s0 =	sand.u32 $0x1, s1  }
0x8c: {  	s16 =	sshll.u32 s0, $0xA;
	s2 =	sadd.s32 s3, s2  }
0x8d: {  	s2 =	sadd.s32 s2, s16  }
0x8e: {  	[smem:$0x3FC1] =	sst s2  }
0x8f: {  	_ = 	snop  }
0x90: {  	(tm) =	ssettm $0x1  }
0x91: {  	s17 =	sld [smem:$0x3FFB];
	_ =	sdelay $0x3  }
0x92: {  	_ =	strace s17  }
0x93: {  	s2 =	sld [smem:$0x3FFC];
	_ =	sdelay $0x3  }
0x94: {  	_ =	strace s2  }
0x95: {  	s2 =	sld [smem:$0x3FFD];
	_ =	sdelay $0x3  }
0x96: {  	_ =	strace s2  }
0x97: {  	_ =	strace $0x8FFFFFFF  }
0x98: {  	s18 =	sld [smem:$0x3FDB];
	_ =	sdelay $0x1  }
0x99: {  	s19 =	simm.s32 $_scs_section_size  }
0x9a: {  	s4 =	simm.s32 $_size__tile_overlayer_lowered;
	s5 =	simm.s32 $_tile_overlayer_lowered  }
0x9b: {  	s22 =	simm.s32 $0x1BFF;
	s21 =	sshll.u32 s5, $0x1;
	s2 =	sadd.s32 s19, s18  }
0x9c: {  	s6 =	simm.s32 $0x0;
	s20 =	sshll.u32 s4, $0x1;
	s4 =	sadd.s32 s21, s2  }
0x9d: {  	[timem:s6], [sflag:s22] =	dma.local [hbm:s4], s20  }
0x9e: {  	_ =	swait.ge [sflag:s22], s20  }
0x9f: {  	s3 =	ssub.s32 $0x0, s20;
	[sflag:s22] =	ssyncset.done $0x0  }
0xa0: {  	[sflag:s22] =	ssyncadd.s32 s3;
	_ =	sdelay $0x1  }
0xa1: {  	s23 =	simm.s32 $0x1B8B  }
0xa2: {  	_ =	swait.ge [sflag:s23], $0x1  }
0xa3: {  	[sflag:s23] =	ssyncset.done $0x0  }
0xa4: {  	s25 =	simm.s32 $0x1B8E;
	s24 =	sld [smem:$0x3FFE];
	[sflag:s23] =	ssyncadd.s32 $0xFFFFFFFF  }
0xa5: {  	s26 =	simm.s32 $execute0_lowered;
	[smem:$0x3FD2] =	sst s25  }
0xa6: {  	s4 =	sshll.u32 s26, $0x1;
	_ =	strace $0x80000049;
	[dreg:$0x1] =	wrdreg $0xFFFFFFFF  }
0xa7: {  	s28 =	simm.s32 $_size_execute0_lowered;
	s2 =	sadd.s32 s2, s4;
	[dreg:$0x0] =	wrdreg $0x0  }
0xa8: {  	s4 =	sshll.u32 s28, $0x1;
	[dreg:$0x2] =	wrdreg s2  }
0xa9: {  	[dreg:$0x3] =	wrdreg s4  }
0xaa: {  	[dreg:$0x4] =	wrdreg $0xC0  }
0xab: {  	_ =	task [dreg:s6], $0x5FFFF  }
0xac: {  	[dreg:$0x1] =	wrdreg $0xFFFFFFFF  }
0xad: {  	[dreg:$0x0] =	wrdreg $0x60  }
0xae: {  	[dreg:$0x2] =	wrdreg s24  }
0xaf: {  	[dreg:$0x3] =	wrdreg $0x61800  }
0xb0: {  	[dreg:$0x4] =	wrdreg $0x9  }
0xb1: {  	_ =	task.clear_ibuf [dreg:s6], $0x5FFFF;
	_ =	strace $0x90000049  }
0xb2: {  	s29 =	simm.s32 $0x9;
	_ =	strace $0x8000004B  }
0xb3: {  	_ =	swait.ge [sflag:s29], $0x1  }
0xb4: {  	[sflag:s29] =	ssyncadd.s32 $0xFFFFFFFF  }
0xb5: {  	_ =	strace $0x9000004B  }
0xb6: {  	_ =	sfence  }
0xb7: {  	s30 =	sld [smem:$0x0];
	_ =	sdelay $0x2  }
0xb8: {  	s31 =	sshll.u32 s1, $0xD;
	s1 =	sshrl.u32 s1, $0x2  }
0xb9: {  	s3 =	sand.u32 $0x4000, s31;
	s1 =	sadd.s32 s1, s30  }
0xba: {  	s0 =	sor.u32 s3, s0;
	s1 =	sshll.u32 s1, $0x11  }
0xbb: {  	s0 =	sor.u32 s1, s0  }
0xbc: {  	s0 =	sadd.s32 $0x8F2B, s0  }
0xbd: {  	[sflag:s0] =	ssyncadd.remote.s32 $0x1  }
0xbe: {  	_ =	sfence.sel $0xFFFF  }
0xbf: {  	[dreg:$0x0] =	wrdreg $0xFFFFFFFF;
	(pc) =	sbr.abs _section_cstart, $3  }
0xc0: {  	[dreg:$0x1] =	wrdreg $0xFFFFFFFF  }
0xc1: {  	_ =	task.clear_ibuf [dreg:s6], $0x2FFFF;
	_ =	strace $0x9FFFFFFF  }
0xc2: {  	(tm) =	ssettm $0x7FFFFFFF  }
0xc3: {  	_ =	shalt  }
tec
execute0_lowered:
.L_overlay_start_1:
0x0: {  	(tag) =	ssettag $0x1  }
0x1: {  	s8 =	rddreg [dreg:$0x0]  }
0x2: {  	s1 =	rddreg [dreg:$0x1];
	s2 =	srdreg.scid  }
0x3: {  	s0 =	rddreg [dreg:$0x2];
	s3 =	simm.s32 $0x0;
	s16 =	simm.s32 $0x4180  }
0x4: {  	s17 =	simm.s32 $0x2;
	s18 =	simm.s32 $0x80;
	s19 =	simm.s32 $0x100  }
0x5: {  	s20 =	simm.s32 $0x180;
	s21 =	simm.s32 $0x1;
	s9 =	sand.u32 $0x1, s2  }
0x6: {  	s24 =	simm.s32 $0x0;
	s2 =	stileid.u32;
	s7 =	smul.u32 $0xA0000, s9  }
0x7: {  	[smem:$0x7FF] =	sst s3;
	s4 =	sadd.s32 $0xA2000, s8;
	s11 =	smul.u32 $0xA000, s2  }
0x8: {  	s5 =	sadd.s32 $0x16400, s8;
	s12 =	ssub.s32 $0x2, s9;
	s13 =	smul.u32 $0x28000, s2  }
0x9: {  	s6 =	sadd.s32 $0x20200, s8;
	s22 =	smul.u32 $0x2800, s9;
	s31 =	sshrl.u32 s12, $0x1  }
0xa: {  	_ =	strace $0x8000004A;
	s7 =	sadd.s32 s11, s7;
	s12 =	ssub.s32 s12, s31  }
0xb: {  	s13 =	sshrl.u32 s13, $0x2;
	s23 =	sadd.s32 s11, s1;
	v0 =	vmov s22;
	s22 =	simm.s32 $0x2180  }
0xc: {  	s10 =	sshrl.u32 s7, $0x3;
	s7 =	sadd.s32 $0xC600, s8;
	s9 =	sadd.s32 s13, s1  }
0xd: {  	s11 =	smax.u32 s12, $0x1;
	s23 =	sshrl.u32 s23, $0x3;
	s10 =	sadd.s32 s10, s8  }
0xe: {  	v2 =	vimm.s32 $0x0;
	vm0 =	vcmask $0x300;
	s8 =	smul.u32 $0x9E, s2;
	s12 =	sadd.s32 $0x2000, s9;
	s13 =	sadd.s32 $0x4000, s9  }
0xf: {  	v1 =	vimm.f32 $0.0e+00;
	v2 =	vsel vm0, $0x3, v2;
	s14 =	sadd.s32 $0x6000, s9;
	s15 =	sadd.s32 $0x8000, s9;
	s10 =	sadd.s32 $0xCA000, s10  }
.LBB2_1:
0x10: {  	s26 =	simm.s32 $0x100;
	s25 =	simm.s32 $0x0  }
.LBB2_2:
0x11: {  	p0 =	sne.s32 s26, $0x7F00;
	[tilespmem:s25+$0x41B0] =	vst v1;
	s28 =	smov.u32 s26;
	s26 =	sadd.s32 $0x100, s26  }
.Ltmp0:
0x12: {  	[tilespmem:s25+$0x41A0] =	vst v1;
	(pc) =	sbr.rel @p0 .LBB2_2-.Ltmp0, $3  }
0x13: {  	[tilespmem:s25+$0x4180] =	vst v1  }
0x14: {  	[tilespmem:s25+$0x4190] =	vst v1;
	_ =	sdelay $0x1  }
0x15: {  	s25 =	sshra.s32 s28, $0x2  }
0x16: {  	[tilespmem:s25+$0x41B0] =	vst v1  }
0x17: {  	[tilespmem:s25+$0x41A0] =	vst v1  }
0x18: {  	[tilespmem:s25+$0x4180] =	vst v1  }
0x19: {  	[tilespmem:s25+$0x4190] =	vst v1  }
0x1a: {  	[spmem:s9] =	stream.linear.scatter [tilespmem:s16], [sflag:$0x2], $0x2000, $0x38;
	[tilespmem:$0x10180] =	vst v63  }
0x1b: {  	_ =	swait.ge [sflag:s17], $0x2000  }
0x1c: {  	[sflag:s17] =	ssyncset.done $0x0  }
0x1d: {  	[sflag:s17] =	ssyncadd.s32 $0xFFFFE000  }
0x1e: {  	[spmem:s12] =	stream.linear.scatter [tilespmem:s16], [sflag:$0x2], $0x2000, $0x38;
	[tilespmem:$0x10180] =	vst v63  }
0x1f: {  	_ =	swait.ge [sflag:s17], $0x2000  }
0x20: {  	[sflag:s17] =	ssyncset.done $0x0  }
0x21: {  	[sflag:s17] =	ssyncadd.s32 $0xFFFFE000  }
0x22: {  	[spmem:s13] =	stream.linear.scatter [tilespmem:s16], [sflag:$0x2], $0x2000, $0x38;
	[tilespmem:$0x10180] =	vst v63  }
0x23: {  	_ =	swait.ge [sflag:s17], $0x2000  }
0x24: {  	[sflag:s17] =	ssyncset.done $0x0  }
0x25: {  	[sflag:s17] =	ssyncadd.s32 $0xFFFFE000  }
0x26: {  	[spmem:s14] =	stream.linear.scatter [tilespmem:s16], [sflag:$0x2], $0x2000, $0x38;
	[tilespmem:$0x10180] =	vst v63  }
0x27: {  	_ =	swait.ge [sflag:s17], $0x2000  }
0x28: {  	[sflag:s17] =	ssyncset.done $0x0  }
0x29: {  	[sflag:s17] =	ssyncadd.s32 $0xFFFFE000  }
0x2a: {  	[spmem:s15] =	stream.linear.scatter [tilespmem:s16], [sflag:$0x2], $0x2000, $0x38;
	[tilespmem:$0x10180] =	vst v63  }
0x2b: {  	_ =	swait.ge [sflag:s17], $0x2000  }
0x2c: {  	[sflag:s17] =	ssyncset.done $0x0  }
0x2d: {  	[sflag:s17] =	ssyncadd.s32 $0xFFFFE000  }
0x2e: {  	s25 =	simm.s32 $0x0;
	[bflag:$0x0] =	sbarrier.arrive $0xFFFF  }
.LBB2_4:
0x2f: {  	s26 =	sadd.s32 s8, s25  }
0x30: {  	s26 =	sshll.u32 s26, $0x4  }
0x31: {  	s28 =	sadd.s32 s5, s26  }
0x32: {  	[tilespmem:s3], [sflag:$0x2] =	stream.linear.gather [hbm4b:s28+s3], $0x80, $0x38;
	[tilespmem:$0x10180] =	vst v63  }
0x33: {  	_ =	swait.ge [sflag:s17], $0x80  }
0x34: {  	[sflag:s17] =	ssyncset.done $0x0  }
0x35: {  	s28 =	sadd.s32 s6, s26;
	[sflag:s17] =	ssyncadd.s32 $0xFFFFFF80  }
0x36: {  	[tilespmem:s18], [sflag:$0x2] =	stream.linear.gather [hbm4b:s28+s3], $0x80, $0x38;
	[tilespmem:$0x10180] =	vst v63  }
0x37: {  	_ =	swait.ge [sflag:s17], $0x80  }
0x38: {  	[sflag:s17] =	ssyncset.done $0x0  }
0x39: {  	s26 =	sadd.s32 s7, s26;
	[sflag:s17] =	ssyncadd.s32 $0xFFFFFF80  }
0x3a: {  	[tilespmem:s19], [sflag:$0x2] =	stream.linear.gather [hbm4b:s26+s3], $0x80, $0x38;
	[tilespmem:$0x10180] =	vst v63  }
0x3b: {  	_ =	swait.ge [sflag:s17], $0x80  }
0x3c: {  	[sflag:s17] =	ssyncset.done $0x0  }
0x3d: {  	[sflag:s17] =	ssyncadd.s32 $0xFFFFFF80  }
0x3e: {  	v3 =	vld [tilespmem:$0x0]  }
0x3f: {  	v4 =	vld [tilespmem:$0x10]  }
0x40: {  	v5 =	vld [tilespmem:$0x20]  }
0x41: {  	v6 =	vld [tilespmem:$0x30]  }
0x42: {  	v7 =	vld [tilespmem:$0x40]  }
0x43: {  	v8 =	vld [tilespmem:$0x50];
	v3 =	vadd.s32 v0, v3  }
0x44: {  	v62 =	vld [tilespmem:$0x60];
	[tilespmem:$0x0] =	vst v3;
	v3 =	vadd.s32 v0, v4  }
0x45: {  	v63 =	vld [tilespmem:$0x70];
	[tilespmem:$0x10] =	vst v3;
	v3 =	vadd.s32 v0, v5  }
0x46: {  	[tilespmem:$0x20] =	vst v3;
	v3 =	vadd.s32 v0, v6  }
0x47: {  	[tilespmem:$0x30] =	vst v3;
	v3 =	vadd.s32 v0, v7  }
0x48: {  	[tilespmem:$0x40] =	vst v3;
	v3 =	vadd.s32 v0, v8  }
0x49: {  	[tilespmem:$0x50] =	vst v3;
	v3 =	vadd.s32 v0, v62  }
0x4a: {  	[tilespmem:$0x60] =	vst v3;
	v3 =	vadd.s32 v0, v63  }
0x4b: {  	[tilespmem:$0x70] =	vst v3  }
0x4c: {  	[tilespmem:s20], [sflag:$0x1] =	stream.indirect.gather [hbm4b:s4+s18], $0x40, s3, s18, $0xb8;
	[tilespmem:$0x10180] =	vst v63  }
0x4d: {  	_ =	swait.ge [sflag:s21], $0x2000  }
0x4e: {  	s29 =	simm.s32 $0x380;
	[sflag:s21] =	ssyncset.done $0x0  }
0x4f: {  	s28 =	simm.s32 $0x2380;
	s26 =	simm.s32 $0xF;
	[sflag:s21] =	ssyncadd.s32 $0xFFFFE000  }
.LBB2_5:
0x50: {  	s30 =	sadd.s32 $0xFFFFFFF1, s26  }
0x51: {  	v3 =	vmov s30  }
0x52: {  	v3 =	vshrl.u32 v3, $0x3  }
0x53: {  	v3 =	vshll.u32 v3, v2  }
0x54: {  	v3 =	vbroadcast v3, $0x0;
	_ =	sdelay $0x4  }
0x55: {  	v4 =	vld [tilespmem:s29+$0xFFFFFE00]  }
0x56: {  	v3 =	vld.idx.msk [tilespmem:v3+s19+$0x0], $0xffff;
	_ =	sdelay $0x4  }
0x57: {  	v4 =	vmul.f32 v4, v3;
	_ =	sdelay $0x1  }
0x58: {  	[tilespmem:s28+$0xFFFFFE00] =	vst v4  }
0x59: {  	v4 =	vld [tilespmem:s29+$0xFFFFFE10];
	_ =	sdelay $0x4  }
0x5a: {  	v4 =	vmul.f32 v4, v3;
	_ =	sdelay $0x1  }
0x5b: {  	[tilespmem:s28+$0xFFFFFE10] =	vst v4  }
0x5c: {  	v4 =	vld [tilespmem:s29+$0xFFFFFE20];
	_ =	sdelay $0x4  }
0x5d: {  	s31 =	sadd.s32 $0xFFFFFFF2, s26;
	v4 =	vmul.f32 v4, v3  }
0x5e: {  	v5 =	vmov s31  }
0x5f: {  	v62 =	vshrl.u32 v5, $0x3;
	[tilespmem:s28+$0xFFFFFE20] =	vst v4  }
0x60: {  	v4 =	vshll.u32 v62, v2;
	v63 =	vld [tilespmem:s29+$0xFFFFFE30]  }
0x61: {  	v4 =	vadd.s32 $0x1, v4  }
0x62: {  	v4 =	vbroadcast v4, $0x0;
	_ =	sdelay $0x2  }
0x63: {  	v3 =	vmul.f32 v63, v3;
	_ =	sdelay $0x1  }
0x64: {  	[tilespmem:s28+$0xFFFFFE30] =	vst v3  }
0x65: {  	v3 =	vld.idx.msk [tilespmem:v4+s19+$0x0], $0xffff  }
0x66: {  	v8 =	vld [tilespmem:s29+$0xFFFFFE40];
	_ =	sdelay $0x4  }
0x67: {  	v4 =	vmul.f32 v8, v3;
	_ =	sdelay $0x1  }
0x68: {  	[tilespmem:s28+$0xFFFFFE40] =	vst v4  }
0x69: {  	v4 =	vld [tilespmem:s29+$0xFFFFFE50];
	_ =	sdelay $0x4  }
0x6a: {  	v4 =	vmul.f32 v4, v3;
	_ =	sdelay $0x1  }
0x6b: {  	[tilespmem:s28+$0xFFFFFE50] =	vst v4  }
0x6c: {  	v4 =	vld [tilespmem:s29+$0xFFFFFE60];
	_ =	sdelay $0x4  }
0x6d: {  	s31 =	sadd.s32 $0xFFFFFFF3, s26;
	v4 =	vmul.f32 v4, v3  }
0x6e: {  	v9 =	vmov s31  }
0x6f: {  	v10 =	vshrl.u32 v9, $0x3;
	[tilespmem:s28+$0xFFFFFE60] =	vst v4  }
0x70: {  	v4 =	vshll.u32 v10, v2;
	v11 =	vld [tilespmem:s29+$0xFFFFFE70]  }
0x71: {  	v4 =	vadd.s32 $0x2, v4  }
0x72: {  	v4 =	vbroadcast v4, $0x0;
	_ =	sdelay $0x2  }
0x73: {  	v3 =	vmul.f32 v11, v3;
	_ =	sdelay $0x1  }
0x74: {  	[tilespmem:s28+$0xFFFFFE70] =	vst v3  }
0x75: {  	v3 =	vld.idx.msk [tilespmem:v4+s19+$0x0], $0xffff  }
0x76: {  	v12 =	vld [tilespmem:s29+$0xFFFFFE80];
	_ =	sdelay $0x4  }
0x77: {  	v4 =	vmul.f32 v12, v3;
	_ =	sdelay $0x1  }
0x78: {  	[tilespmem:s28+$0xFFFFFE80] =	vst v4  }
0x79: {  	v4 =	vld [tilespmem:s29+$0xFFFFFE90];
	_ =	sdelay $0x4  }
0x7a: {  	v4 =	vmul.f32 v4, v3;
	_ =	sdelay $0x1  }
0x7b: {  	[tilespmem:s28+$0xFFFFFE90] =	vst v4  }
0x7c: {  	v4 =	vld [tilespmem:s29+$0xFFFFFEA0];
	_ =	sdelay $0x4  }
0x7d: {  	s31 =	sadd.s32 $0xFFFFFFF4, s26;
	v4 =	vmul.f32 v4, v3  }
0x7e: {  	v13 =	vmov s31  }
0x7f: {  	v14 =	vshrl.u32 v13, $0x3;
	[tilespmem:s28+$0xFFFFFEA0] =	vst v4  }
0x80: {  	v4 =	vshll.u32 v14, v2;
	v15 =	vld [tilespmem:s29+$0xFFFFFEB0]  }
0x81: {  	v4 =	vadd.s32 $0x3, v4  }
0x82: {  	v4 =	vbroadcast v4, $0x0;
	_ =	sdelay $0x2  }
0x83: {  	v3 =	vmul.f32 v15, v3;
	_ =	sdelay $0x1  }
0x84: {  	[tilespmem:s28+$0xFFFFFEB0] =	vst v3  }
0x85: {  	v3 =	vld.idx.msk [tilespmem:v4+s19+$0x0], $0xffff  }
0x86: {  	v16 =	vld [tilespmem:s29+$0xFFFFFEC0];
	_ =	sdelay $0x4  }
0x87: {  	v4 =	vmul.f32 v16, v3;
	_ =	sdelay $0x1  }
0x88: {  	[tilespmem:s28+$0xFFFFFEC0] =	vst v4  }
0x89: {  	v4 =	vld [tilespmem:s29+$0xFFFFFED0];
	_ =	sdelay $0x4  }
0x8a: {  	v4 =	vmul.f32 v4, v3;
	_ =	sdelay $0x1  }
0x8b: {  	[tilespmem:s28+$0xFFFFFED0] =	vst v4  }
0x8c: {  	v4 =	vld [tilespmem:s29+$0xFFFFFEE0];
	_ =	sdelay $0x4  }
0x8d: {  	s31 =	sadd.s32 $0xFFFFFFF5, s26;
	v4 =	vmul.f32 v4, v3  }
0x8e: {  	v17 =	vmov s31  }
0x8f: {  	v18 =	vshrl.u32 v17, $0x3;
	[tilespmem:s28+$0xFFFFFEE0] =	vst v4  }
0x90: {  	v4 =	vshll.u32 v18, v2;
	v19 =	vld [tilespmem:s29+$0xFFFFFEF0]  }
0x91: {  	v4 =	vadd.s32 $0x4, v4  }
0x92: {  	v4 =	vbroadcast v4, $0x0;
	_ =	sdelay $0x2  }
0x93: {  	v3 =	vmul.f32 v19, v3;
	_ =	sdelay $0x1  }
0x94: {  	[tilespmem:s28+$0xFFFFFEF0] =	vst v3  }
0x95: {  	v3 =	vld.idx.msk [tilespmem:v4+s19+$0x0], $0xffff  }
0x96: {  	v20 =	vld [tilespmem:s29+$0xFFFFFF00];
	_ =	sdelay $0x4  }
0x97: {  	v4 =	vmul.f32 v20, v3;
	_ =	sdelay $0x1  }
0x98: {  	[tilespmem:s28+$0xFFFFFF00] =	vst v4  }
0x99: {  	v4 =	vld [tilespmem:s29+$0xFFFFFF10];
	_ =	sdelay $0x4  }
0x9a: {  	v4 =	vmul.f32 v4, v3;
	_ =	sdelay $0x1  }
0x9b: {  	[tilespmem:s28+$0xFFFFFF10] =	vst v4  }
0x9c: {  	v4 =	vld [tilespmem:s29+$0xFFFFFF20];
	_ =	sdelay $0x4  }
0x9d: {  	s31 =	sadd.s32 $0xFFFFFFF6, s26;
	v4 =	vmul.f32 v4, v3  }
0x9e: {  	v21 =	vmov s31  }
0x9f: {  	v22 =	vshrl.u32 v21, $0x3;
	[tilespmem:s28+$0xFFFFFF20] =	vst v4  }
0xa0: {  	v4 =	vshll.u32 v22, v2;
	v23 =	vld [tilespmem:s29+$0xFFFFFF30]  }
0xa1: {  	v4 =	vadd.s32 $0x5, v4  }
0xa2: {  	v4 =	vbroadcast v4, $0x0;
	_ =	sdelay $0x2  }
0xa3: {  	v3 =	vmul.f32 v23, v3;
	_ =	sdelay $0x1  }
0xa4: {  	[tilespmem:s28+$0xFFFFFF30] =	vst v3  }
0xa5: {  	v3 =	vld.idx.msk [tilespmem:v4+s19+$0x0], $0xffff  }
0xa6: {  	v24 =	vld [tilespmem:s29+$0xFFFFFF40];
	_ =	sdelay $0x4  }
0xa7: {  	v4 =	vmul.f32 v24, v3;
	_ =	sdelay $0x1  }
0xa8: {  	[tilespmem:s28+$0xFFFFFF40] =	vst v4  }
0xa9: {  	v4 =	vld [tilespmem:s29+$0xFFFFFF50];
	_ =	sdelay $0x4  }
0xaa: {  	v4 =	vmul.f32 v4, v3;
	_ =	sdelay $0x1  }
0xab: {  	[tilespmem:s28+$0xFFFFFF50] =	vst v4  }
0xac: {  	v4 =	vld [tilespmem:s29+$0xFFFFFF60];
	_ =	sdelay $0x4  }
0xad: {  	s31 =	sadd.s32 $0xFFFFFFF7, s26;
	v4 =	vmul.f32 v4, v3  }
0xae: {  	v25 =	vmov s31  }
0xaf: {  	v26 =	vshrl.u32 v25, $0x3;
	[tilespmem:s28+$0xFFFFFF60] =	vst v4  }
0xb0: {  	v4 =	vshll.u32 v26, v2;
	v27 =	vld [tilespmem:s29+$0xFFFFFF70]  }
0xb1: {  	v4 =	vadd.s32 $0x6, v4  }
0xb2: {  	v4 =	vbroadcast v4, $0x0;
	_ =	sdelay $0x2  }
0xb3: {  	v3 =	vmul.f32 v27, v3;
	_ =	sdelay $0x1  }
0xb4: {  	[tilespmem:s28+$0xFFFFFF70] =	vst v3  }
0xb5: {  	v3 =	vld.idx.msk [tilespmem:v4+s19+$0x0], $0xffff  }
0xb6: {  	v28 =	vld [tilespmem:s29+$0xFFFFFF80];
	_ =	sdelay $0x4  }
0xb7: {  	v4 =	vmul.f32 v28, v3;
	_ =	sdelay $0x1  }
0xb8: {  	[tilespmem:s28+$0xFFFFFF80] =	vst v4  }
0xb9: {  	v4 =	vld [tilespmem:s29+$0xFFFFFF90];
	_ =	sdelay $0x4  }
0xba: {  	v4 =	vmul.f32 v4, v3;
	_ =	sdelay $0x1  }
0xbb: {  	[tilespmem:s28+$0xFFFFFF90] =	vst v4  }
0xbc: {  	v4 =	vld [tilespmem:s29+$0xFFFFFFA0];
	_ =	sdelay $0x4  }
0xbd: {  	s31 =	sadd.s32 $0xFFFFFFF8, s26;
	v4 =	vmul.f32 v4, v3  }
0xbe: {  	v29 =	vmov s31  }
0xbf: {  	v30 =	vshrl.u32 v29, $0x3;
	[tilespmem:s28+$0xFFFFFFA0] =	vst v4  }
0xc0: {  	v4 =	vshll.u32 v30, v2;
	v31 =	vld [tilespmem:s29+$0xFFFFFFB0]  }
0xc1: {  	v4 =	vadd.s32 $0x7, v4  }
0xc2: {  	v4 =	vbroadcast v4, $0x0;
	_ =	sdelay $0x2  }
0xc3: {  	v3 =	vmul.f32 v31, v3;
	_ =	sdelay $0x1  }
0xc4: {  	[tilespmem:s28+$0xFFFFFFB0] =	vst v3  }
0xc5: {  	v3 =	vld.idx.msk [tilespmem:v4+s19+$0x0], $0xffff  }
0xc6: {  	v32 =	vld [tilespmem:s29+$0xFFFFFFC0];
	_ =	sdelay $0x4  }
0xc7: {  	v4 =	vmul.f32 v32, v3;
	_ =	sdelay $0x1  }
0xc8: {  	[tilespmem:s28+$0xFFFFFFC0] =	vst v4  }
0xc9: {  	v4 =	vld [tilespmem:s29+$0xFFFFFFD0];
	_ =	sdelay $0x4  }
0xca: {  	v4 =	vmul.f32 v4, v3;
	_ =	sdelay $0x1  }
0xcb: {  	[tilespmem:s28+$0xFFFFFFD0] =	vst v4  }
0xcc: {  	v4 =	vld [tilespmem:s29+$0xFFFFFFE0];
	_ =	sdelay $0x4  }
0xcd: {  	v4 =	vmul.f32 v4, v3  }
0xce: {  	s31 =	sadd.s32 $0xFFFFFFF9, s26  }
0xcf: {  	v33 =	vmov s31;
	[tilespmem:s28+$0xFFFFFFE0] =	vst v4  }
0xd0: {  	v4 =	vshrl.u32 v33, $0x3;
	v34 =	vld [tilespmem:s29+$0xFFFFFFF0]  }
0xd1: {  	v4 =	vshll.u32 v4, v2  }
0xd2: {  	v4 =	vbroadcast v4, $0x0;
	_ =	sdelay $0x2  }
0xd3: {  	v3 =	vmul.f32 v34, v3;
	_ =	sdelay $0x1  }
0xd4: {  	[tilespmem:s28+$0xFFFFFFF0] =	vst v3  }
0xd5: {  	v3 =	vld.idx.msk [tilespmem:v4+s19+$0x0], $0xffff  }
0xd6: {  	v35 =	vld [tilespmem:s29+$0x0];
	_ =	sdelay $0x4  }
0xd7: {  	v4 =	vmul.f32 v35, v3;
	_ =	sdelay $0x1  }
0xd8: {  	[tilespmem:s28+$0x0] =	vst v4  }
0xd9: {  	v4 =	vld [tilespmem:s29+$0x10];
	_ =	sdelay $0x4  }
0xda: {  	v4 =	vmul.f32 v4, v3;
	_ =	sdelay $0x1  }
0xdb: {  	[tilespmem:s28+$0x10] =	vst v4  }
0xdc: {  	v4 =	vld [tilespmem:s29+$0x20];
	_ =	sdelay $0x4  }
0xdd: {  	s31 =	sadd.s32 $0xFFFFFFFA, s26;
	v4 =	vmul.f32 v4, v3  }
0xde: {  	v36 =	vmov s31  }
0xdf: {  	v37 =	vshrl.u32 v36, $0x3;
	[tilespmem:s28+$0x20] =	vst v4  }
0xe0: {  	v4 =	vshll.u32 v37, v2;
	v38 =	vld [tilespmem:s29+$0x30]  }
0xe1: {  	v4 =	vadd.s32 $0x1, v4  }
0xe2: {  	v4 =	vbroadcast v4, $0x0;
	_ =	sdelay $0x2  }
0xe3: {  	v3 =	vmul.f32 v38, v3;
	_ =	sdelay $0x1  }
0xe4: {  	[tilespmem:s28+$0x30] =	vst v3  }
0xe5: {  	v3 =	vld.idx.msk [tilespmem:v4+s19+$0x0], $0xffff  }
0xe6: {  	v39 =	vld [tilespmem:s29+$0x40];
	_ =	sdelay $0x4  }
0xe7: {  	v4 =	vmul.f32 v39, v3;
	_ =	sdelay $0x1  }
0xe8: {  	[tilespmem:s28+$0x40] =	vst v4  }
0xe9: {  	v4 =	vld [tilespmem:s29+$0x50];
	_ =	sdelay $0x4  }
0xea: {  	v4 =	vmul.f32 v4, v3;
	_ =	sdelay $0x1  }
0xeb: {  	[tilespmem:s28+$0x50] =	vst v4  }
0xec: {  	v4 =	vld [tilespmem:s29+$0x60];
	_ =	sdelay $0x4  }
0xed: {  	s31 =	sadd.s32 $0xFFFFFFFB, s26;
	v4 =	vmul.f32 v4, v3  }
0xee: {  	v40 =	vmov s31  }
0xef: {  	v41 =	vshrl.u32 v40, $0x3;
	[tilespmem:s28+$0x60] =	vst v4  }
0xf0: {  	v4 =	vshll.u32 v41, v2;
	v42 =	vld [tilespmem:s29+$0x70]  }
0xf1: {  	v4 =	vadd.s32 $0x2, v4  }
0xf2: {  	v4 =	vbroadcast v4, $0x0;
	_ =	sdelay $0x2  }
0xf3: {  	v3 =	vmul.f32 v42, v3;
	_ =	sdelay $0x1  }
0xf4: {  	[tilespmem:s28+$0x70] =	vst v3  }
0xf5: {  	v3 =	vld.idx.msk [tilespmem:v4+s19+$0x0], $0xffff  }
0xf6: {  	v43 =	vld [tilespmem:s29+$0x80];
	_ =	sdelay $0x4  }
0xf7: {  	v4 =	vmul.f32 v43, v3;
	_ =	sdelay $0x1  }
0xf8: {  	[tilespmem:s28+$0x80] =	vst v4  }
0xf9: {  	v4 =	vld [tilespmem:s29+$0x90];
	_ =	sdelay $0x4  }
0xfa: {  	v4 =	vmul.f32 v4, v3;
	_ =	sdelay $0x1  }
0xfb: {  	[tilespmem:s28+$0x90] =	vst v4  }
0xfc: {  	v4 =	vld [tilespmem:s29+$0xA0];
	_ =	sdelay $0x4  }
0xfd: {  	s31 =	sadd.s32 $0xFFFFFFFC, s26;
	v4 =	vmul.f32 v4, v3  }
0xfe: {  	v44 =	vmov s31  }
0xff: {  	v45 =	vshrl.u32 v44, $0x3;
	[tilespmem:s28+$0xA0] =	vst v4  }
0x100: {  	v4 =	vshll.u32 v45, v2;
	v46 =	vld [tilespmem:s29+$0xB0]  }
0x101: {  	v4 =	vadd.s32 $0x3, v4  }
0x102: {  	v4 =	vbroadcast v4, $0x0;
	_ =	sdelay $0x2  }
0x103: {  	v3 =	vmul.f32 v46, v3;
	_ =	sdelay $0x1  }
0x104: {  	[tilespmem:s28+$0xB0] =	vst v3  }
0x105: {  	v3 =	vld.idx.msk [tilespmem:v4+s19+$0x0], $0xffff  }
0x106: {  	v47 =	vld [tilespmem:s29+$0xC0];
	_ =	sdelay $0x4  }
0x107: {  	v4 =	vmul.f32 v47, v3;
	_ =	sdelay $0x1  }
0x108: {  	[tilespmem:s28+$0xC0] =	vst v4  }
0x109: {  	v4 =	vld [tilespmem:s29+$0xD0];
	_ =	sdelay $0x4  }
0x10a: {  	v4 =	vmul.f32 v4, v3;
	_ =	sdelay $0x1  }
0x10b: {  	[tilespmem:s28+$0xD0] =	vst v4  }
0x10c: {  	v4 =	vld [tilespmem:s29+$0xE0];
	_ =	sdelay $0x4  }
0x10d: {  	s31 =	sadd.s32 $0xFFFFFFFD, s26;
	v4 =	vmul.f32 v4, v3  }
0x10e: {  	v48 =	vmov s31  }
0x10f: {  	v49 =	vshrl.u32 v48, $0x3;
	[tilespmem:s28+$0xE0] =	vst v4  }
0x110: {  	v4 =	vshll.u32 v49, v2;
	v50 =	vld [tilespmem:s29+$0xF0]  }
0x111: {  	v4 =	vadd.s32 $0x4, v4  }
0x112: {  	v4 =	vbroadcast v4, $0x0;
	_ =	sdelay $0x2  }
0x113: {  	v3 =	vmul.f32 v50, v3;
	_ =	sdelay $0x1  }
0x114: {  	[tilespmem:s28+$0xF0] =	vst v3  }
0x115: {  	v3 =	vld.idx.msk [tilespmem:v4+s19+$0x0], $0xffff  }
0x116: {  	v51 =	vld [tilespmem:s29+$0x100];
	_ =	sdelay $0x4  }
0x117: {  	v4 =	vmul.f32 v51, v3;
	_ =	sdelay $0x1  }
0x118: {  	[tilespmem:s28+$0x100] =	vst v4  }
0x119: {  	v4 =	vld [tilespmem:s29+$0x110];
	_ =	sdelay $0x4  }
0x11a: {  	v4 =	vmul.f32 v4, v3;
	_ =	sdelay $0x1  }
0x11b: {  	[tilespmem:s28+$0x110] =	vst v4  }
0x11c: {  	v4 =	vld [tilespmem:s29+$0x120];
	_ =	sdelay $0x4  }
0x11d: {  	s31 =	sadd.s32 $0xFFFFFFFE, s26;
	v4 =	vmul.f32 v4, v3  }
0x11e: {  	v52 =	vmov s31  }
0x11f: {  	v53 =	vshrl.u32 v52, $0x3;
	[tilespmem:s28+$0x120] =	vst v4  }
0x120: {  	v4 =	vshll.u32 v53, v2;
	v54 =	vld [tilespmem:s29+$0x130]  }
0x121: {  	v4 =	vadd.s32 $0x5, v4  }
0x122: {  	v4 =	vbroadcast v4, $0x0;
	_ =	sdelay $0x2  }
0x123: {  	v3 =	vmul.f32 v54, v3;
	_ =	sdelay $0x1  }
0x124: {  	[tilespmem:s28+$0x130] =	vst v3  }
0x125: {  	v3 =	vld.idx.msk [tilespmem:v4+s19+$0x0], $0xffff  }
0x126: {  	v55 =	vld [tilespmem:s29+$0x140];
	_ =	sdelay $0x4  }
0x127: {  	v4 =	vmul.f32 v55, v3;
	_ =	sdelay $0x1  }
0x128: {  	[tilespmem:s28+$0x140] =	vst v4  }
0x129: {  	v4 =	vld [tilespmem:s29+$0x150];
	_ =	sdelay $0x4  }
0x12a: {  	v4 =	vmul.f32 v4, v3;
	_ =	sdelay $0x1  }
0x12b: {  	[tilespmem:s28+$0x150] =	vst v4  }
0x12c: {  	v4 =	vld [tilespmem:s29+$0x160];
	_ =	sdelay $0x4  }
0x12d: {  	s31 =	sadd.s32 $0xFFFFFFFF, s26;
	v4 =	vmul.f32 v4, v3  }
0x12e: {  	v56 =	vmov s31  }
0x12f: {  	v57 =	vshrl.u32 v56, $0x3;
	[tilespmem:s28+$0x160] =	vst v4  }
0x130: {  	v4 =	vshll.u32 v57, v2;
	v58 =	vld [tilespmem:s29+$0x170]  }
0x131: {  	v4 =	vadd.s32 $0x6, v4  }
0x132: {  	v4 =	vbroadcast v4, $0x0;
	_ =	sdelay $0x2  }
0x133: {  	v3 =	vmul.f32 v58, v3;
	_ =	sdelay $0x1  }
0x134: {  	[tilespmem:s28+$0x170] =	vst v3  }
0x135: {  	v3 =	vld.idx.msk [tilespmem:v4+s19+$0x0], $0xffff  }
0x136: {  	v59 =	vld [tilespmem:s29+$0x180];
	_ =	sdelay $0x4  }
0x137: {  	v4 =	vmul.f32 v59, v3;
	_ =	sdelay $0x1  }
0x138: {  	[tilespmem:s28+$0x180] =	vst v4  }
0x139: {  	v4 =	vld [tilespmem:s29+$0x190];
	_ =	sdelay $0x4  }
0x13a: {  	v4 =	vmul.f32 v4, v3;
	_ =	sdelay $0x1  }
0x13b: {  	[tilespmem:s28+$0x190] =	vst v4  }
0x13c: {  	v4 =	vld [tilespmem:s29+$0x1A0];
	_ =	sdelay $0x4  }
0x13d: {  	v4 =	vmul.f32 v4, v3  }
0x13e: {  	v60 =	vmov s26  }
0x13f: {  	v61 =	vshrl.u32 v60, $0x3;
	[tilespmem:s28+$0x1A0] =	vst v4  }
0x140: {  	v4 =	vshll.u32 v61, v2;
	v62 =	vld [tilespmem:s29+$0x1B0]  }
0x141: {  	v4 =	vadd.s32 $0x7, v4  }
0x142: {  	v4 =	vbroadcast v4, $0x0;
	_ =	sdelay $0x2  }
0x143: {  	v3 =	vmul.f32 v62, v3;
	_ =	sdelay $0x1  }
0x144: {  	[tilespmem:s28+$0x1B0] =	vst v3  }
0x145: {  	v3 =	vld.idx.msk [tilespmem:v4+s19+$0x0], $0xffff  }
0x146: {  	v63 =	vld [tilespmem:s29+$0x1C0];
	_ =	sdelay $0x4  }
0x147: {  	v4 =	vmul.f32 v63, v3;
	_ =	sdelay $0x1  }
0x148: {  	[tilespmem:s28+$0x1C0] =	vst v4  }
0x149: {  	v4 =	vld [tilespmem:s29+$0x1D0];
	_ =	sdelay $0x4  }
0x14a: {  	v4 =	vmul.f32 v4, v3;
	_ =	sdelay $0x1  }
0x14b: {  	[tilespmem:s28+$0x1D0] =	vst v4  }
0x14c: {  	v4 =	vld [tilespmem:s29+$0x1E0];
	_ =	sdelay $0x4  }
0x14d: {  	v4 =	vmul.f32 v4, v3;
	_ =	sdelay $0x1  }
0x14e: {  	[tilespmem:s28+$0x1E0] =	vst v4  }
0x14f: {  	v4 =	vld [tilespmem:s29+$0x1F0];
	_ =	sdelay $0x1  }
0x150: {  	p0 =	sne.s32 s26, $0x7F  }
.Ltmp1:
0x151: {  	_ = 	snop;
	(pc) =	sbr.rel @p0 .LBB2_5-.Ltmp1, $3  }
0x152: {  	_ = 	snop  }
0x153: {  	v3 =	vmul.f32 v4, v3;
	_ =	sdelay $0x1  }
0x154: {  	s26 =	sadd.s32 $0x10, s26;
	s29 =	sadd.s32 $0x400, s29;
	[tilespmem:s28+$0x1F0] =	vst v3;
	s28 =	sadd.s32 $0x400, s28  }
0x155: {  	s25 =	sadd.s32 $0x1, s25  }
0x156: {  	p0 =	sne.s32 s25, $0x9E  }
.Ltmp2:
0x157: {  	_ = 	snop;
	(pc) =	sbr.rel @p0 .LBB2_4-.Ltmp2, $4  }
0x158: {  	[spmem:s1] =	stream.indirect.scatter.add.f32 [tilespmem:s22], [sflag:$0x2], $0x40, s18, s18, $0xb8;
	[tilespmem:$0x10180] =	vst v63  }
0x159: {  	_ =	swait.ge [sflag:s17], $0x2000  }
0x15a: {  	[sflag:s17] =	ssyncset.done $0x0  }
0x15b: {  	[sflag:s17] =	ssyncadd.s32 $0xFFFFE000  }
0x15c: {  	s24 =	sadd.s32 $0x1, s24  }
0x15d: {  	s25 =	sshll.u32 s2, $0x6;
	p0 =	sne.s32 s24, s11  }
.Ltmp3:
0x15e: {  	[bflag:$0x0] =	sbarrier.arrive $0xFFFF;
	s25 =	sor.u32 $0x1C02, s25;
	(pc) =	sbr.rel @p0 .LBB2_1-.Ltmp3, $4  }
0x15f: {  	[hbm:s10], [sflag:s25] =	dma.local [spmem:s23], $0x1400  }
0x160: {  	_ =	swait.ge [sflag:s17], $0x1400  }
0x161: {  	[sflag:s17] =	ssyncset.done $0x0  }
0x162: {  	[sflag:s17] =	ssyncadd.s32 $0xFFFFEC00  }
0x163: {  	_ =	sfence.sel $0x180000  }
0x164: {  	[bflag:$0x0] =	sbarrier.arrive $0xFFFF  }
0x165: {  	p0 =	sne.s32 s2, $0x0;
	_ =	strace $0x9000004A  }
0x166: {  	s0 =	sadd.s32 @!p0 $0x100000, s0;
	[bflag:$0x2] =	sbarrier.arrive $0xFFFF  }
0x167: {  	[sflag:s0] =	ssyncadd.tile.s32 @!p0 $0x1;
	_ =	shalt  }
.Lfunc_end2:
_tile_overlayer_lowered:
.L_overlay_start_2:
0x168: {  	(tag) =	ssettag $0x2  }
0x169: {  	s0 =	rddreg [dreg:$0x0];
	s2 =	stileid.u32  }
0x16a: {  	s1 =	rddreg [dreg:$0x1];
	p0 =	sne.s32 s2, $0x0  }
0x16b: {  	s3 =	rddreg [dreg:$0x2];
	[bflag:$0x3] =	sbarrier.arrive $0xFFFF;
	s2 =	simm.s32 @!p0 $0x1C02  }
0x16c: {  	[timem:s3], [sflag:s2] =	dma.local @!p0 [hbm:s0], s1  }
0x16d: {  	s0 =	simm.s32 @!p0 $0x2  }
0x16e: {  	_ =	swait.ge @!p0 [sflag:s0], s1  }
0x16f: {  	s1 =	ssub.s32 @!p0 $0x0, s1;
	[sflag:s0] =	ssyncset.done @!p0 $0x0  }
0x170: {  	[sflag:s0] =	ssyncadd.s32 @!p0 s1  }
0x171: {  	[bflag:$0x3] =	sbarrier.arrive $0xFFFF  }
0x172: {  	_ =	shalt  }

// kernel: kernel.14.cloned.1.call-start
scs
__scs_entry_jumppad:
0x0: {  	(pc) =	sbr.rel $0x88, $3  }
0x1: {  	(tag) =	ssettag $0x0;
	lr =	simm.s32 $0x1  }
0x2: {  	[smem:$0x3F9A] =	sst lr;
	_ =	strace $0xD0000000  }
0x3: {  	_ = 	snop  }
0x4: {  	_ = 	snop  }
0x5: {  	_ = 	snop  }
0x6: {  	_ = 	snop  }
0x7: {  	_ = 	snop  }
__scs_overlays_trampoline_lowered:
0x8: {  	[smem:$0x3FA9] =	sst s0  }
0x9: {  	[smem:$0x3FAA] =	sst s1  }
0xa: {  	[smem:$0x3FAB] =	sst s2  }
0xb: {  	[smem:$0x3FAC] =	sst s3  }
0xc: {  	[smem:$0x3FAD] =	sst s4  }
0xd: {  	[smem:$0x3FAE] =	sst s5  }
0xe: {  	[smem:$0x3FAF] =	sst s6  }
0xf: {  	[smem:$0x3FB0] =	sst s7  }
0x10: {  	[smem:$0x3FB1] =	sst s8  }
0x11: {  	[smem:$0x3FB2] =	sst s9;
	s0 =	simm.s32 @!p0 $0x0  }
0x12: {  	s1 =	sld [smem:$0x3F98];
	s0 =	simm.s32 @p0 $0x1  }
0x13: {  	[smem:$0x3FB3] =	sst s0;
	s0 =	simm.s32 @!p1 $0x0  }
0x14: {  	s2 =	sld [smem:$0x3F97];
	s0 =	simm.s32 @p1 $0x1  }
0x15: {  	[smem:$0x3FB4] =	sst s0;
	s0 =	simm.s32 @!p2 $0x0  }
0x16: {  	s3 =	sld [smem:$0x3FDB];
	s0 =	simm.s32 @p2 $0x1  }
0x17: {  	s4 =	simm.s32 $0x1BF5;
	[smem:$0x3FB6] =	sst s0  }
0x18: {  	s0 =	sld [smem:$0x3F99];
	_ =	swait.ge [sflag:s4], $0x0  }
0x19: {  	s7 =	sld [smem:$0x3F9A]  }
0x1a: {  	s8 =	sadd.s32 $0xFFFFE003, lr  }
0x1b: {  	s9 =	sadd.s32 $0xFFFFFEF7, lr;
	s5 =	simm.s32 $0xFFFFFFFF;
	p2 =	slt.u32 s8, $0xFFFFF086  }
0x1c: {  	p1 =	slt.u32 s9, $0xF7A;
	s5 =	simm.s32 @!p2 $0x0  }
0x1d: {  	s5 =	simm.s32 @p1 $0x1;
	p0 =	seq.s32 s7, s2  }
0x1e: {  	s7 =	smul.u32 @!p0 $0xF7A, s2;
	p2 =	seq.s32 @!p0 s5, $0x0  }
0x1f: {  	s9 =	smul.u32 $0xF7A, s1;
	s8 =	simm.s32 @!p0 $0x1BF5;
	p2 =	por !p2, p0  }
0x20: {  	[sflag:s8] =	ssyncset.s32 @!p0 $0xFFFFF086;
	s6 =	sadd.s32 @!p0 s3, s7;
	s7 =	simm.s32 @!p0 $0x108  }
0x21: {  	s3 =	sadd.s32 s3, s9;
	s6 =	sadd.s32 @!p0 $0x88, s6;
	s7 =	simm.s32 @p2 $0x1082  }
0x22: {  	[simem:s7], [sflag:s8] =	dma.local @!p0 [hbm:s6], $0xF7A  }
0x23: {  	s9 =	sor.u32 $0xD0000000, s2;
	s6 =	simm.s32 $0x108;
	_ =	swait.ge @!p0 [sflag:s8], $0x0  }
0x24: {  	s3 =	sadd.s32 $0x88, s3;
	s6 =	simm.s32 @!p1 $0x1082;
	[sflag:s4] =	ssyncset.s32 $0xFFFFF086  }
0x25: {  	[simem:s6], [sflag:s4] =	dma.local [hbm:s3], $0xF7A  }
0x26: {  	[smem:$0x3F9A] =	sst s1;
	(tag) =	ssettag s2;
	_ =	strace s9  }
0x27: {  	s1 =	sld [smem:$0x3FAA]  }
0x28: {  	s2 =	sld [smem:$0x3FAB]  }
0x29: {  	s4 =	sld [smem:$0x3FAD]  }
0x2a: {  	p0 =	seq.s32 s5, $0x0;
	s5 =	sld [smem:$0x3FAE]  }
0x2b: {  	s6 =	sld [smem:$0x3FAF]  }
0x2c: {  	s7 =	sld [smem:$0x3FB0]  }
0x2d: {  	s3 =	simm.s32 $0x108;
	s8 =	sld [smem:$0x3FB1]  }
0x2e: {  	s3 =	simm.s32 @!p0 $0x1082;
	s9 =	sld [smem:$0x3FB2]  }
0x2f: {  	lr =	sadd.s32 s0, s3;
	s0 =	sld [smem:$0x3FA9]  }
0x30: {  	s3 =	sld [smem:$0x3FAC]  }
0x31: {  	[smem:$0x3FB5] =	sst s10  }
0x32: {  	s10 =	sld [smem:$0x3FB3];
	_ =	sdelay $0x3  }
0x33: {  	p0 =	seq.s32 s10, $0x1;
	s10 =	sld [smem:$0x3FB5];
	_ =	sdelay $0x3  }
0x34: {  	[smem:$0x3FB5] =	sst s10  }
0x35: {  	s10 =	sld [smem:$0x3FB4];
	_ =	sdelay $0x3  }
0x36: {  	p1 =	seq.s32 s10, $0x1;
	s10 =	sld [smem:$0x3FB5];
	_ =	sdelay $0x3  }
0x37: {  	[smem:$0x3FB5] =	sst s10  }
0x38: {  	s10 =	sld [smem:$0x3FB6]  }
0x39: {  	_ = 	snop;
	(pc) =	sbr.ind lr, $3  }
0x3a: {  	_ = 	snop  }
0x3b: {  	_ = 	snop  }
0x3c: {  	p2 =	seq.s32 s10, $0x1;
	s10 =	sld [smem:$0x3FB5]  }
0x3d: {  	_ =	shalt  }
0x3e: {  	_ =	shalt  }
0x3f: {  	_ =	shalt  }
0x40: {  	_ =	shalt  }
0x41: {  	_ =	shalt  }
0x42: {  	_ =	shalt  }
0x43: {  	_ =	shalt  }
0x44: {  	_ =	shalt  }
0x45: {  	_ =	shalt  }
0x46: {  	_ =	shalt  }
0x47: {  	_ =	shalt  }
0x48: {  	_ =	shalt  }
0x49: {  	_ =	shalt  }
0x4a: {  	_ =	shalt  }
0x4b: {  	_ =	shalt  }
0x4c: {  	_ =	shalt  }
0x4d: {  	_ =	shalt  }
0x4e: {  	_ =	shalt  }
0x4f: {  	_ =	shalt  }
0x50: {  	_ =	shalt  }
0x51: {  	_ =	shalt  }
0x52: {  	_ =	shalt  }
0x53: {  	_ =	shalt  }
0x54: {  	_ =	shalt  }
0x55: {  	_ =	shalt  }
0x56: {  	_ =	shalt  }
0x57: {  	_ =	shalt  }
0x58: {  	_ =	shalt  }
0x59: {  	_ =	shalt  }
0x5a: {  	_ =	shalt  }
0x5b: {  	_ =	shalt  }
0x5c: {  	_ =	shalt  }
0x5d: {  	_ =	shalt  }
0x5e: {  	_ =	shalt  }
0x5f: {  	_ =	shalt  }
0x60: {  	_ =	shalt  }
0x61: {  	_ =	shalt  }
0x62: {  	_ =	shalt  }
0x63: {  	_ =	shalt  }
0x64: {  	_ =	shalt  }
0x65: {  	_ =	shalt  }
0x66: {  	_ =	shalt  }
0x67: {  	_ =	shalt  }
0x68: {  	_ =	shalt  }
0x69: {  	_ =	shalt  }
0x6a: {  	_ =	shalt  }
0x6b: {  	_ =	shalt  }
0x6c: {  	_ =	shalt  }
0x6d: {  	_ =	shalt  }
0x6e: {  	_ =	shalt  }
0x6f: {  	_ =	shalt  }
0x70: {  	_ =	shalt  }
0x71: {  	_ =	shalt  }
0x72: {  	_ =	shalt  }
0x73: {  	_ =	shalt  }
0x74: {  	_ =	shalt  }
0x75: {  	_ =	shalt  }
0x76: {  	_ =	shalt  }
0x77: {  	_ =	shalt  }
0x78: {  	_ =	shalt  }
0x79: {  	_ =	shalt  }
0x7a: {  	_ =	shalt  }
0x7b: {  	_ =	shalt  }
0x7c: {  	_ =	shalt  }
0x7d: {  	_ =	shalt  }
0x7e: {  	_ =	shalt  }
0x7f: {  	_ =	shalt  }
0x80: {  	_ =	shalt  }
0x81: {  	_ =	shalt  }
0x82: {  	_ =	shalt  }
0x83: {  	_ =	shalt  }
0x84: {  	_ =	shalt  }
0x85: {  	_ =	shalt  }
0x86: {  	_ =	shalt  }
0x87: {  	_ =	shalt  }
.Lfunc_end0:
.L_simem_size_0:
called_computation.2_lowered:
.L_overlay_start_0:
0x88: {  	s2 =	sld [smem:$0x3FD9]  }
0x89: {  	s3 =	sld [smem:$0x3FFE];
	_ =	sdelay $0x1  }
0x8a: {  	s1 =	srdreg.scid  }
0x8b: {  	s0 =	sand.u32 $0x1, s1  }
0x8c: {  	s16 =	sshll.u32 s0, $0xA;
	s2 =	sadd.s32 s3, s2  }
0x8d: {  	s2 =	sadd.s32 s2, s16  }
0x8e: {  	[smem:$0x3FC1] =	sst s2  }
0x8f: {  	_ = 	snop  }
0x90: {  	(tm) =	ssettm $0x1  }
0x91: {  	s17 =	sld [smem:$0x3FFB];
	_ =	sdelay $0x3  }
0x92: {  	_ =	strace s17  }
0x93: {  	s2 =	sld [smem:$0x3FFC];
	_ =	sdelay $0x3  }
0x94: {  	_ =	strace s2  }
0x95: {  	s2 =	sld [smem:$0x3FFD];
	_ =	sdelay $0x3  }
0x96: {  	_ =	strace s2  }
0x97: {  	_ =	strace $0x8FFFFFFF  }
0x98: {  	s18 =	sld [smem:$0x3FDB];
	_ =	sdelay $0x1  }
0x99: {  	s19 =	simm.s32 $_scs_section_size  }
0x9a: {  	s4 =	simm.s32 $_size__tile_overlayer_lowered;
	s5 =	simm.s32 $_tile_overlayer_lowered  }
0x9b: {  	s22 =	simm.s32 $0x1BFF;
	s21 =	sshll.u32 s5, $0x1;
	s2 =	sadd.s32 s19, s18  }
0x9c: {  	s6 =	simm.s32 $0x0;
	s20 =	sshll.u32 s4, $0x1;
	s4 =	sadd.s32 s21, s2  }
0x9d: {  	[timem:s6], [sflag:s22] =	dma.local [hbm:s4], s20  }
0x9e: {  	_ =	swait.ge [sflag:s22], s20  }
0x9f: {  	s3 =	ssub.s32 $0x0, s20;
	[sflag:s22] =	ssyncset.done $0x0  }
0xa0: {  	[sflag:s22] =	ssyncadd.s32 s3;
	_ =	sdelay $0x1  }
0xa1: {  	s23 =	simm.s32 $0x1B8B  }
0xa2: {  	_ =	swait.ge [sflag:s23], $0x1  }
0xa3: {  	[sflag:s23] =	ssyncset.done $0x0  }
0xa4: {  	s25 =	simm.s32 $0x1B8E;
	s24 =	sld [smem:$0x3FFE];
	[sflag:s23] =	ssyncadd.s32 $0xFFFFFFFF  }
0xa5: {  	s26 =	simm.s32 $execute0_lowered;
	[smem:$0x3FD2] =	sst s25  }
0xa6: {  	s4 =	sshll.u32 s26, $0x1;
	_ =	strace $0x8000004C;
	[dreg:$0x1] =	wrdreg $0xFFFFFFFF  }
0xa7: {  	s28 =	simm.s32 $_size_execute0_lowered;
	s2 =	sadd.s32 s2, s4;
	[dreg:$0x0] =	wrdreg $0x0  }
0xa8: {  	s4 =	sshll.u32 s28, $0x1;
	[dreg:$0x2] =	wrdreg s2  }
0xa9: {  	[dreg:$0x3] =	wrdreg s4  }
0xaa: {  	[dreg:$0x4] =	wrdreg $0xC0  }
0xab: {  	_ =	task [dreg:s6], $0x5FFFF  }
0xac: {  	[dreg:$0x1] =	wrdreg $0xFFFFFFFF  }
0xad: {  	[dreg:$0x0] =	wrdreg $0x60  }
0xae: {  	[dreg:$0x2] =	wrdreg s24  }
0xaf: {  	[dreg:$0x3] =	wrdreg $0x39800  }
0xb0: {  	[dreg:$0x4] =	wrdreg $0x9  }
0xb1: {  	_ =	task.clear_ibuf [dreg:s6], $0x5FFFF;
	_ =	strace $0x9000004C  }
0xb2: {  	s29 =	simm.s32 $0x9;
	_ =	strace $0x8000004E  }
0xb3: {  	_ =	swait.ge [sflag:s29], $0x1  }
0xb4: {  	[sflag:s29] =	ssyncadd.s32 $0xFFFFFFFF  }
0xb5: {  	_ =	strace $0x9000004E  }
0xb6: {  	_ =	sfence  }
0xb7: {  	s30 =	sld [smem:$0x0];
	_ =	sdelay $0x2  }
0xb8: {  	s31 =	sshll.u32 s1, $0xD;
	s1 =	sshrl.u32 s1, $0x2  }
0xb9: {  	s3 =	sand.u32 $0x4000, s31;
	s1 =	sadd.s32 s1, s30  }
0xba: {  	s0 =	sor.u32 s3, s0;
	s1 =	sshll.u32 s1, $0x11  }
0xbb: {  	s0 =	sor.u32 s1, s0  }
0xbc: {  	s0 =	sadd.s32 $0x8F2B, s0  }
0xbd: {  	[sflag:s0] =	ssyncadd.remote.s32 $0x1  }
0xbe: {  	_ =	sfence.sel $0xFFFF  }
0xbf: {  	[dreg:$0x0] =	wrdreg $0xFFFFFFFF;
	(pc) =	sbr.abs _section_cstart, $3  }
0xc0: {  	[dreg:$0x1] =	wrdreg $0xFFFFFFFF  }
0xc1: {  	_ =	task.clear_ibuf [dreg:s6], $0x2FFFF;
	_ =	strace $0x9FFFFFFF  }
0xc2: {  	(tm) =	ssettm $0x7FFFFFFF  }
0xc3: {  	_ =	shalt  }
tec
execute0_lowered:
.L_overlay_start_1:
0x0: {  	(tag) =	ssettag $0x1  }
0x1: {  	s8 =	rddreg [dreg:$0x0]  }
0x2: {  	s2 =	rddreg [dreg:$0x1]  }
0x3: {  	s0 =	rddreg [dreg:$0x2];
	s3 =	simm.s32 $0x0;
	s4 =	srdreg.scid  }
0x4: {  	s1 =	stileid.u32;
	s14 =	simm.s32 $0x80;
	s15 =	simm.s32 $0x100  }
0x5: {  	s16 =	simm.s32 $0x180;
	s17 =	simm.s32 $0x1;
	s18 =	simm.s32 $0x980  }
0x6: {  	s19 =	simm.s32 $0x0;
	[smem:$0x7FF] =	sst s3;
	s9 =	sand.u32 $0x1, s4  }
0x7: {  	s10 =	smul.u32 $0x2800, s1;
	s4 =	sadd.s32 $0x2800, s8;
	s5 =	sadd.s32 $0x16400, s8  }
0x8: {  	s6 =	sadd.s32 $0x20200, s8;
	s7 =	sadd.s32 $0xC600, s8;
	s11 =	smul.u32 $0x28000, s9  }
0x9: {  	_ =	strace $0x8000004D;
	s12 =	ssub.s32 $0x2, s9;
	s9 =	sshll.u32 s9, $0x4  }
0xa: {  	s13 =	sshrl.u32 s12, $0x1;
	s31 =	sor.u32 s1, s9;
	s11 =	sadd.s32 s10, s11  }
0xb: {  	s9 =	sadd.s32 s10, s2;
	s12 =	ssub.s32 s12, s13;
	s11 =	sshrl.u32 s11, $0x3  }
0xc: {  	v1 =	vimm.s32 $0x0;
	vm0 =	vcmask $0x300;
	s13 =	simm.s32 $0x2;
	s11 =	sadd.s32 s11, s8;
	s8 =	smul.u32 $0x4F, s31  }
0xd: {  	v0 =	vimm.f32 $0.0e+00;
	v1 =	vsel vm0, $0x3, v1;
	s10 =	sadd.s32 $0x2A000, s11;
	s11 =	smax.u32 s12, $0x1;
	s12 =	simm.s32 $0x1180  }
.LBB2_1:
0xe: {  	s20 =	simm.s32 $0x40;
	s21 =	simm.s32 $0x0  }
.LBB2_2:
0xf: {  	p0 =	sne.s32 s20, $0x9FC0;
	[tilespmem:s21+$0x1180] =	vst v0;
	s21 =	smov.u32 s20;
	s20 =	sadd.s32 $0x40, s20  }
.Ltmp0:
0x10: {  	(pc) =	sbr.rel @p0 .LBB2_2-.Ltmp0, $2  }
0x11: {  	_ =	sdelay $0x2  }
0x12: {  	s21 =	sshra.s32 s21, $0x2  }
0x13: {  	[tilespmem:s21+$0x1180] =	vst v0  }
0x14: {  	[spmem:s9] =	stream.linear.scatter [tilespmem:s12], [sflag:$0x2], $0x2800, $0x38;
	[tilespmem:$0x6180] =	vst v63  }
0x15: {  	_ =	swait.ge [sflag:s13], $0x2800  }
0x16: {  	[sflag:s13] =	ssyncset.done $0x0  }
0x17: {  	[sflag:s13] =	ssyncadd.s32 $0xFFFFD800  }
0x18: {  	s20 =	simm.s32 $0x0;
	[bflag:$0x0] =	sbarrier.arrive $0xFFFF  }
.LBB2_4:
0x19: {  	s21 =	sadd.s32 s8, s20  }
0x1a: {  	s21 =	sshll.u32 s21, $0x4  }
0x1b: {  	s22 =	sadd.s32 s5, s21  }
0x1c: {  	[tilespmem:s3], [sflag:$0x2] =	stream.linear.gather [hbm4b:s22+s3], $0x80, $0x38;
	[tilespmem:$0x6180] =	vst v63  }
0x1d: {  	_ =	swait.ge [sflag:s13], $0x80  }
0x1e: {  	[sflag:s13] =	ssyncset.done $0x0  }
0x1f: {  	s30 =	sadd.s32 s6, s21;
	[sflag:s13] =	ssyncadd.s32 $0xFFFFFF80  }
0x20: {  	[tilespmem:s14], [sflag:$0x2] =	stream.linear.gather [hbm4b:s30+s3], $0x80, $0x38;
	[tilespmem:$0x6180] =	vst v63  }
0x21: {  	_ =	swait.ge [sflag:s13], $0x80  }
0x22: {  	s31 =	simm.s32 $0x0;
	[sflag:s13] =	ssyncset.done $0x0  }
0x23: {  	v2 =	vmov s31;
	s21 =	sadd.s32 s7, s21;
	[sflag:s13] =	ssyncadd.s32 $0xFFFFFF80  }
0x24: {  	v2 =	vshrl.u32 v2, $0x3;
	[tilespmem:s15], [sflag:$0x2] =	stream.linear.gather [hbm4b:s21+s3], $0x80, $0x38;
	[tilespmem:$0x6180] =	vst v63  }
0x25: {  	v2 =	vshll.u32 v2, v1;
	_ =	swait.ge [sflag:s13], $0x80  }
0x26: {  	v2 =	vbroadcast v2, $0x0;
	[sflag:s13] =	ssyncset.done $0x0  }
0x27: {  	[sflag:s13] =	ssyncadd.s32 $0xFFFFFF80  }
0x28: {  	[tilespmem:s16], [sflag:$0x1] =	stream.indirect.gather [hbm4b:s4+s14], $0x10, s3, s14, $0xb8;
	[tilespmem:$0x6180] =	vst v63  }
0x29: {  	_ =	swait.ge [sflag:s17], $0x800  }
0x2a: {  	s23 =	simm.s32 $0x1;
	[sflag:s17] =	ssyncset.done $0x0  }
0x2b: {  	v3 =	vmov s23;
	[sflag:s17] =	ssyncadd.s32 $0xFFFFF800  }
0x2c: {  	v3 =	vshrl.u32 v3, $0x3;
	s22 =	simm.s32 $0x200;
	v2 =	vld.idx.msk [tilespmem:v2+s15+$0x0], $0xffff  }
0x2d: {  	v3 =	vshll.u32 v3, v1;
	v4 =	vld [tilespmem:s22+$0xFFFFFF80]  }
0x2e: {  	v3 =	vadd.s32 $0x1, v3  }
0x2f: {  	v3 =	vbroadcast v3, $0x0;
	_ =	sdelay $0x2  }
0x30: {  	v2 =	vmul.f32 v4, v2  }
0x31: {  	s21 =	simm.s32 $0xA00  }
0x32: {  	s23 =	simm.s32 $0x2;
	[tilespmem:s21+$0xFFFFFF80] =	vst v2  }
0x33: {  	v2 =	vmov s23;
	v3 =	vld.idx.msk [tilespmem:v3+s15+$0x0], $0xffff  }
0x34: {  	v2 =	vshrl.u32 v2, $0x3;
	v4 =	vld [tilespmem:s22+$0xFFFFFF90]  }
0x35: {  	v2 =	vshll.u32 v2, v1  }
0x36: {  	v2 =	vadd.s32 $0x2, v2  }
0x37: {  	v2 =	vbroadcast v2, $0x0;
	_ =	sdelay $0x1  }
0x38: {  	v3 =	vmul.f32 v4, v3  }
0x39: {  	s24 =	simm.s32 $0x3  }
0x3a: {  	[tilespmem:s21+$0xFFFFFF90] =	vst v3;
	v3 =	vmov s24  }
0x3b: {  	v3 =	vshrl.u32 v3, $0x3;
	v4 =	vld [tilespmem:s22+$0xFFFFFFA0]  }
0x3c: {  	v2 =	vld.idx.msk [tilespmem:v2+s15+$0x0], $0xffff;
	v3 =	vshll.u32 v3, v1  }
0x3d: {  	v3 =	vadd.s32 $0x3, v3  }
0x3e: {  	v3 =	vbroadcast v3, $0x0;
	_ =	sdelay $0x2  }
0x3f: {  	v2 =	vmul.f32 v4, v2;
	_ =	sdelay $0x1  }
0x40: {  	s25 =	simm.s32 $0x4;
	[tilespmem:s21+$0xFFFFFFA0] =	vst v2  }
0x41: {  	v2 =	vmov s25;
	v3 =	vld.idx.msk [tilespmem:v3+s15+$0x0], $0xffff  }
0x42: {  	v2 =	vshrl.u32 v2, $0x3;
	v4 =	vld [tilespmem:s22+$0xFFFFFFB0]  }
0x43: {  	v2 =	vshll.u32 v2, v1  }
0x44: {  	v2 =	vadd.s32 $0x4, v2  }
0x45: {  	v2 =	vbroadcast v2, $0x0;
	_ =	sdelay $0x1  }
0x46: {  	v3 =	vmul.f32 v4, v3  }
0x47: {  	s26 =	simm.s32 $0x5  }
0x48: {  	[tilespmem:s21+$0xFFFFFFB0] =	vst v3;
	v3 =	vmov s26  }
0x49: {  	v3 =	vshrl.u32 v3, $0x3;
	v4 =	vld [tilespmem:s22+$0xFFFFFFC0]  }
0x4a: {  	v2 =	vld.idx.msk [tilespmem:v2+s15+$0x0], $0xffff;
	v3 =	vshll.u32 v3, v1  }
0x4b: {  	v3 =	vadd.s32 $0x5, v3  }
0x4c: {  	v3 =	vbroadcast v3, $0x0;
	_ =	sdelay $0x2  }
0x4d: {  	v2 =	vmul.f32 v4, v2;
	_ =	sdelay $0x1  }
0x4e: {  	s28 =	simm.s32 $0x6;
	[tilespmem:s21+$0xFFFFFFC0] =	vst v2  }
0x4f: {  	v2 =	vmov s28;
	v3 =	vld.idx.msk [tilespmem:v3+s15+$0x0], $0xffff  }
0x50: {  	v2 =	vshrl.u32 v2, $0x3;
	v4 =	vld [tilespmem:s22+$0xFFFFFFD0]  }
0x51: {  	v2 =	vshll.u32 v2, v1  }
0x52: {  	v2 =	vadd.s32 $0x6, v2  }
0x53: {  	v2 =	vbroadcast v2, $0x0;
	_ =	sdelay $0x1  }
0x54: {  	v3 =	vmul.f32 v4, v3  }
0x55: {  	s29 =	simm.s32 $0x7  }
0x56: {  	[tilespmem:s21+$0xFFFFFFD0] =	vst v3;
	v3 =	vmov s29  }
0x57: {  	v3 =	vshrl.u32 v3, $0x3;
	v4 =	vld [tilespmem:s22+$0xFFFFFFE0]  }
0x58: {  	v2 =	vld.idx.msk [tilespmem:v2+s15+$0x0], $0xffff;
	v3 =	vshll.u32 v3, v1  }
0x59: {  	v3 =	vadd.s32 $0x7, v3  }
0x5a: {  	v3 =	vbroadcast v3, $0x0;
	_ =	sdelay $0x2  }
0x5b: {  	v2 =	vmul.f32 v4, v2;
	_ =	sdelay $0x1  }
0x5c: {  	[tilespmem:s21+$0xFFFFFFE0] =	vst v2  }
0x5d: {  	s30 =	simm.s32 $0x8;
	v2 =	vld.idx.msk [tilespmem:v3+s15+$0x0], $0xffff  }
0x5e: {  	v3 =	vmov s30;
	v4 =	vld [tilespmem:s22+$0xFFFFFFF0]  }
0x5f: {  	v3 =	vshrl.u32 v3, $0x3  }
0x60: {  	v3 =	vshll.u32 v3, v1  }
0x61: {  	v3 =	vbroadcast v3, $0x0;
	_ =	sdelay $0x1  }
0x62: {  	v2 =	vmul.f32 v4, v2  }
0x63: {  	s31 =	simm.s32 $0x9  }
0x64: {  	[tilespmem:s21+$0xFFFFFFF0] =	vst v2;
	v2 =	vmov s31  }
0x65: {  	v2 =	vshrl.u32 v2, $0x3;
	v4 =	vld [tilespmem:s22+$0x0]  }
0x66: {  	v3 =	vld.idx.msk [tilespmem:v3+s15+$0x0], $0xffff;
	v2 =	vshll.u32 v2, v1  }
0x67: {  	v2 =	vadd.s32 $0x1, v2  }
0x68: {  	v2 =	vbroadcast v2, $0x0;
	_ =	sdelay $0x2  }
0x69: {  	v3 =	vmul.f32 v4, v3;
	_ =	sdelay $0x1  }
0x6a: {  	s24 =	simm.s32 $0xA;
	[tilespmem:s21+$0x0] =	vst v3  }
0x6b: {  	v3 =	vmov s24;
	v2 =	vld.idx.msk [tilespmem:v2+s15+$0x0], $0xffff  }
0x6c: {  	v3 =	vshrl.u32 v3, $0x3;
	v4 =	vld [tilespmem:s22+$0x10]  }
0x6d: {  	v3 =	vshll.u32 v3, v1  }
0x6e: {  	v3 =	vadd.s32 $0x2, v3  }
0x6f: {  	v3 =	vbroadcast v3, $0x0;
	_ =	sdelay $0x1  }
0x70: {  	v2 =	vmul.f32 v4, v2  }
0x71: {  	s25 =	simm.s32 $0xB  }
0x72: {  	[tilespmem:s21+$0x10] =	vst v2;
	v2 =	vmov s25  }
0x73: {  	v2 =	vshrl.u32 v2, $0x3;
	v4 =	vld [tilespmem:s22+$0x20]  }
0x74: {  	v3 =	vld.idx.msk [tilespmem:v3+s15+$0x0], $0xffff;
	v2 =	vshll.u32 v2, v1  }
0x75: {  	v2 =	vadd.s32 $0x3, v2  }
0x76: {  	v2 =	vbroadcast v2, $0x0;
	_ =	sdelay $0x2  }
0x77: {  	v3 =	vmul.f32 v4, v3;
	_ =	sdelay $0x1  }
0x78: {  	s26 =	simm.s32 $0xC;
	[tilespmem:s21+$0x20] =	vst v3  }
0x79: {  	v3 =	vmov s26;
	v2 =	vld.idx.msk [tilespmem:v2+s15+$0x0], $0xffff  }
0x7a: {  	v3 =	vshrl.u32 v3, $0x3;
	v4 =	vld [tilespmem:s22+$0x30]  }
0x7b: {  	v3 =	vshll.u32 v3, v1  }
0x7c: {  	v3 =	vadd.s32 $0x4, v3  }
0x7d: {  	v3 =	vbroadcast v3, $0x0;
	_ =	sdelay $0x1  }
0x7e: {  	v2 =	vmul.f32 v4, v2  }
0x7f: {  	s28 =	simm.s32 $0xD  }
0x80: {  	[tilespmem:s21+$0x30] =	vst v2;
	v2 =	vmov s28  }
0x81: {  	v2 =	vshrl.u32 v2, $0x3;
	v4 =	vld [tilespmem:s22+$0x40]  }
0x82: {  	v3 =	vld.idx.msk [tilespmem:v3+s15+$0x0], $0xffff;
	v2 =	vshll.u32 v2, v1  }
0x83: {  	v2 =	vadd.s32 $0x5, v2  }
0x84: {  	v2 =	vbroadcast v2, $0x0;
	_ =	sdelay $0x2  }
0x85: {  	v3 =	vmul.f32 v4, v3;
	_ =	sdelay $0x1  }
0x86: {  	s29 =	simm.s32 $0xE;
	[tilespmem:s21+$0x40] =	vst v3  }
0x87: {  	v3 =	vmov s29;
	v2 =	vld.idx.msk [tilespmem:v2+s15+$0x0], $0xffff  }
0x88: {  	v3 =	vshrl.u32 v3, $0x3;
	v4 =	vld [tilespmem:s22+$0x50]  }
0x89: {  	v3 =	vshll.u32 v3, v1  }
0x8a: {  	v3 =	vadd.s32 $0x6, v3  }
0x8b: {  	v3 =	vbroadcast v3, $0x0;
	_ =	sdelay $0x1  }
0x8c: {  	v2 =	vmul.f32 v4, v2  }
0x8d: {  	s30 =	simm.s32 $0xF  }
0x8e: {  	[tilespmem:s21+$0x50] =	vst v2;
	v2 =	vmov s30  }
0x8f: {  	v2 =	vshrl.u32 v2, $0x3;
	v4 =	vld [tilespmem:s22+$0x60]  }
0x90: {  	v3 =	vld.idx.msk [tilespmem:v3+s15+$0x0], $0xffff;
	v2 =	vshll.u32 v2, v1  }
0x91: {  	v2 =	vadd.s32 $0x7, v2  }
0x92: {  	v2 =	vbroadcast v2, $0x0;
	_ =	sdelay $0x2  }
0x93: {  	v3 =	vmul.f32 v4, v3;
	_ =	sdelay $0x1  }
0x94: {  	[tilespmem:s21+$0x60] =	vst v3  }
0x95: {  	s31 =	simm.s32 $0x10;
	v3 =	vld.idx.msk [tilespmem:v2+s15+$0x0], $0xffff  }
0x96: {  	v4 =	vld [tilespmem:s22+$0x70];
	v2 =	vmov s31  }
0x97: {  	v2 =	vshrl.u32 v2, $0x3  }
0x98: {  	v2 =	vshll.u32 v2, v1  }
0x99: {  	v2 =	vbroadcast v2, $0x0;
	_ =	sdelay $0x1  }
0x9a: {  	v3 =	vmul.f32 v4, v3  }
0x9b: {  	s23 =	simm.s32 $0x1F;
	s25 =	simm.s32 $0x11;
	s26 =	simm.s32 $0x2F  }
.LBB2_5:
0x9c: {  	[tilespmem:s21+$0x70] =	vst v3;
	s21 =	sadd.s32 $0x100, s21  }
0x9d: {  	v4 =	vmov s25;
	s22 =	sadd.s32 $0x100, s22;
	s25 =	smov.u32 s26;
	s24 =	sadd.s32 $0x10, s26  }
0x9e: {  	p0 =	sne.s32 s26, $0x7F;
	v2 =	vld.idx.msk [tilespmem:v2+s15+$0x0], $0xffff;
	v3 =	vshrl.u32 v4, $0x3  }
0x9f: {  	v4 =	vld [tilespmem:s22+$0xFFFFFF80];
	v3 =	vshll.u32 v3, v1  }
0xa0: {  	v3 =	vadd.s32 $0x1, v3  }
0xa1: {  	v3 =	vbroadcast v3, $0x0;
	_ =	sdelay $0x2  }
0xa2: {  	v2 =	vmul.f32 v4, v2  }
0xa3: {  	s26 =	sadd.s32 $0xFFFFFFF3, s23  }
0xa4: {  	[tilespmem:s21+$0xFFFFFF80] =	vst v2;
	v2 =	vmov s26  }
0xa5: {  	v3 =	vld.idx.msk [tilespmem:v3+s15+$0x0], $0xffff;
	v2 =	vshrl.u32 v2, $0x3  }
0xa6: {  	v4 =	vld [tilespmem:s22+$0xFFFFFF90];
	v2 =	vshll.u32 v2, v1  }
0xa7: {  	v2 =	vadd.s32 $0x2, v2  }
0xa8: {  	v2 =	vbroadcast v2, $0x0;
	_ =	sdelay $0x2  }
0xa9: {  	v3 =	vmul.f32 v4, v3  }
0xaa: {  	s26 =	sadd.s32 $0xFFFFFFF4, s23  }
0xab: {  	[tilespmem:s21+$0xFFFFFF90] =	vst v3;
	v3 =	vmov s26  }
0xac: {  	v2 =	vld.idx.msk [tilespmem:v2+s15+$0x0], $0xffff;
	v3 =	vshrl.u32 v3, $0x3  }
0xad: {  	v4 =	vld [tilespmem:s22+$0xFFFFFFA0];
	v3 =	vshll.u32 v3, v1  }
0xae: {  	v3 =	vadd.s32 $0x3, v3  }
0xaf: {  	v3 =	vbroadcast v3, $0x0;
	_ =	sdelay $0x2  }
0xb0: {  	v2 =	vmul.f32 v4, v2  }
0xb1: {  	s26 =	sadd.s32 $0xFFFFFFF5, s23  }
0xb2: {  	[tilespmem:s21+$0xFFFFFFA0] =	vst v2;
	v2 =	vmov s26  }
0xb3: {  	v3 =	vld.idx.msk [tilespmem:v3+s15+$0x0], $0xffff;
	v2 =	vshrl.u32 v2, $0x3  }
0xb4: {  	v4 =	vld [tilespmem:s22+$0xFFFFFFB0];
	v2 =	vshll.u32 v2, v1  }
0xb5: {  	v2 =	vadd.s32 $0x4, v2  }
0xb6: {  	v2 =	vbroadcast v2, $0x0;
	_ =	sdelay $0x2  }
0xb7: {  	v3 =	vmul.f32 v4, v3  }
0xb8: {  	s26 =	sadd.s32 $0xFFFFFFF6, s23  }
0xb9: {  	[tilespmem:s21+$0xFFFFFFB0] =	vst v3;
	v3 =	vmov s26  }
0xba: {  	v2 =	vld.idx.msk [tilespmem:v2+s15+$0x0], $0xffff;
	v3 =	vshrl.u32 v3, $0x3  }
0xbb: {  	v4 =	vld [tilespmem:s22+$0xFFFFFFC0];
	v3 =	vshll.u32 v3, v1  }
0xbc: {  	v3 =	vadd.s32 $0x5, v3  }
0xbd: {  	v3 =	vbroadcast v3, $0x0;
	_ =	sdelay $0x2  }
0xbe: {  	v2 =	vmul.f32 v4, v2  }
0xbf: {  	s26 =	sadd.s32 $0xFFFFFFF7, s23  }
0xc0: {  	[tilespmem:s21+$0xFFFFFFC0] =	vst v2;
	v2 =	vmov s26  }
0xc1: {  	v3 =	vld.idx.msk [tilespmem:v3+s15+$0x0], $0xffff;
	v2 =	vshrl.u32 v2, $0x3  }
0xc2: {  	v4 =	vld [tilespmem:s22+$0xFFFFFFD0];
	v2 =	vshll.u32 v2, v1  }
0xc3: {  	v2 =	vadd.s32 $0x6, v2  }
0xc4: {  	v2 =	vbroadcast v2, $0x0;
	_ =	sdelay $0x2  }
0xc5: {  	v3 =	vmul.f32 v4, v3  }
0xc6: {  	s26 =	sadd.s32 $0xFFFFFFF8, s23  }
0xc7: {  	[tilespmem:s21+$0xFFFFFFD0] =	vst v3;
	v3 =	vmov s26  }
0xc8: {  	v2 =	vld.idx.msk [tilespmem:v2+s15+$0x0], $0xffff;
	v3 =	vshrl.u32 v3, $0x3  }
0xc9: {  	v4 =	vld [tilespmem:s22+$0xFFFFFFE0];
	v3 =	vshll.u32 v3, v1  }
0xca: {  	v3 =	vadd.s32 $0x7, v3  }
0xcb: {  	v3 =	vbroadcast v3, $0x0;
	_ =	sdelay $0x2  }
0xcc: {  	v2 =	vmul.f32 v4, v2;
	_ =	sdelay $0x1  }
0xcd: {  	s26 =	sadd.s32 $0xFFFFFFF9, s23;
	[tilespmem:s21+$0xFFFFFFE0] =	vst v2  }
0xce: {  	v2 =	vld.idx.msk [tilespmem:v3+s15+$0x0], $0xffff;
	v3 =	vmov s26  }
0xcf: {  	v4 =	vld [tilespmem:s22+$0xFFFFFFF0];
	v3 =	vshrl.u32 v3, $0x3  }
0xd0: {  	v3 =	vshll.u32 v3, v1  }
0xd1: {  	v3 =	vbroadcast v3, $0x0;
	_ =	sdelay $0x2  }
0xd2: {  	v2 =	vmul.f32 v4, v2  }
0xd3: {  	s26 =	sadd.s32 $0xFFFFFFFA, s23  }
0xd4: {  	[tilespmem:s21+$0xFFFFFFF0] =	vst v2;
	v2 =	vmov s26  }
0xd5: {  	v3 =	vld.idx.msk [tilespmem:v3+s15+$0x0], $0xffff;
	v2 =	vshrl.u32 v2, $0x3  }
0xd6: {  	v4 =	vld [tilespmem:s22+$0x0];
	v2 =	vshll.u32 v2, v1  }
0xd7: {  	v2 =	vadd.s32 $0x1, v2  }
0xd8: {  	v2 =	vbroadcast v2, $0x0;
	_ =	sdelay $0x2  }
0xd9: {  	v3 =	vmul.f32 v4, v3  }
0xda: {  	s26 =	sadd.s32 $0xFFFFFFFB, s23  }
0xdb: {  	[tilespmem:s21+$0x0] =	vst v3;
	v3 =	vmov s26  }
0xdc: {  	v2 =	vld.idx.msk [tilespmem:v2+s15+$0x0], $0xffff;
	v3 =	vshrl.u32 v3, $0x3  }
0xdd: {  	v4 =	vld [tilespmem:s22+$0x10];
	v3 =	vshll.u32 v3, v1  }
0xde: {  	v3 =	vadd.s32 $0x2, v3  }
0xdf: {  	v3 =	vbroadcast v3, $0x0;
	_ =	sdelay $0x2  }
0xe0: {  	v2 =	vmul.f32 v4, v2  }
0xe1: {  	s26 =	sadd.s32 $0xFFFFFFFC, s23  }
0xe2: {  	[tilespmem:s21+$0x10] =	vst v2;
	v2 =	vmov s26  }
0xe3: {  	v3 =	vld.idx.msk [tilespmem:v3+s15+$0x0], $0xffff;
	v2 =	vshrl.u32 v2, $0x3  }
0xe4: {  	v4 =	vld [tilespmem:s22+$0x20];
	v2 =	vshll.u32 v2, v1  }
0xe5: {  	v2 =	vadd.s32 $0x3, v2  }
0xe6: {  	v2 =	vbroadcast v2, $0x0;
	_ =	sdelay $0x2  }
0xe7: {  	v3 =	vmul.f32 v4, v3  }
0xe8: {  	s26 =	sadd.s32 $0xFFFFFFFD, s23  }
0xe9: {  	[tilespmem:s21+$0x20] =	vst v3;
	v3 =	vmov s26  }
0xea: {  	v2 =	vld.idx.msk [tilespmem:v2+s15+$0x0], $0xffff;
	v3 =	vshrl.u32 v3, $0x3  }
0xeb: {  	v4 =	vld [tilespmem:s22+$0x30];
	v3 =	vshll.u32 v3, v1  }
0xec: {  	v3 =	vadd.s32 $0x4, v3  }
0xed: {  	v3 =	vbroadcast v3, $0x0;
	_ =	sdelay $0x2  }
0xee: {  	v2 =	vmul.f32 v4, v2  }
0xef: {  	s26 =	sadd.s32 $0xFFFFFFFE, s23  }
0xf0: {  	[tilespmem:s21+$0x30] =	vst v2;
	v2 =	vmov s26  }
0xf1: {  	v3 =	vld.idx.msk [tilespmem:v3+s15+$0x0], $0xffff;
	v2 =	vshrl.u32 v2, $0x3  }
0xf2: {  	v4 =	vld [tilespmem:s22+$0x40];
	v2 =	vshll.u32 v2, v1  }
0xf3: {  	v2 =	vadd.s32 $0x5, v2  }
0xf4: {  	v2 =	vbroadcast v2, $0x0;
	_ =	sdelay $0x2  }
0xf5: {  	v3 =	vmul.f32 v4, v3  }
0xf6: {  	s26 =	sadd.s32 $0xFFFFFFFF, s23  }
0xf7: {  	[tilespmem:s21+$0x40] =	vst v3;
	v3 =	vmov s26  }
0xf8: {  	v2 =	vld.idx.msk [tilespmem:v2+s15+$0x0], $0xffff;
	v3 =	vshrl.u32 v3, $0x3  }
0xf9: {  	v4 =	vld [tilespmem:s22+$0x50];
	v3 =	vshll.u32 v3, v1  }
0xfa: {  	v3 =	vadd.s32 $0x6, v3  }
0xfb: {  	v3 =	vbroadcast v3, $0x0;
	_ =	sdelay $0x2  }
0xfc: {  	v2 =	vmul.f32 v4, v2;
	_ =	sdelay $0x1  }
0xfd: {  	[tilespmem:s21+$0x50] =	vst v2;
	v2 =	vmov s23;
	s23 =	smov.u32 s25  }
0xfe: {  	v3 =	vld.idx.msk [tilespmem:v3+s15+$0x0], $0xffff;
	v2 =	vshrl.u32 v2, $0x3  }
0xff: {  	v4 =	vld [tilespmem:s22+$0x60];
	v2 =	vshll.u32 v2, v1  }
0x100: {  	v2 =	vadd.s32 $0x7, v2  }
0x101: {  	v2 =	vbroadcast v2, $0x0;
	_ =	sdelay $0x2  }
0x102: {  	v3 =	vmul.f32 v4, v3;
	_ =	sdelay $0x1  }
0x103: {  	s25 =	sadd.s32 $0xFFFFFFF1, s23;
	[tilespmem:s21+$0x60] =	vst v3  }
0x104: {  	v3 =	vmov s25;
	v4 =	vld.idx.msk [tilespmem:v2+s15+$0x0], $0xffff  }
0x105: {  	v2 =	vshrl.u32 v3, $0x3;
	v3 =	vld [tilespmem:s22+$0x70]  }
0x106: {  	v2 =	vshll.u32 v2, v1  }
.Ltmp1:
0x107: {  	v2 =	vbroadcast v2, $0x0;
	(pc) =	sbr.rel @p0 .LBB2_5-.Ltmp1, $3  }
0x108: {  	_ =	sdelay $0x1  }
0x109: {  	v3 =	vmul.f32 v3, v4  }
0x10a: {  	s26 =	smov.u32 s24;
	s25 =	sadd.s32 $0xFFFFFFF2, s23  }
0x10b: {  	_ =	sdelay $0x2  }
0x10c: {  	[tilespmem:s21+$0x70] =	vst v3  }
0x10d: {  	v4 =	vmov s25;
	s22 =	sadd.s32 $0x100, s22;
	v2 =	vld.idx.msk [tilespmem:v2+s15+$0x0], $0xffff  }
0x10e: {  	v3 =	vshrl.u32 v4, $0x3;
	v49 =	vld [tilespmem:s22+$0xFFFFFF80]  }
0x10f: {  	v3 =	vshll.u32 v3, v1  }
0x110: {  	v3 =	vadd.s32 $0x1, v3  }
0x111: {  	v3 =	vbroadcast v3, $0x0;
	_ =	sdelay $0x1  }
0x112: {  	v2 =	vmul.f32 v49, v2  }
0x113: {  	s21 =	sadd.s32 $0x100, s21;
	s24 =	sadd.s32 $0xFFFFFFF3, s23  }
0x114: {  	[tilespmem:s21+$0xFFFFFF80] =	vst v2;
	v2 =	vmov s24  }
0x115: {  	v2 =	vshrl.u32 v2, $0x3;
	v50 =	vld [tilespmem:s22+$0xFFFFFF90]  }
0x116: {  	v3 =	vld.idx.msk [tilespmem:v3+s15+$0x0], $0xffff;
	v2 =	vshll.u32 v2, v1  }
0x117: {  	v2 =	vadd.s32 $0x2, v2  }
0x118: {  	v2 =	vbroadcast v2, $0x0;
	_ =	sdelay $0x2  }
0x119: {  	v3 =	vmul.f32 v50, v3;
	_ =	sdelay $0x1  }
0x11a: {  	s25 =	sadd.s32 $0xFFFFFFF4, s23;
	[tilespmem:s21+$0xFFFFFF90] =	vst v3  }
0x11b: {  	v3 =	vmov s25;
	v2 =	vld.idx.msk [tilespmem:v2+s15+$0x0], $0xffff  }
0x11c: {  	v3 =	vshrl.u32 v3, $0x3;
	v51 =	vld [tilespmem:s22+$0xFFFFFFA0]  }
0x11d: {  	v3 =	vshll.u32 v3, v1  }
0x11e: {  	v3 =	vadd.s32 $0x3, v3  }
0x11f: {  	v3 =	vbroadcast v3, $0x0;
	_ =	sdelay $0x1  }
0x120: {  	v2 =	vmul.f32 v51, v2  }
0x121: {  	s26 =	sadd.s32 $0xFFFFFFF5, s23  }
0x122: {  	[tilespmem:s21+$0xFFFFFFA0] =	vst v2;
	v2 =	vmov s26  }
0x123: {  	v2 =	vshrl.u32 v2, $0x3;
	v52 =	vld [tilespmem:s22+$0xFFFFFFB0]  }
0x124: {  	v3 =	vld.idx.msk [tilespmem:v3+s15+$0x0], $0xffff;
	v2 =	vshll.u32 v2, v1  }
0x125: {  	v2 =	vadd.s32 $0x4, v2  }
0x126: {  	v2 =	vbroadcast v2, $0x0;
	_ =	sdelay $0x2  }
0x127: {  	v3 =	vmul.f32 v52, v3;
	_ =	sdelay $0x1  }
0x128: {  	s28 =	sadd.s32 $0xFFFFFFF6, s23;
	[tilespmem:s21+$0xFFFFFFB0] =	vst v3  }
0x129: {  	v3 =	vmov s28;
	v2 =	vld.idx.msk [tilespmem:v2+s15+$0x0], $0xffff  }
0x12a: {  	v3 =	vshrl.u32 v3, $0x3;
	v53 =	vld [tilespmem:s22+$0xFFFFFFC0]  }
0x12b: {  	v3 =	vshll.u32 v3, v1  }
0x12c: {  	v3 =	vadd.s32 $0x5, v3  }
0x12d: {  	v3 =	vbroadcast v3, $0x0;
	_ =	sdelay $0x1  }
0x12e: {  	v2 =	vmul.f32 v53, v2  }
0x12f: {  	s29 =	sadd.s32 $0xFFFFFFF7, s23  }
0x130: {  	[tilespmem:s21+$0xFFFFFFC0] =	vst v2;
	v2 =	vmov s29  }
0x131: {  	v2 =	vshrl.u32 v2, $0x3;
	v54 =	vld [tilespmem:s22+$0xFFFFFFD0]  }
0x132: {  	v3 =	vld.idx.msk [tilespmem:v3+s15+$0x0], $0xffff;
	v2 =	vshll.u32 v2, v1  }
0x133: {  	v2 =	vadd.s32 $0x6, v2  }
0x134: {  	v2 =	vbroadcast v2, $0x0;
	_ =	sdelay $0x2  }
0x135: {  	v3 =	vmul.f32 v54, v3;
	_ =	sdelay $0x1  }
0x136: {  	s30 =	sadd.s32 $0xFFFFFFF8, s23;
	[tilespmem:s21+$0xFFFFFFD0] =	vst v3  }
0x137: {  	v3 =	vmov s30;
	v2 =	vld.idx.msk [tilespmem:v2+s15+$0x0], $0xffff  }
0x138: {  	v3 =	vshrl.u32 v3, $0x3;
	v55 =	vld [tilespmem:s22+$0xFFFFFFE0]  }
0x139: {  	v3 =	vshll.u32 v3, v1  }
0x13a: {  	v3 =	vadd.s32 $0x7, v3  }
0x13b: {  	v3 =	vbroadcast v3, $0x0;
	_ =	sdelay $0x1  }
0x13c: {  	v2 =	vmul.f32 v55, v2;
	_ =	sdelay $0x1  }
0x13d: {  	[tilespmem:s21+$0xFFFFFFE0] =	vst v2  }
0x13e: {  	s31 =	sadd.s32 $0xFFFFFFF9, s23;
	v56 =	vld [tilespmem:s22+$0xFFFFFFF0]  }
0x13f: {  	v2 =	vld.idx.msk [tilespmem:v3+s15+$0x0], $0xffff;
	v3 =	vmov s31  }
0x140: {  	v3 =	vshrl.u32 v3, $0x3  }
0x141: {  	v3 =	vshll.u32 v3, v1  }
0x142: {  	v3 =	vbroadcast v3, $0x0;
	_ =	sdelay $0x1  }
0x143: {  	v2 =	vmul.f32 v56, v2  }
0x144: {  	s25 =	sadd.s32 $0xFFFFFFFA, s23  }
0x145: {  	[tilespmem:s21+$0xFFFFFFF0] =	vst v2;
	v2 =	vmov s25  }
0x146: {  	v2 =	vshrl.u32 v2, $0x3;
	v57 =	vld [tilespmem:s22+$0x0]  }
0x147: {  	v3 =	vld.idx.msk [tilespmem:v3+s15+$0x0], $0xffff;
	v2 =	vshll.u32 v2, v1  }
0x148: {  	v2 =	vadd.s32 $0x1, v2  }
0x149: {  	v2 =	vbroadcast v2, $0x0;
	_ =	sdelay $0x2  }
0x14a: {  	v3 =	vmul.f32 v57, v3;
	_ =	sdelay $0x1  }
0x14b: {  	s26 =	sadd.s32 $0xFFFFFFFB, s23;
	[tilespmem:s21+$0x0] =	vst v3  }
0x14c: {  	v3 =	vmov s26;
	v2 =	vld.idx.msk [tilespmem:v2+s15+$0x0], $0xffff  }
0x14d: {  	v3 =	vshrl.u32 v3, $0x3;
	v58 =	vld [tilespmem:s22+$0x10]  }
0x14e: {  	v3 =	vshll.u32 v3, v1  }
0x14f: {  	v3 =	vadd.s32 $0x2, v3  }
0x150: {  	v3 =	vbroadcast v3, $0x0;
	_ =	sdelay $0x1  }
0x151: {  	v2 =	vmul.f32 v58, v2  }
0x152: {  	s28 =	sadd.s32 $0xFFFFFFFC, s23  }
0x153: {  	[tilespmem:s21+$0x10] =	vst v2;
	v2 =	vmov s28  }
0x154: {  	v2 =	vshrl.u32 v2, $0x3;
	v59 =	vld [tilespmem:s22+$0x20]  }
0x155: {  	v3 =	vld.idx.msk [tilespmem:v3+s15+$0x0], $0xffff;
	v2 =	vshll.u32 v2, v1  }
0x156: {  	v2 =	vadd.s32 $0x3, v2  }
0x157: {  	v2 =	vbroadcast v2, $0x0;
	_ =	sdelay $0x2  }
0x158: {  	v3 =	vmul.f32 v59, v3;
	_ =	sdelay $0x1  }
0x159: {  	s29 =	sadd.s32 $0xFFFFFFFD, s23;
	[tilespmem:s21+$0x20] =	vst v3  }
0x15a: {  	v3 =	vmov s29;
	v2 =	vld.idx.msk [tilespmem:v2+s15+$0x0], $0xffff  }
0x15b: {  	v3 =	vshrl.u32 v3, $0x3;
	v60 =	vld [tilespmem:s22+$0x30]  }
0x15c: {  	v3 =	vshll.u32 v3, v1  }
0x15d: {  	v3 =	vadd.s32 $0x4, v3  }
0x15e: {  	v3 =	vbroadcast v3, $0x0;
	_ =	sdelay $0x1  }
0x15f: {  	v2 =	vmul.f32 v60, v2  }
0x160: {  	s30 =	sadd.s32 $0xFFFFFFFE, s23  }
0x161: {  	[tilespmem:s21+$0x30] =	vst v2;
	v2 =	vmov s30  }
0x162: {  	v2 =	vshrl.u32 v2, $0x3;
	v61 =	vld [tilespmem:s22+$0x40]  }
0x163: {  	v3 =	vld.idx.msk [tilespmem:v3+s15+$0x0], $0xffff;
	v2 =	vshll.u32 v2, v1  }
0x164: {  	v2 =	vadd.s32 $0x5, v2  }
0x165: {  	v2 =	vbroadcast v2, $0x0;
	_ =	sdelay $0x2  }
0x166: {  	v3 =	vmul.f32 v61, v3;
	_ =	sdelay $0x1  }
0x167: {  	s31 =	sadd.s32 $0xFFFFFFFF, s23;
	[tilespmem:s21+$0x40] =	vst v3  }
0x168: {  	v3 =	vmov s31;
	v2 =	vld.idx.msk [tilespmem:v2+s15+$0x0], $0xffff  }
0x169: {  	v3 =	vshrl.u32 v3, $0x3;
	v62 =	vld [tilespmem:s22+$0x50]  }
0x16a: {  	v3 =	vshll.u32 v3, v1  }
0x16b: {  	v3 =	vadd.s32 $0x6, v3  }
0x16c: {  	v3 =	vbroadcast v3, $0x0;
	_ =	sdelay $0x1  }
0x16d: {  	v2 =	vmul.f32 v62, v2;
	_ =	sdelay $0x1  }
0x16e: {  	[tilespmem:s21+$0x50] =	vst v2;
	v2 =	vmov s23  }
0x16f: {  	v2 =	vshrl.u32 v2, $0x3;
	v63 =	vld [tilespmem:s22+$0x60]  }
0x170: {  	v3 =	vld.idx.msk [tilespmem:v3+s15+$0x0], $0xffff;
	v2 =	vshll.u32 v2, v1  }
0x171: {  	v2 =	vadd.s32 $0x7, v2  }
0x172: {  	v2 =	vbroadcast v2, $0x0;
	_ =	sdelay $0x2  }
0x173: {  	v3 =	vmul.f32 v63, v3;
	_ =	sdelay $0x1  }
0x174: {  	[tilespmem:s21+$0x60] =	vst v3  }
0x175: {  	v2 =	vld.idx.msk [tilespmem:v2+s15+$0x0], $0xffff  }
0x176: {  	v3 =	vld [tilespmem:s22+$0x70];
	_ =	sdelay $0x4  }
0x177: {  	s20 =	sadd.s32 $0x1, s20;
	v2 =	vmul.f32 v3, v2  }
0x178: {  	p0 =	sne.s32 s20, $0x4F  }
.Ltmp2:
0x179: {  	[tilespmem:s21+$0x70] =	vst v2;
	(pc) =	sbr.rel @p0 .LBB2_4-.Ltmp2, $4  }
0x17a: {  	[spmem:s2] =	stream.indirect.scatter.add.f32 [tilespmem:s18], [sflag:$0x2], $0x10, s14, s14, $0xb8;
	[tilespmem:$0x6180] =	vst v63  }
0x17b: {  	_ =	swait.ge [sflag:s13], $0x800  }
0x17c: {  	[sflag:s13] =	ssyncset.done $0x0  }
0x17d: {  	[sflag:s13] =	ssyncadd.s32 $0xFFFFF800  }
0x17e: {  	s19 =	sadd.s32 $0x1, s19  }
0x17f: {  	s20 =	sshll.u32 s1, $0x6;
	[bflag:$0x0] =	sbarrier.arrive $0xFFFF;
	p0 =	sne.s32 s19, s11  }
.Ltmp3:
0x180: {  	s21 =	sshrl.u32 s9, $0x3;
	s20 =	sor.u32 $0x1C02, s20;
	(pc) =	sbr.rel @p0 .LBB2_1-.Ltmp3, $4  }
0x181: {  	[hbm:s10], [sflag:s20] =	dma.local [spmem:s21], $0x500  }
0x182: {  	_ =	swait.ge [sflag:s13], $0x500  }
0x183: {  	[sflag:s13] =	ssyncset.done $0x0  }
0x184: {  	[sflag:s13] =	ssyncadd.s32 $0xFFFFFB00  }
0x185: {  	_ =	sfence.sel $0x180000  }
0x186: {  	[bflag:$0x0] =	sbarrier.arrive $0xFFFF  }
0x187: {  	p0 =	sne.s32 s1, $0x0;
	_ =	strace $0x9000004D  }
0x188: {  	s0 =	sadd.s32 @!p0 $0x100000, s0;
	[bflag:$0x2] =	sbarrier.arrive $0xFFFF  }
0x189: {  	[sflag:s0] =	ssyncadd.tile.s32 @!p0 $0x1;
	_ =	shalt  }
.Lfunc_end2:
_tile_overlayer_lowered:
.L_overlay_start_2:
0x18a: {  	(tag) =	ssettag $0x2  }
0x18b: {  	s0 =	rddreg [dreg:$0x0];
	s2 =	stileid.u32  }
0x18c: {  	s1 =	rddreg [dreg:$0x1];
	p0 =	sne.s32 s2, $0x0  }
0x18d: {  	s3 =	rddreg [dreg:$0x2];
	[bflag:$0x3] =	sbarrier.arrive $0xFFFF;
	s2 =	simm.s32 @!p0 $0x1C02  }
0x18e: {  	[timem:s3], [sflag:s2] =	dma.local @!p0 [hbm:s0], s1  }
0x18f: {  	s0 =	simm.s32 @!p0 $0x2  }
0x190: {  	_ =	swait.ge @!p0 [sflag:s0], s1  }
0x191: {  	s1 =	ssub.s32 @!p0 $0x0, s1;
	[sflag:s0] =	ssyncset.done @!p0 $0x0  }
0x192: {  	[sflag:s0] =	ssyncadd.s32 @!p0 s1  }
0x193: {  	[bflag:$0x3] =	sbarrier.arrive $0xFFFF  }
0x194: {  	_ =	shalt  }

// kernel: kernel.8.cloned.1.call-start
scs
__scs_entry_jumppad:
0x0: {  	(pc) =	sbr.rel $0x88, $3  }
0x1: {  	(tag) =	ssettag $0x0;
	lr =	simm.s32 $0x1  }
0x2: {  	[smem:$0x3F9A] =	sst lr;
	_ =	strace $0xD0000000  }
0x3: {  	_ = 	snop  }
0x4: {  	_ = 	snop  }
0x5: {  	_ = 	snop  }
0x6: {  	_ = 	snop  }
0x7: {  	_ = 	snop  }
__scs_overlays_trampoline_lowered:
0x8: {  	[smem:$0x3FA9] =	sst s0  }
0x9: {  	[smem:$0x3FAA] =	sst s1  }
0xa: {  	[smem:$0x3FAB] =	sst s2  }
0xb: {  	[smem:$0x3FAC] =	sst s3  }
0xc: {  	[smem:$0x3FAD] =	sst s4  }
0xd: {  	[smem:$0x3FAE] =	sst s5  }
0xe: {  	[smem:$0x3FAF] =	sst s6  }
0xf: {  	[smem:$0x3FB0] =	sst s7  }
0x10: {  	[smem:$0x3FB1] =	sst s8  }
0x11: {  	[smem:$0x3FB2] =	sst s9;
	s0 =	simm.s32 @!p0 $0x0  }
0x12: {  	s1 =	sld [smem:$0x3F98];
	s0 =	simm.s32 @p0 $0x1  }
0x13: {  	[smem:$0x3FB3] =	sst s0;
	s0 =	simm.s32 @!p1 $0x0  }
0x14: {  	s2 =	sld [smem:$0x3F97];
	s0 =	simm.s32 @p1 $0x1  }
0x15: {  	[smem:$0x3FB4] =	sst s0;
	s0 =	simm.s32 @!p2 $0x0  }
0x16: {  	s3 =	sld [smem:$0x3FDB];
	s0 =	simm.s32 @p2 $0x1  }
0x17: {  	s4 =	simm.s32 $0x1BF5;
	[smem:$0x3FB6] =	sst s0  }
0x18: {  	s0 =	sld [smem:$0x3F99];
	_ =	swait.ge [sflag:s4], $0x0  }
0x19: {  	s7 =	sld [smem:$0x3F9A]  }
0x1a: {  	s8 =	sadd.s32 $0xFFFFE003, lr  }
0x1b: {  	s9 =	sadd.s32 $0xFFFFFEF7, lr;
	s5 =	simm.s32 $0xFFFFFFFF;
	p2 =	slt.u32 s8, $0xFFFFF086  }
0x1c: {  	p1 =	slt.u32 s9, $0xF7A;
	s5 =	simm.s32 @!p2 $0x0  }
0x1d: {  	s5 =	simm.s32 @p1 $0x1;
	p0 =	seq.s32 s7, s2  }
0x1e: {  	s7 =	smul.u32 @!p0 $0xF7A, s2;
	p2 =	seq.s32 @!p0 s5, $0x0  }
0x1f: {  	s9 =	smul.u32 $0xF7A, s1;
	s8 =	simm.s32 @!p0 $0x1BF5;
	p2 =	por !p2, p0  }
0x20: {  	[sflag:s8] =	ssyncset.s32 @!p0 $0xFFFFF086;
	s6 =	sadd.s32 @!p0 s3, s7;
	s7 =	simm.s32 @!p0 $0x108  }
0x21: {  	s3 =	sadd.s32 s3, s9;
	s6 =	sadd.s32 @!p0 $0x88, s6;
	s7 =	simm.s32 @p2 $0x1082  }
0x22: {  	[simem:s7], [sflag:s8] =	dma.local @!p0 [hbm:s6], $0xF7A  }
0x23: {  	s9 =	sor.u32 $0xD0000000, s2;
	s6 =	simm.s32 $0x108;
	_ =	swait.ge @!p0 [sflag:s8], $0x0  }
0x24: {  	s3 =	sadd.s32 $0x88, s3;
	s6 =	simm.s32 @!p1 $0x1082;
	[sflag:s4] =	ssyncset.s32 $0xFFFFF086  }
0x25: {  	[simem:s6], [sflag:s4] =	dma.local [hbm:s3], $0xF7A  }
0x26: {  	[smem:$0x3F9A] =	sst s1;
	(tag) =	ssettag s2;
	_ =	strace s9  }
0x27: {  	s1 =	sld [smem:$0x3FAA]  }
0x28: {  	s2 =	sld [smem:$0x3FAB]  }
0x29: {  	s4 =	sld [smem:$0x3FAD]  }
0x2a: {  	p0 =	seq.s32 s5, $0x0;
	s5 =	sld [smem:$0x3FAE]  }
0x2b: {  	s6 =	sld [smem:$0x3FAF]  }
0x2c: {  	s7 =	sld [smem:$0x3FB0]  }
0x2d: {  	s3 =	simm.s32 $0x108;
	s8 =	sld [smem:$0x3FB1]  }
0x2e: {  	s3 =	simm.s32 @!p0 $0x1082;
	s9 =	sld [smem:$0x3FB2]  }
0x2f: {  	lr =	sadd.s32 s0, s3;
	s0 =	sld [smem:$0x3FA9]  }
0x30: {  	s3 =	sld [smem:$0x3FAC]  }
0x31: {  	[smem:$0x3FB5] =	sst s10  }
0x32: {  	s10 =	sld [smem:$0x3FB3];
	_ =	sdelay $0x3  }
0x33: {  	p0 =	seq.s32 s10, $0x1;
	s10 =	sld [smem:$0x3FB5];
	_ =	sdelay $0x3  }
0x34: {  	[smem:$0x3FB5] =	sst s10  }
0x35: {  	s10 =	sld [smem:$0x3FB4];
	_ =	sdelay $0x3  }
0x36: {  	p1 =	seq.s32 s10, $0x1;
	s10 =	sld [smem:$0x3FB5];
	_ =	sdelay $0x3  }
0x37: {  	[smem:$0x3FB5] =	sst s10  }
0x38: {  	s10 =	sld [smem:$0x3FB6]  }
0x39: {  	_ = 	snop;
	(pc) =	sbr.ind lr, $3  }
0x3a: {  	_ = 	snop  }
0x3b: {  	_ = 	snop  }
0x3c: {  	p2 =	seq.s32 s10, $0x1;
	s10 =	sld [smem:$0x3FB5]  }
0x3d: {  	_ =	shalt  }
0x3e: {  	_ =	shalt  }
0x3f: {  	_ =	shalt  }
0x40: {  	_ =	shalt  }
0x41: {  	_ =	shalt  }
0x42: {  	_ =	shalt  }
0x43: {  	_ =	shalt  }
0x44: {  	_ =	shalt  }
0x45: {  	_ =	shalt  }
0x46: {  	_ =	shalt  }
0x47: {  	_ =	shalt  }
0x48: {  	_ =	shalt  }
0x49: {  	_ =	shalt  }
0x4a: {  	_ =	shalt  }
0x4b: {  	_ =	shalt  }
0x4c: {  	_ =	shalt  }
0x4d: {  	_ =	shalt  }
0x4e: {  	_ =	shalt  }
0x4f: {  	_ =	shalt  }
0x50: {  	_ =	shalt  }
0x51: {  	_ =	shalt  }
0x52: {  	_ =	shalt  }
0x53: {  	_ =	shalt  }
0x54: {  	_ =	shalt  }
0x55: {  	_ =	shalt  }
0x56: {  	_ =	shalt  }
0x57: {  	_ =	shalt  }
0x58: {  	_ =	shalt  }
0x59: {  	_ =	shalt  }
0x5a: {  	_ =	shalt  }
0x5b: {  	_ =	shalt  }
0x5c: {  	_ =	shalt  }
0x5d: {  	_ =	shalt  }
0x5e: {  	_ =	shalt  }
0x5f: {  	_ =	shalt  }
0x60: {  	_ =	shalt  }
0x61: {  	_ =	shalt  }
0x62: {  	_ =	shalt  }
0x63: {  	_ =	shalt  }
0x64: {  	_ =	shalt  }
0x65: {  	_ =	shalt  }
0x66: {  	_ =	shalt  }
0x67: {  	_ =	shalt  }
0x68: {  	_ =	shalt  }
0x69: {  	_ =	shalt  }
0x6a: {  	_ =	shalt  }
0x6b: {  	_ =	shalt  }
0x6c: {  	_ =	shalt  }
0x6d: {  	_ =	shalt  }
0x6e: {  	_ =	shalt  }
0x6f: {  	_ =	shalt  }
0x70: {  	_ =	shalt  }
0x71: {  	_ =	shalt  }
0x72: {  	_ =	shalt  }
0x73: {  	_ =	shalt  }
0x74: {  	_ =	shalt  }
0x75: {  	_ =	shalt  }
0x76: {  	_ =	shalt  }
0x77: {  	_ =	shalt  }
0x78: {  	_ =	shalt  }
0x79: {  	_ =	shalt  }
0x7a: {  	_ =	shalt  }
0x7b: {  	_ =	shalt  }
0x7c: {  	_ =	shalt  }
0x7d: {  	_ =	shalt  }
0x7e: {  	_ =	shalt  }
0x7f: {  	_ =	shalt  }
0x80: {  	_ =	shalt  }
0x81: {  	_ =	shalt  }
0x82: {  	_ =	shalt  }
0x83: {  	_ =	shalt  }
0x84: {  	_ =	shalt  }
0x85: {  	_ =	shalt  }
0x86: {  	_ =	shalt  }
0x87: {  	_ =	shalt  }
.Lfunc_end0:
.L_simem_size_0:
called_computation_lowered:
.L_overlay_start_0:
0x88: {  	s2 =	sld [smem:$0x3FD9]  }
0x89: {  	s3 =	sld [smem:$0x3FFE];
	_ =	sdelay $0x1  }
0x8a: {  	s1 =	srdreg.scid  }
0x8b: {  	s0 =	sand.u32 $0x1, s1  }
0x8c: {  	s14 =	sshll.u32 s0, $0xA;
	s2 =	sadd.s32 s3, s2  }
0x8d: {  	s2 =	sadd.s32 s2, s14  }
0x8e: {  	[smem:$0x3FC1] =	sst s2  }
0x8f: {  	_ = 	snop  }
0x90: {  	s2 =	sld [smem:$0x3FD0];
	_ =	sdelay $0x2  }
0x91: {  	s15 =	simm.s32 $0xA;
	s4 =	simm.s32 $0x10  }
0x92: {  	[smem:s4], [sflag:s15] =	dma.local [hbm:s2], $0x1  }
0x93: {  	_ =	swait.eq [sflag:s15], $0x1  }
0x94: {  	[sflag:s15] =	ssyncset.done $0x0  }
0x95: {  	s16 =	sld [smem:$0x10];
	[sflag:s15] =	ssyncadd.s32 $0xFFFFFFFF  }
0x96: {  	s17 =	sld [smem:$0x11];
	(tm) =	ssettm $0x1  }
0x97: {  	s18 =	sld [smem:$0x3FFB];
	_ =	sdelay $0x3  }
0x98: {  	_ =	strace s18  }
0x99: {  	s4 =	sld [smem:$0x3FFC];
	_ =	sdelay $0x3  }
0x9a: {  	_ =	strace s4  }
0x9b: {  	s4 =	sld [smem:$0x3FFD];
	_ =	sdelay $0x3  }
0x9c: {  	_ =	strace s4  }
0x9d: {  	_ =	strace $0x8FFFFFFF  }
0x9e: {  	s19 =	sld [smem:$0x3FDB];
	_ =	sdelay $0x1  }
0x9f: {  	s5 =	simm.s32 $_scs_section_size  }
0xa0: {  	s6 =	simm.s32 $_size__tile_overlayer_lowered;
	s7 =	simm.s32 $_tile_overlayer_lowered  }
0xa1: {  	s22 =	simm.s32 $0x1BFF;
	s21 =	sshll.u32 s7, $0x1;
	s4 =	sadd.s32 s5, s19  }
0xa2: {  	s8 =	simm.s32 $0x0;
	s20 =	sshll.u32 s6, $0x1;
	s6 =	sadd.s32 s21, s4  }
0xa3: {  	[timem:s8], [sflag:s22] =	dma.local [hbm:s6], s20  }
0xa4: {  	_ =	swait.ge [sflag:s22], s20  }
0xa5: {  	s5 =	ssub.s32 $0x0, s20;
	[sflag:s22] =	ssyncset.done $0x0  }
0xa6: {  	[sflag:s22] =	ssyncadd.s32 s5;
	_ =	sdelay $0x1  }
0xa7: {  	s23 =	simm.s32 $0x1B8B  }
0xa8: {  	_ =	swait.ge [sflag:s23], $0x1  }
0xa9: {  	[sflag:s23] =	ssyncset.done $0x0  }
0xaa: {  	s25 =	simm.s32 $0x1B8E;
	s24 =	sld [smem:$0x3FFE];
	[sflag:s23] =	ssyncadd.s32 $0xFFFFFFFF  }
0xab: {  	s26 =	simm.s32 $execute0_lowered;
	[smem:$0x3FD2] =	sst s25  }
0xac: {  	s6 =	sshll.u32 s26, $0x1;
	_ =	strace $0x80000046;
	[dreg:$0x1] =	wrdreg $0xFFFFFFFF  }
0xad: {  	s28 =	simm.s32 $_size_execute0_lowered;
	s4 =	sadd.s32 s4, s6;
	[dreg:$0x0] =	wrdreg $0x0  }
0xae: {  	s6 =	sshll.u32 s28, $0x1;
	[dreg:$0x2] =	wrdreg s4  }
0xaf: {  	[dreg:$0x3] =	wrdreg s6  }
0xb0: {  	[dreg:$0x4] =	wrdreg $0xC0  }
0xb1: {  	_ =	task [dreg:s8], $0x5FFFF  }
0xb2: {  	[dreg:$0x1] =	wrdreg $0xFFFFFFFF  }
0xb3: {  	[dreg:$0x0] =	wrdreg $0x60  }
0xb4: {  	[dreg:$0x2] =	wrdreg s16  }
0xb5: {  	[dreg:$0x3] =	wrdreg s24  }
0xb6: {  	[dreg:$0x4] =	wrdreg s17  }
0xb7: {  	[dreg:$0x5] =	wrdreg $0x3800  }
0xb8: {  	[dreg:$0x6] =	wrdreg $0x9  }
0xb9: {  	_ =	task.clear_ibuf [dreg:s8], $0x7FFFF;
	_ =	strace $0x90000046  }
0xba: {  	s29 =	simm.s32 $0x9;
	_ =	strace $0x80000048  }
0xbb: {  	_ =	swait.ge [sflag:s29], $0x1  }
0xbc: {  	[sflag:s29] =	ssyncadd.s32 $0xFFFFFFFF  }
0xbd: {  	_ =	strace $0x90000048  }
0xbe: {  	_ =	sfence  }
0xbf: {  	s30 =	sld [smem:$0x0];
	_ =	sdelay $0x2  }
0xc0: {  	s31 =	sshll.u32 s1, $0xD;
	s1 =	sshrl.u32 s1, $0x2  }
0xc1: {  	s3 =	sand.u32 $0x4000, s31;
	s1 =	sadd.s32 s1, s30  }
0xc2: {  	s0 =	sor.u32 s3, s0;
	s1 =	sshll.u32 s1, $0x11  }
0xc3: {  	s0 =	sor.u32 s1, s0  }
0xc4: {  	s0 =	sadd.s32 $0x8F2B, s0  }
0xc5: {  	[sflag:s0] =	ssyncadd.remote.s32 $0x1  }
0xc6: {  	_ =	sfence.sel $0xFFFF  }
0xc7: {  	[dreg:$0x0] =	wrdreg $0xFFFFFFFF;
	(pc) =	sbr.abs _section_cstart, $3  }
0xc8: {  	[dreg:$0x1] =	wrdreg $0xFFFFFFFF  }
0xc9: {  	_ =	task.clear_ibuf [dreg:s8], $0x2FFFF;
	_ =	strace $0x9FFFFFFF  }
0xca: {  	(tm) =	ssettm $0x7FFFFFFF  }
0xcb: {  	_ =	shalt  }
tec
execute0_lowered:
.L_overlay_start_1:
0x0: {  	(tag) =	ssettag $0x1  }
0x1: {  	s6 =	rddreg [dreg:$0x0]  }
0x2: {  	s4 =	rddreg [dreg:$0x1]  }
0x3: {  	s5 =	rddreg [dreg:$0x2]  }
0x4: {  	s1 =	rddreg [dreg:$0x3]  }
0x5: {  	s2 =	srdreg.scid;
	s0 =	rddreg [dreg:$0x4]  }
0x6: {  	s3 =	simm.s32 $0x0;
	s14 =	simm.s32 $0x20;
	s7 =	sand.u32 $0x1, s2  }
0x7: {  	s15 =	simm.s32 $0x10;
	s2 =	stileid.u32;
	s8 =	smul.u32 $0x4F00, s7  }
0x8: {  	s16 =	simm.s32 $0x0;
	[smem:$0x7FF] =	sst s3;
	s9 =	smul.u32 $0xA00, s2  }
0x9: {  	_ =	strace $0x80000047;
	s10 =	ssub.s32 $0x2, s7;
	s11 =	smul.u32 $0x500, s2  }
0xa: {  	s7 =	sshll.u32 s7, $0x7;
	s28 =	smul.u32 $0x4F0, s2;
	s31 =	sshll.u32 s2, $0x6  }
0xb: {  	s26 =	sshrl.u32 s10, $0x1;
	s12 =	sadd.s32 s8, s4;
	s9 =	sshrl.u32 s9, $0x2  }
0xc: {  	s7 =	sor.u32 s7, s11;
	s10 =	ssub.s32 s10, s26;
	s29 =	sadd.s32 s8, s6  }
0xd: {  	s11 =	simm.s32 $0x80;
	s4 =	sadd.s32 s9, s1;
	s7 =	sshrl.u32 s7, $0x3  }
0xe: {  	s30 =	sadd.s32 s28, s12;
	s6 =	smax.u32 s10, $0x1;
	s9 =	simm.s32 $0x100  }
0xf: {  	s10 =	simm.s32 $0x1;
	s12 =	sor.u32 $0x1C01, s31;
	s5 =	sadd.s32 s5, s7  }
0x10: {  	v0 =	vimm.f32 $0.0e+00;
	s7 =	sadd.s32 s28, s29;
	s8 =	sadd.s32 $0x2800, s30;
	s13 =	sshrl.u32 s4, $0x3  }
.LBB2_1:
0x11: {  	[tilespmem:$0x100] =	vst v0  }
0x12: {  	[tilespmem:$0x110] =	vst v0  }
0x13: {  	[tilespmem:$0x120] =	vst v0  }
0x14: {  	[tilespmem:$0x130] =	vst v0  }
0x15: {  	[tilespmem:$0x140] =	vst v0  }
0x16: {  	[tilespmem:$0x150] =	vst v0  }
0x17: {  	[tilespmem:$0x160] =	vst v0  }
0x18: {  	[tilespmem:$0x170] =	vst v0  }
0x19: {  	[tilespmem:$0x180] =	vst v0  }
0x1a: {  	[tilespmem:$0x190] =	vst v0  }
0x1b: {  	[tilespmem:$0x1A0] =	vst v0  }
0x1c: {  	[tilespmem:$0x1B0] =	vst v0  }
0x1d: {  	[tilespmem:$0x1C0] =	vst v0  }
0x1e: {  	[tilespmem:$0x1D0] =	vst v0  }
0x1f: {  	[tilespmem:$0x1E0] =	vst v0  }
0x20: {  	[tilespmem:$0x1F0] =	vst v0  }
0x21: {  	[tilespmem:$0x200] =	vst v0  }
0x22: {  	[tilespmem:$0x210] =	vst v0  }
0x23: {  	[tilespmem:$0x220] =	vst v0  }
0x24: {  	[tilespmem:$0x230] =	vst v0  }
0x25: {  	[tilespmem:$0x240] =	vst v0  }
0x26: {  	[tilespmem:$0x250] =	vst v0  }
0x27: {  	[tilespmem:$0x260] =	vst v0  }
0x28: {  	[tilespmem:$0x270] =	vst v0  }
0x29: {  	[tilespmem:$0x280] =	vst v0  }
0x2a: {  	[tilespmem:$0x290] =	vst v0  }
0x2b: {  	[tilespmem:$0x2A0] =	vst v0  }
0x2c: {  	[tilespmem:$0x2B0] =	vst v0  }
0x2d: {  	[tilespmem:$0x2C0] =	vst v0  }
0x2e: {  	[tilespmem:$0x2D0] =	vst v0  }
0x2f: {  	[tilespmem:$0x2E0] =	vst v0  }
0x30: {  	[tilespmem:$0x2F0] =	vst v0  }
0x31: {  	[tilespmem:$0x300] =	vst v0  }
0x32: {  	[tilespmem:$0x310] =	vst v0  }
0x33: {  	[tilespmem:$0x320] =	vst v0  }
0x34: {  	[tilespmem:$0x330] =	vst v0  }
0x35: {  	[tilespmem:$0x340] =	vst v0  }
0x36: {  	[tilespmem:$0x350] =	vst v0  }
0x37: {  	[tilespmem:$0x360] =	vst v0  }
0x38: {  	[tilespmem:$0x370] =	vst v0  }
0x39: {  	[spmem:s4] =	stream.linear.scatter [tilespmem:s9], [sflag:$0x1], $0x280, $0x38;
	[tilespmem:$0x600] =	vst v63  }
0x3a: {  	_ =	swait.ge [sflag:s10], $0x280  }
0x3b: {  	[sflag:s10] =	ssyncset.done $0x0  }
0x3c: {  	[sflag:s10] =	ssyncadd.s32 $0xFFFFFD80  }
0x3d: {  	s17 =	sadd.s32 $0x0, s7;
	[bflag:$0x0] =	sbarrier.arrive $0xFFFF  }
0x3e: {  	[tilespmem:s3], [sflag:$0x1] =	stream.linear.gather [hbm4b:s17+s3], $0x80, $0x38;
	[tilespmem:$0x600] =	vst v63  }
0x3f: {  	_ =	swait.ge [sflag:s10], $0x80  }
0x40: {  	[sflag:s10] =	ssyncset.done $0x0  }
0x41: {  	s31 =	sadd.s32 $0x0, s8;
	[sflag:s10] =	ssyncadd.s32 $0xFFFFFF80  }
0x42: {  	[tilespmem:s11], [sflag:$0x1] =	stream.linear.gather [hbm4b:s31+s3], $0x80, $0x38;
	[tilespmem:$0x600] =	vst v63  }
0x43: {  	_ =	swait.ge [sflag:s10], $0x80  }
0x44: {  	[sflag:s10] =	ssyncset.done $0x0  }
0x45: {  	[sflag:s10] =	ssyncadd.s32 $0xFFFFFF80  }
0x46: {  	[spmem:s1] =	stream.indirect.scatter.add.f32 [tilespmem:s11], [sflag:$0x1], $0x1, s3, s11, $0xb8;
	[tilespmem:$0x600] =	vst v63  }
0x47: {  	_ =	swait.ge [sflag:s10], $0x80  }
0x48: {  	s18 =	simm.s32 $0x20;
	s17 =	simm.s32 $0x10;
	[sflag:s10] =	ssyncset.done $0x0  }
.LBB2_2:
0x49: {  	s19 =	sadd.s32 s17, s7  }
0x4a: {  	[sflag:s10] =	ssyncadd.s32 $0xFFFFFF80;
	s20 =	smov.u32 s18;
	s21 =	sadd.s32 $0x10, s18  }
0x4b: {  	[tilespmem:s3], [sflag:$0x1] =	stream.linear.gather [hbm4b:s19+s3], $0x80, $0x38;
	[tilespmem:$0x600] =	vst v63  }
0x4c: {  	p0 =	sne.s32 s18, $0x4E0;
	_ =	swait.ge [sflag:s10], $0x80  }
0x4d: {  	[sflag:s10] =	ssyncset.done $0x0  }
0x4e: {  	s18 =	sadd.s32 s17, s8;
	s17 =	smov.u32 s20;
	[sflag:s10] =	ssyncadd.s32 $0xFFFFFF80  }
0x4f: {  	[tilespmem:s11], [sflag:$0x1] =	stream.linear.gather [hbm4b:s18+s3], $0x80, $0x38;
	[tilespmem:$0x600] =	vst v63  }
0x50: {  	_ =	swait.ge [sflag:s10], $0x80  }
.Ltmp0:
0x51: {  	[sflag:s10] =	ssyncset.done $0x0;
	(pc) =	sbr.rel @p0 .LBB2_2-.Ltmp0, $4  }
0x52: {  	[sflag:s10] =	ssyncadd.s32 $0xFFFFFF80  }
0x53: {  	[spmem:s1] =	stream.indirect.scatter.add.f32 [tilespmem:s11], [sflag:$0x1], $0x1, s3, s11, $0xb8;
	[tilespmem:$0x600] =	vst v63  }
0x54: {  	_ =	swait.ge [sflag:s10], $0x80  }
0x55: {  	s18 =	smov.u32 s21;
	[sflag:s10] =	ssyncset.done $0x0  }
0x56: {  	s18 =	sadd.s32 s17, s7;
	[sflag:s10] =	ssyncadd.s32 $0xFFFFFF80  }
0x57: {  	[tilespmem:s3], [sflag:$0x1] =	stream.linear.gather [hbm4b:s18+s3], $0x80, $0x38;
	[tilespmem:$0x600] =	vst v63  }
0x58: {  	_ =	swait.ge [sflag:s10], $0x80  }
0x59: {  	[sflag:s10] =	ssyncset.done $0x0  }
0x5a: {  	s31 =	sadd.s32 s17, s8;
	[sflag:s10] =	ssyncadd.s32 $0xFFFFFF80  }
0x5b: {  	[tilespmem:s11], [sflag:$0x1] =	stream.linear.gather [hbm4b:s31+s3], $0x80, $0x38;
	[tilespmem:$0x600] =	vst v63  }
0x5c: {  	_ =	swait.ge [sflag:s10], $0x80  }
0x5d: {  	[sflag:s10] =	ssyncset.done $0x0  }
0x5e: {  	[sflag:s10] =	ssyncadd.s32 $0xFFFFFF80  }
0x5f: {  	[spmem:s1] =	stream.indirect.scatter.add.f32 [tilespmem:s11], [sflag:$0x1], $0x1, s3, s11, $0xb8;
	[tilespmem:$0x600] =	vst v63  }
0x60: {  	_ =	swait.ge [sflag:s10], $0x80  }
0x61: {  	s16 =	sadd.s32 $0x1, s16;
	[sflag:s10] =	ssyncset.done $0x0  }
0x62: {  	p0 =	sne.s32 s16, s6;
	[sflag:s10] =	ssyncadd.s32 $0xFFFFFF80  }
.Ltmp1:
0x63: {  	[bflag:$0x0] =	sbarrier.arrive $0xFFFF;
	(pc) =	sbr.rel @p0 .LBB2_1-.Ltmp1, $4  }
0x64: {  	[hbm:s5@s14], [sflag:s12] =	dma.strided [spmem:s13@s15], $0x50, s10, $0x10   }
0x65: {  	_ =	swait.ge [sflag:s10], $0x50  }
0x66: {  	[sflag:s10] =	ssyncset.done $0x0  }
0x67: {  	[sflag:s10] =	ssyncadd.s32 $0xFFFFFFB0  }
0x68: {  	_ =	sfence.sel $0x180000  }
0x69: {  	[bflag:$0x0] =	sbarrier.arrive $0xFFFF  }
0x6a: {  	p0 =	sne.s32 s2, $0x0;
	_ =	strace $0x90000047  }
0x6b: {  	s0 =	sadd.s32 @!p0 $0x100000, s0;
	[bflag:$0x2] =	sbarrier.arrive $0xFFFF  }
0x6c: {  	[sflag:s0] =	ssyncadd.tile.s32 @!p0 $0x1;
	_ =	shalt  }
.Lfunc_end2:
_tile_overlayer_lowered:
.L_overlay_start_2:
0x6d: {  	(tag) =	ssettag $0x2  }
0x6e: {  	s0 =	rddreg [dreg:$0x0];
	s2 =	stileid.u32  }
0x6f: {  	s1 =	rddreg [dreg:$0x1];
	p0 =	sne.s32 s2, $0x0  }
0x70: {  	s3 =	rddreg [dreg:$0x2];
	[bflag:$0x3] =	sbarrier.arrive $0xFFFF;
	s2 =	simm.s32 @!p0 $0x1C01  }
0x71: {  	[timem:s3], [sflag:s2] =	dma.local @!p0 [hbm:s0], s1  }
0x72: {  	s0 =	simm.s32 @!p0 $0x1  }
0x73: {  	_ =	swait.ge @!p0 [sflag:s0], s1  }
0x74: {  	s1 =	ssub.s32 @!p0 $0x0, s1;
	[sflag:s0] =	ssyncset.done @!p0 $0x0  }
0x75: {  	[sflag:s0] =	ssyncadd.s32 @!p0 s1  }
0x76: {  	[bflag:$0x3] =	sbarrier.arrive $0xFFFF  }
0x77: {  	_ =	shalt  }

</sc_bundles>
